<compile_context>
chip_gen: v7x
topology: tpu7x:2x2x1
jax: 0.10.2.dev20260603
libtpu: 0.0.44.dev20260713+nightly
codegen_flags: <defaults>
</compile_context>

<pallas_src>
import functools

import jax
import jax.numpy as jnp
from jax import lax
from jax.experimental import pallas as pl
from jax.experimental.pallas import tpu as pltpu
from jax.experimental.pallas import tpu_sc as plsc

N_NODES = 100000
N_PAD = 100352
N_EDGES = 6400000
NC, NS = 2, 16
NW = NC * NS
EPW = N_EDGES // NW
C = 2000
NCHUNK = EPW // C
RSTG = N_PAD // NS
HSTG = RSTG // 4
NPW = N_PAD // NW

_mesh = plsc.VectorSubcoreMesh(
    core_axis_name="c", subcore_axis_name="s", num_cores=NC, num_subcores=NS
)


@functools.partial(
    pl.kernel,
    out_type=(
        jax.ShapeDtypeStruct((NC * N_PAD,), jnp.float32),
        jax.ShapeDtypeStruct((NC * N_PAD,), jnp.float32),
    ),
    mesh=_mesh,
    scratch_types=[
        pltpu.VMEM_SHARED((N_PAD,), jnp.float32),
        pltpu.VMEM_SHARED((N_PAD,), jnp.float32),
        pltpu.VMEM_SHARED((N_PAD,), jnp.float32),
        pltpu.VMEM_SHARED((N_PAD,), jnp.float32),
        [pltpu.VMEM((C,), jnp.int32)] * 2,
        [pltpu.VMEM((C,), jnp.int32)] * 4,
        [pltpu.VMEM((C,), jnp.float32)] * 4,
        [pltpu.VMEM((C,), jnp.float32)] * 2,
        [pltpu.VMEM((C,), jnp.float32)] * 2,
        [pltpu.VMEM((C,), jnp.float32)] * 2,
        [pltpu.VMEM((C,), jnp.float32)] * 2,
        pltpu.VMEM((64,), jnp.float32),
        [pltpu.SemaphoreType.DMA] * 2,
        [pltpu.SemaphoreType.DMA] * 2,
        [pltpu.SemaphoreType.DMA] * 2,
    ],
)
def _scatter_kernel(n0_hbm, n1_hbm, wb_hbm, src_hbm, tgt_hbm, wgt_hbm,
                    out0_hbm, out1_hbm,
                    n0_sh, n1_sh, a0_sh, a1_sh,
                    src_v, tgt_v, w_v, s0_v, s1_v, m0_v, m1_v, wb_v,
                    sem_lin, sem_g, sem_s):
    cid = lax.axis_index("c")
    sid = lax.axis_index("s")
    wid = cid * NS + sid
    fz = jnp.zeros((16,), jnp.float32)

    ro = sid * RSTG
    for h in range(4):
        o = ro + h * HSTG
        pltpu.sync_copy(n0_hbm.at[pl.ds(o, HSTG)], s0_v[0].at[pl.ds(0, HSTG)])
        pltpu.sync_copy(s0_v[0].at[pl.ds(0, HSTG)], n0_sh.at[pl.ds(o, HSTG)])
        pltpu.sync_copy(n1_hbm.at[pl.ds(o, HSTG)], s1_v[0].at[pl.ds(0, HSTG)])
        pltpu.sync_copy(s1_v[0].at[pl.ds(0, HSTG)], n1_sh.at[pl.ds(o, HSTG)])

        @pl.when(cid == 0)
        def _():
            pltpu.sync_copy(s0_v[0].at[pl.ds(0, HSTG)], a0_sh.at[pl.ds(o, HSTG)])
            pltpu.sync_copy(s1_v[0].at[pl.ds(0, HSTG)], a1_sh.at[pl.ds(o, HSTG)])

    def zero_body(i, _):
        sl = pl.ds(i * 16, 16)
        m0_v[0][sl] = fz
        return 0
    lax.fori_loop(0, C // 16, zero_body, 0)

    @pl.when(cid != 0)
    def _():
        for h in range(4):
            o = ro + h * HSTG
            pltpu.sync_copy(m0_v[0].at[pl.ds(0, HSTG)], a0_sh.at[pl.ds(o, HSTG)])
            pltpu.sync_copy(m0_v[0].at[pl.ds(0, HSTG)], a1_sh.at[pl.ds(o, HSTG)])

    pltpu.sync_copy(wb_hbm, wb_v)
    plsc.subcore_barrier()

    w00 = wb_v[pl.ds(0, 16)]
    w01 = wb_v[pl.ds(16, 16)]
    w10 = wb_v[pl.ds(32, 16)]
    w11 = wb_v[pl.ds(48, 16)]

    base = wid * EPW

    def issue_lin(k, p, q):
        off = base + k * C
        pltpu.async_copy(src_hbm.at[pl.ds(off, C)], src_v[p], sem_lin[p])
        pltpu.async_copy(tgt_hbm.at[pl.ds(off, C)], tgt_v[q], sem_lin[p])
        pltpu.async_copy(wgt_hbm.at[pl.ds(off, C)], w_v[q], sem_lin[p])

    def wait_lin(p, q):
        pltpu.make_async_copy(src_hbm.at[pl.ds(0, C)], src_v[p], sem_lin[p]).wait()
        pltpu.make_async_copy(tgt_hbm.at[pl.ds(0, C)], tgt_v[q], sem_lin[p]).wait()
        pltpu.make_async_copy(wgt_hbm.at[pl.ds(0, C)], w_v[q], sem_lin[p]).wait()

    def issue_gather(p):
        pltpu.async_copy(n0_sh.at[src_v[p]], s0_v[p], sem_g[p])
        pltpu.async_copy(n1_sh.at[src_v[p]], s1_v[p], sem_g[p])

    def wait_gather(p):
        pltpu.make_async_copy(n0_sh.at[src_v[p]], s0_v[p], sem_g[p]).wait()
        pltpu.make_async_copy(n1_sh.at[src_v[p]], s1_v[p], sem_g[p]).wait()

    def issue_scatter(p, q):
        pltpu.async_copy(m0_v[p], a0_sh.at[tgt_v[q]], sem_s[p], add=True)
        pltpu.async_copy(m1_v[p], a1_sh.at[tgt_v[q]], sem_s[p], add=True)

    def wait_scatter(p, q):
        pltpu.make_async_copy(m0_v[p], a0_sh.at[tgt_v[q]], sem_s[p]).wait()
        pltpu.make_async_copy(m1_v[p], a1_sh.at[tgt_v[q]], sem_s[p]).wait()

    def compute(p, q):
        def vec_body(i, _):
            sl = pl.ds(i * 16, 16)
            s0 = s0_v[p][sl]
            s1 = s1_v[p][sl]
            w16 = w_v[q][sl]
            m0_v[p][sl] = w16 * (s0 * w00 + s1 * w10)
            m1_v[p][sl] = w16 * (s0 * w01 + s1 * w11)
            return 0
        lax.fori_loop(0, C // 16, vec_body, 0)

    issue_lin(0, 0, 0)
    issue_lin(1, 1, 1)
    wait_lin(0, 0)
    issue_gather(0)

    NSUP = NCHUNK // 4

    def super_body(j, _):
        for t in range(4):
            p, q = t % 2, t
            p1 = 1 - p
            q1, q2 = (t + 1) % 4, (t + 2) % 4
            wait_gather(p)

            if t < 3:
                wait_lin(p1, q1)
                issue_gather(p1)
            else:
                @pl.when(j < NSUP - 1)
                def _():
                    wait_lin(p1, q1)
                    issue_gather(p1)

            if t < 2:
                @pl.when(j >= 1)
                def _():
                    wait_scatter(p, q2)
            else:
                wait_scatter(p, q2)

            if t < 2:
                issue_lin(4 * j + t + 2, p, q2)
            else:
                @pl.when(j < NSUP - 1)
                def _():
                    issue_lin(4 * j + t + 2, p, q2)

            compute(p, q)
            issue_scatter(p, q)
        return 0
    lax.fori_loop(0, NSUP, super_body, 0)

    wait_scatter(0, 2)
    wait_scatter(1, 3)

    plsc.subcore_barrier()

    for h in range(4):
        o = ro + h * HSTG
        oo = cid * N_PAD + o
        pltpu.sync_copy(a0_sh.at[pl.ds(o, HSTG)], s0_v[0].at[pl.ds(0, HSTG)])
        pltpu.sync_copy(s0_v[0].at[pl.ds(0, HSTG)], out0_hbm.at[pl.ds(oo, HSTG)])
        pltpu.sync_copy(a1_sh.at[pl.ds(o, HSTG)], s1_v[0].at[pl.ds(0, HSTG)])
        pltpu.sync_copy(s1_v[0].at[pl.ds(0, HSTG)], out1_hbm.at[pl.ds(oo, HSTG)])


@functools.partial(
    pl.kernel,
    out_type=(
        jax.ShapeDtypeStruct((N_PAD,), jnp.float32),
        jax.ShapeDtypeStruct((N_PAD,), jnp.float32),
    ),
    mesh=_mesh,
    scratch_types=[
        pltpu.VMEM((NPW,), jnp.float32),
        pltpu.VMEM((NPW,), jnp.float32),
        pltpu.VMEM((NPW,), jnp.float32),
        pltpu.VMEM((NPW,), jnp.float32),
        pltpu.VMEM((NPW,), jnp.float32),
        pltpu.VMEM((NPW,), jnp.float32),
    ],
)
def _combine_kernel(p0_hbm, p1_hbm, out0_hbm, out1_hbm,
                    a0_v, a1_v, b0_v, b1_v, o0_v, o1_v):
    cid = lax.axis_index("c")
    sid = lax.axis_index("s")
    wid = cid * NS + sid
    off = wid * NPW
    pltpu.sync_copy(p0_hbm.at[pl.ds(off, NPW)], a0_v)
    pltpu.sync_copy(p1_hbm.at[pl.ds(off, NPW)], a1_v)
    pltpu.sync_copy(p0_hbm.at[pl.ds(N_PAD + off, NPW)], b0_v)
    pltpu.sync_copy(p1_hbm.at[pl.ds(N_PAD + off, NPW)], b1_v)

    def body(i, _):
        sl = pl.ds(i * 16, 16)
        o0_v[sl] = a0_v[sl] + b0_v[sl]
        o1_v[sl] = a1_v[sl] + b1_v[sl]
        return 0
    lax.fori_loop(0, NPW // 16, body, 0)
    pltpu.sync_copy(o0_v, out0_hbm.at[pl.ds(off, NPW)])
    pltpu.sync_copy(o1_v, out1_hbm.at[pl.ds(off, NPW)])


@jax.jit
def kernel(node_state, edge_weight, W, edge_source, edge_target):
    node_pad = jnp.zeros((N_PAD, 2), jnp.float32).at[:N_NODES].set(node_state)
    n0 = node_pad[:, 0]
    n1 = node_pad[:, 1]
    wf = W.reshape(-1)
    wb = jnp.concatenate([jnp.full((16,), wf[i], jnp.float32) for i in range(4)])
    wgt = edge_weight.reshape(-1)
    p0, p1 = _scatter_kernel(n0, n1, wb, edge_source, edge_target, wgt)
    o0, o1 = _combine_kernel(p0, p1)
    return jnp.stack((o0[:N_NODES], o1[:N_NODES]), axis=-1)

# --- scband reference (transcript-rebuilt; emitter-appended) ---
"""Pipeline reference for scband-add-weighted-swapped-in-edges-47287589929651 (READ-ONLY COPY).

The authoritative reference and input builder live on the scoring server;
editing this copy changes nothing except your own understanding.
"""

import jax, jax.numpy as jnp
import numpy as np

N_NODES = 100000
N_EDGES = 6400000
D = 2


def setup_inputs(seed: int = 0) -> dict:
    key = jax.random.key(seed)
    k1, k2, k3, k4 = jax.random.split(key, 4)
    node_state = jax.random.normal(k1, (N_NODES, D), dtype=jnp.float32)
    edge_weight = jax.random.uniform(k2, (N_EDGES, 1), dtype=jnp.float32)
    edge_source = jax.random.randint(k3, (N_EDGES,), 0, N_NODES, dtype=jnp.int32)
    edge_target = jax.random.randint(k4, (N_EDGES,), 0, N_NODES, dtype=jnp.int32)
    # Dense kernel 'swap_node_state_coordinates': units=2, no bias,
    # constant-initialized to the coordinate-swap matrix.
    W = jnp.array([[0.0, 1.0], [1.0, 0.0]], dtype=jnp.float32)
    return {
        "node_state": node_state,
        "edge_weight": edge_weight,
        "W": W,
        "edge_source": edge_source,
        "edge_target": edge_target,
    }


def reference(node_state, edge_weight, W, edge_source, edge_target):
    # gather source node states along edges
    source_value = jnp.take(node_state, edge_source, axis=0)
    # per-edge weighted message
    message = edge_weight * source_value
    # pool messages into target nodes (unsorted_segment_sum)
    pooled_message = jax.ops.segment_sum(
        message, edge_target, num_segments=node_state.shape[0]
    )
    # fixed coordinate-swap dense layer (no bias)
    node_updates = pooled_message @ W
    new_node_state = node_state + node_updates
    return new_node_state

if __name__ == "__main__":
    import jax
    _d = setup_inputs()
    print(jax.jit(kernel)(*tuple(_d.values())))

</pallas_src>

<mosaic_0001>
#map = affine_map<(d0, d1) -> (0)>
module attributes {stable_mosaic.version = 14 : i64} {
  func.func @_scatter_kernel(%arg0: i32, %arg1: i32, %arg2: memref<100352xf32, #tpu.memory_space<hbm>>, %arg3: memref<100352xf32, #tpu.memory_space<hbm>>, %arg4: memref<64xf32, #tpu.memory_space<hbm>>, %arg5: memref<6400000xi32, #tpu.memory_space<hbm>>, %arg6: memref<6400000xi32, #tpu.memory_space<hbm>>, %arg7: memref<6400000xf32, #tpu.memory_space<hbm>>, %arg8: memref<200704xf32, #tpu.memory_space<hbm>>, %arg9: memref<200704xf32, #tpu.memory_space<hbm>>, %arg10: memref<100352xf32, #tpu.memory_space<vmem_shared>>, %arg11: memref<100352xf32, #tpu.memory_space<vmem_shared>>, %arg12: memref<100352xf32, #tpu.memory_space<vmem_shared>>, %arg13: memref<100352xf32, #tpu.memory_space<vmem_shared>>, %arg14: memref<2000xi32, #tpu.memory_space<vmem>>, %arg15: memref<2000xi32, #tpu.memory_space<vmem>>, %arg16: memref<2000xi32, #tpu.memory_space<vmem>>, %arg17: memref<2000xi32, #tpu.memory_space<vmem>>, %arg18: memref<2000xi32, #tpu.memory_space<vmem>>, %arg19: memref<2000xi32, #tpu.memory_space<vmem>>, %arg20: memref<2000xf32, #tpu.memory_space<vmem>>, %arg21: memref<2000xf32, #tpu.memory_space<vmem>>, %arg22: memref<2000xf32, #tpu.memory_space<vmem>>, %arg23: memref<2000xf32, #tpu.memory_space<vmem>>, %arg24: memref<2000xf32, #tpu.memory_space<vmem>>, %arg25: memref<2000xf32, #tpu.memory_space<vmem>>, %arg26: memref<2000xf32, #tpu.memory_space<vmem>>, %arg27: memref<2000xf32, #tpu.memory_space<vmem>>, %arg28: memref<2000xf32, #tpu.memory_space<vmem>>, %arg29: memref<2000xf32, #tpu.memory_space<vmem>>, %arg30: memref<2000xf32, #tpu.memory_space<vmem>>, %arg31: memref<2000xf32, #tpu.memory_space<vmem>>, %arg32: memref<64xf32, #tpu.memory_space<vmem>>, %arg33: memref<!tpu.dma_semaphore, #tpu.memory_space<semaphore_mem>>, %arg34: memref<!tpu.dma_semaphore, #tpu.memory_space<semaphore_mem>>, %arg35: memref<!tpu.dma_semaphore, #tpu.memory_space<semaphore_mem>>, %arg36: memref<!tpu.dma_semaphore, #tpu.memory_space<semaphore_mem>>, %arg37: memref<!tpu.dma_semaphore, #tpu.memory_space<semaphore_mem>>, %arg38: memref<!tpu.dma_semaphore, #tpu.memory_space<semaphore_mem>>) attributes {dimension_semantics = [#tpu.dimension_semantics<core_parallel>, #tpu.dimension_semantics<subcore_parallel>], iteration_bounds = array<i64: 2, 16>, scalar_prefetch = 0 : i64, scratch_operands = 29 : i64, tpu.core_type = #tpu.core_type<sc_vector_subcore>, window_params = [{transform_indices = #map}, {transform_indices = #map}, {transform_indices = #map}, {transform_indices = #map}, {transform_indices = #map}, {transform_indices = #map}, {transform_indices = #map}, {transform_indices = #map}]} {
    %mul3A = arith.constant 16 : i32
    %mul3A_0 = arith.muli %arg0, %mul3A : i32
    %add3A = arith.addi %mul3A_0, %arg1 : i32
    %broadcast_in_dim3A = arith.constant 0.000000e+00 : f32
    %broadcast_in_dim3A_1 = vector.broadcast %broadcast_in_dim3A : f32 to vector<16xf32>
    %mul3A_2 = arith.constant 6272 : i32
    %mul3A_3 = arith.muli %arg1, %mul3A_2 : i32
    %add3A_4 = arith.constant 0 : i32
    %add3A_5 = arith.addi %mul3A_3, %add3A_4 : i32
    "tpu.region"() ({
      %run_scoped3A = tpu.sem_alloc : memref<!tpu.dma_semaphore, #tpu.memory_space<semaphore_mem>>
      %dma_start3A_118 = arith.constant 0 : i32
      %dma_start3A_119 = tpu.memref_slice %arg24[%dma_start3A_118] : memref<2000xf32, #tpu.memory_space<vmem>> -> memref<1568xf32, #tpu.memory_space<vmem>>
      %dma_start3A_120 = tpu.memref_slice %arg2[%add3A_5] : memref<100352xf32, #tpu.memory_space<hbm>> -> memref<1568xf32, #tpu.memory_space<hbm>>
      %dma_start3A_121 = arith.constant 0 : i32
      %dma_start3A_122 = tpu.memref_slice %arg24[%dma_start3A_121] : memref<2000xf32, #tpu.memory_space<vmem>> -> memref<1568xf32, #tpu.memory_space<vmem>>
      %dma_start3A_123 = tpu.memref_slice %arg2[%add3A_5] : memref<100352xf32, #tpu.memory_space<hbm>> -> memref<1568xf32, #tpu.memory_space<hbm>>
      tpu.enqueue_dma source(%dma_start3A_123 : memref<1568xf32, #tpu.memory_space<hbm>>) target(%dma_start3A_122 : memref<1568xf32, #tpu.memory_space<vmem>>) target_semaphore(%run_scoped3A : memref<!tpu.dma_semaphore, #tpu.memory_space<semaphore_mem>>)
      %dma_wait3A_124 = arith.constant 0 : i32
      %dma_wait3A_125 = tpu.memref_slice %arg24[%dma_wait3A_124] : memref<2000xf32, #tpu.memory_space<vmem>> -> memref<1568xf32, #tpu.memory_space<vmem>>
      %dma_wait3A_126 = tpu.memref_slice %arg2[%add3A_5] : memref<100352xf32, #tpu.memory_space<hbm>> -> memref<1568xf32, #tpu.memory_space<hbm>>
      %dma_wait3A_127 = arith.constant 0 : i32
      %dma_wait3A_128 = tpu.memref_slice %arg24[%dma_wait3A_127] : memref<2000xf32, #tpu.memory_space<vmem>> -> memref<1568xf32, #tpu.memory_space<vmem>>
      %dma_wait3A_129 = tpu.memref_slice %arg2[%add3A_5] : memref<100352xf32, #tpu.memory_space<hbm>> -> memref<1568xf32, #tpu.memory_space<hbm>>
      tpu.wait_dma2 semaphore(%run_scoped3A : memref<!tpu.dma_semaphore, #tpu.memory_space<semaphore_mem>>) src(%dma_wait3A_129 : memref<1568xf32, #tpu.memory_space<hbm>>) dst(%dma_wait3A_128 : memref<1568xf32, #tpu.memory_space<vmem>>)
      tpu.yield
    }) : () -> ()
    "tpu.region"() ({
      %run_scoped3A = tpu.sem_alloc : memref<!tpu.dma_semaphore, #tpu.memory_space<semaphore_mem>>
      %dma_start3A_118 = arith.constant 0 : i32
      %dma_start3A_119 = tpu.memref_slice %arg24[%dma_start3A_118] : memref<2000xf32, #tpu.memory_space<vmem>> -> memref<1568xf32, #tpu.memory_space<vmem>>
      %dma_start3A_120 = tpu.memref_slice %arg10[%add3A_5] : memref<100352xf32, #tpu.memory_space<vmem_shared>> -> memref<1568xf32, #tpu.memory_space<vmem_shared>>
      %dma_start3A_121 = tpu.memref_slice %arg10[%add3A_5] : memref<100352xf32, #tpu.memory_space<vmem_shared>> -> memref<1568xf32, #tpu.memory_space<vmem_shared>>
      %dma_start3A_122 = arith.constant 0 : i32
      %dma_start3A_123 = tpu.memref_slice %arg24[%dma_start3A_122] : memref<2000xf32, #tpu.memory_space<vmem>> -> memref<1568xf32, #tpu.memory_space<vmem>>
      tpu.enqueue_dma source(%dma_start3A_123 : memref<1568xf32, #tpu.memory_space<vmem>>) target(%dma_start3A_121 : memref<1568xf32, #tpu.memory_space<vmem_shared>>) target_semaphore(%run_scoped3A : memref<!tpu.dma_semaphore, #tpu.memory_space<semaphore_mem>>)
      %dma_wait3A_124 = arith.constant 0 : i32
      %dma_wait3A_125 = tpu.memref_slice %arg24[%dma_wait3A_124] : memref<2000xf32, #tpu.memory_space<vmem>> -> memref<1568xf32, #tpu.memory_space<vmem>>
      %dma_wait3A_126 = tpu.memref_slice %arg10[%add3A_5] : memref<100352xf32, #tpu.memory_space<vmem_shared>> -> memref<1568xf32, #tpu.memory_space<vmem_shared>>
      %dma_wait3A_127 = tpu.memref_slice %arg10[%add3A_5] : memref<100352xf32, #tpu.memory_space<vmem_shared>> -> memref<1568xf32, #tpu.memory_space<vmem_shared>>
      %dma_wait3A_128 = arith.constant 0 : i32
      %dma_wait3A_129 = tpu.memref_slice %arg24[%dma_wait3A_128] : memref<2000xf32, #tpu.memory_space<vmem>> -> memref<1568xf32, #tpu.memory_space<vmem>>
      tpu.wait_dma2 semaphore(%run_scoped3A : memref<!tpu.dma_semaphore, #tpu.memory_space<semaphore_mem>>) src(%dma_wait3A_129 : memref<1568xf32, #tpu.memory_space<vmem>>) dst(%dma_wait3A_127 : memref<1568xf32, #tpu.memory_space<vmem_shared>>)
      tpu.yield
    }) : () -> ()
    "tpu.region"() ({
      %run_scoped3A = tpu.sem_alloc : memref<!tpu.dma_semaphore, #tpu.memory_space<semaphore_mem>>
      %dma_start3A_118 = arith.constant 0 : i32
      %dma_start3A_119 = tpu.memref_slice %arg26[%dma_start3A_118] : memref<2000xf32, #tpu.memory_space<vmem>> -> memref<1568xf32, #tpu.memory_space<vmem>>
      %dma_start3A_120 = tpu.memref_slice %arg3[%add3A_5] : memref<100352xf32, #tpu.memory_space<hbm>> -> memref<1568xf32, #tpu.memory_space<hbm>>
      %dma_start3A_121 = arith.constant 0 : i32
      %dma_start3A_122 = tpu.memref_slice %arg26[%dma_start3A_121] : memref<2000xf32, #tpu.memory_space<vmem>> -> memref<1568xf32, #tpu.memory_space<vmem>>
      %dma_start3A_123 = tpu.memref_slice %arg3[%add3A_5] : memref<100352xf32, #tpu.memory_space<hbm>> -> memref<1568xf32, #tpu.memory_space<hbm>>
      tpu.enqueue_dma source(%dma_start3A_123 : memref<1568xf32, #tpu.memory_space<hbm>>) target(%dma_start3A_122 : memref<1568xf32, #tpu.memory_space<vmem>>) target_semaphore(%run_scoped3A : memref<!tpu.dma_semaphore, #tpu.memory_space<semaphore_mem>>)
      %dma_wait3A_124 = arith.constant 0 : i32
      %dma_wait3A_125 = tpu.memref_slice %arg26[%dma_wait3A_124] : memref<2000xf32, #tpu.memory_space<vmem>> -> memref<1568xf32, #tpu.memory_space<vmem>>
      %dma_wait3A_126 = tpu.memref_slice %arg3[%add3A_5] : memref<100352xf32, #tpu.memory_space<hbm>> -> memref<1568xf32, #tpu.memory_space<hbm>>
      %dma_wait3A_127 = arith.constant 0 : i32
      %dma_wait3A_128 = tpu.memref_slice %arg26[%dma_wait3A_127] : memref<2000xf32, #tpu.memory_space<vmem>> -> memref<1568xf32, #tpu.memory_space<vmem>>
      %dma_wait3A_129 = tpu.memref_slice %arg3[%add3A_5] : memref<100352xf32, #tpu.memory_space<hbm>> -> memref<1568xf32, #tpu.memory_space<hbm>>
      tpu.wait_dma2 semaphore(%run_scoped3A : memref<!tpu.dma_semaphore, #tpu.memory_space<semaphore_mem>>) src(%dma_wait3A_129 : memref<1568xf32, #tpu.memory_space<hbm>>) dst(%dma_wait3A_128 : memref<1568xf32, #tpu.memory_space<vmem>>)
      tpu.yield
    }) : () -> ()
    "tpu.region"() ({
      %run_scoped3A = tpu.sem_alloc : memref<!tpu.dma_semaphore, #tpu.memory_space<semaphore_mem>>
      %dma_start3A_118 = arith.constant 0 : i32
      %dma_start3A_119 = tpu.memref_slice %arg26[%dma_start3A_118] : memref<2000xf32, #tpu.memory_space<vmem>> -> memref<1568xf32, #tpu.memory_space<vmem>>
      %dma_start3A_120 = tpu.memref_slice %arg11[%add3A_5] : memref<100352xf32, #tpu.memory_space<vmem_shared>> -> memref<1568xf32, #tpu.memory_space<vmem_shared>>
      %dma_start3A_121 = tpu.memref_slice %arg11[%add3A_5] : memref<100352xf32, #tpu.memory_space<vmem_shared>> -> memref<1568xf32, #tpu.memory_space<vmem_shared>>
      %dma_start3A_122 = arith.constant 0 : i32
      %dma_start3A_123 = tpu.memref_slice %arg26[%dma_start3A_122] : memref<2000xf32, #tpu.memory_space<vmem>> -> memref<1568xf32, #tpu.memory_space<vmem>>
      tpu.enqueue_dma source(%dma_start3A_123 : memref<1568xf32, #tpu.memory_space<vmem>>) target(%dma_start3A_121 : memref<1568xf32, #tpu.memory_space<vmem_shared>>) target_semaphore(%run_scoped3A : memref<!tpu.dma_semaphore, #tpu.memory_space<semaphore_mem>>)
      %dma_wait3A_124 = arith.constant 0 : i32
      %dma_wait3A_125 = tpu.memref_slice %arg26[%dma_wait3A_124] : memref<2000xf32, #tpu.memory_space<vmem>> -> memref<1568xf32, #tpu.memory_space<vmem>>
      %dma_wait3A_126 = tpu.memref_slice %arg11[%add3A_5] : memref<100352xf32, #tpu.memory_space<vmem_shared>> -> memref<1568xf32, #tpu.memory_space<vmem_shared>>
      %dma_wait3A_127 = tpu.memref_slice %arg11[%add3A_5] : memref<100352xf32, #tpu.memory_space<vmem_shared>> -> memref<1568xf32, #tpu.memory_space<vmem_shared>>
      %dma_wait3A_128 = arith.constant 0 : i32
      %dma_wait3A_129 = tpu.memref_slice %arg26[%dma_wait3A_128] : memref<2000xf32, #tpu.memory_space<vmem>> -> memref<1568xf32, #tpu.memory_space<vmem>>
      tpu.wait_dma2 semaphore(%run_scoped3A : memref<!tpu.dma_semaphore, #tpu.memory_space<semaphore_mem>>) src(%dma_wait3A_129 : memref<1568xf32, #tpu.memory_space<vmem>>) dst(%dma_wait3A_127 : memref<1568xf32, #tpu.memory_space<vmem_shared>>)
      tpu.yield
    }) : () -> ()
    %eq3A = arith.constant 0 : i32
    %eq3A_6 = arith.cmpi eq, %arg0, %eq3A : i32
    %convert_element_type3A = arith.extui %eq3A_6 : i1 to i32
    %cond3A = arith.constant 0 : i32
    %cond3A_7 = arith.cmpi ne, %convert_element_type3A, %cond3A : i32
    scf.if %cond3A_7 {
      "tpu.region"() ({
        %run_scoped3A = tpu.sem_alloc : memref<!tpu.dma_semaphore, #tpu.memory_space<semaphore_mem>>
        %dma_start3A_118 = arith.constant 0 : i32
        %dma_start3A_119 = tpu.memref_slice %arg24[%dma_start3A_118] : memref<2000xf32, #tpu.memory_space<vmem>> -> memref<1568xf32, #tpu.memory_space<vmem>>
        %dma_start3A_120 = tpu.memref_slice %arg12[%add3A_5] : memref<100352xf32, #tpu.memory_space<vmem_shared>> -> memref<1568xf32, #tpu.memory_space<vmem_shared>>
        %dma_start3A_121 = tpu.memref_slice %arg12[%add3A_5] : memref<100352xf32, #tpu.memory_space<vmem_shared>> -> memref<1568xf32, #tpu.memory_space<vmem_shared>>
        %dma_start3A_122 = arith.constant 0 : i32
        %dma_start3A_123 = tpu.memref_slice %arg24[%dma_start3A_122] : memref<2000xf32, #tpu.memory_space<vmem>> -> memref<1568xf32, #tpu.memory_space<vmem>>
        tpu.enqueue_dma source(%dma_start3A_123 : memref<1568xf32, #tpu.memory_space<vmem>>) target(%dma_start3A_121 : memref<1568xf32, #tpu.memory_space<vmem_shared>>) target_semaphore(%run_scoped3A : memref<!tpu.dma_semaphore, #tpu.memory_space<semaphore_mem>>)
        %dma_wait3A_124 = arith.constant 0 : i32
        %dma_wait3A_125 = tpu.memref_slice %arg24[%dma_wait3A_124] : memref<2000xf32, #tpu.memory_space<vmem>> -> memref<1568xf32, #tpu.memory_space<vmem>>
        %dma_wait3A_126 = tpu.memref_slice %arg12[%add3A_5] : memref<100352xf32, #tpu.memory_space<vmem_shared>> -> memref<1568xf32, #tpu.memory_space<vmem_shared>>
        %dma_wait3A_127 = tpu.memref_slice %arg12[%add3A_5] : memref<100352xf32, #tpu.memory_space<vmem_shared>> -> memref<1568xf32, #tpu.memory_space<vmem_shared>>
        %dma_wait3A_128 = arith.constant 0 : i32
        %dma_wait3A_129 = tpu.memref_slice %arg24[%dma_wait3A_128] : memref<2000xf32, #tpu.memory_space<vmem>> -> memref<1568xf32, #tpu.memory_space<vmem>>
        tpu.wait_dma2 semaphore(%run_scoped3A : memref<!tpu.dma_semaphore, #tpu.memory_space<semaphore_mem>>) src(%dma_wait3A_129 : memref<1568xf32, #tpu.memory_space<vmem>>) dst(%dma_wait3A_127 : memref<1568xf32, #tpu.memory_space<vmem_shared>>)
        tpu.yield
      }) : () -> ()
      "tpu.region"() ({
        %run_scoped3A = tpu.sem_alloc : memref<!tpu.dma_semaphore, #tpu.memory_space<semaphore_mem>>
        %dma_start3A_118 = arith.constant 0 : i32
        %dma_start3A_119 = tpu.memref_slice %arg26[%dma_start3A_118] : memref<2000xf32, #tpu.memory_space<vmem>> -> memref<1568xf32, #tpu.memory_space<vmem>>
        %dma_start3A_120 = tpu.memref_slice %arg13[%add3A_5] : memref<100352xf32, #tpu.memory_space<vmem_shared>> -> memref<1568xf32, #tpu.memory_space<vmem_shared>>
        %dma_start3A_121 = tpu.memref_slice %arg13[%add3A_5] : memref<100352xf32, #tpu.memory_space<vmem_shared>> -> memref<1568xf32, #tpu.memory_space<vmem_shared>>
        %dma_start3A_122 = arith.constant 0 : i32
        %dma_start3A_123 = tpu.memref_slice %arg26[%dma_start3A_122] : memref<2000xf32, #tpu.memory_space<vmem>> -> memref<1568xf32, #tpu.memory_space<vmem>>
        tpu.enqueue_dma source(%dma_start3A_123 : memref<1568xf32, #tpu.memory_space<vmem>>) target(%dma_start3A_121 : memref<1568xf32, #tpu.memory_space<vmem_shared>>) target_semaphore(%run_scoped3A : memref<!tpu.dma_semaphore, #tpu.memory_space<semaphore_mem>>)
        %dma_wait3A_124 = arith.constant 0 : i32
        %dma_wait3A_125 = tpu.memref_slice %arg26[%dma_wait3A_124] : memref<2000xf32, #tpu.memory_space<vmem>> -> memref<1568xf32, #tpu.memory_space<vmem>>
        %dma_wait3A_126 = tpu.memref_slice %arg13[%add3A_5] : memref<100352xf32, #tpu.memory_space<vmem_shared>> -> memref<1568xf32, #tpu.memory_space<vmem_shared>>
        %dma_wait3A_127 = tpu.memref_slice %arg13[%add3A_5] : memref<100352xf32, #tpu.memory_space<vmem_shared>> -> memref<1568xf32, #tpu.memory_space<vmem_shared>>
        %dma_wait3A_128 = arith.constant 0 : i32
        %dma_wait3A_129 = tpu.memref_slice %arg26[%dma_wait3A_128] : memref<2000xf32, #tpu.memory_space<vmem>> -> memref<1568xf32, #tpu.memory_space<vmem>>
        tpu.wait_dma2 semaphore(%run_scoped3A : memref<!tpu.dma_semaphore, #tpu.memory_space<semaphore_mem>>) src(%dma_wait3A_129 : memref<1568xf32, #tpu.memory_space<vmem>>) dst(%dma_wait3A_127 : memref<1568xf32, #tpu.memory_space<vmem_shared>>)
        tpu.yield
      }) : () -> ()
    } else {
    }
    %add3A_8 = arith.constant 1568 : i32
    %add3A_9 = arith.addi %mul3A_3, %add3A_8 : i32
    "tpu.region"() ({
      %run_scoped3A = tpu.sem_alloc : memref<!tpu.dma_semaphore, #tpu.memory_space<semaphore_mem>>
      %dma_start3A_118 = arith.constant 0 : i32
      %dma_start3A_119 = tpu.memref_slice %arg24[%dma_start3A_118] : memref<2000xf32, #tpu.memory_space<vmem>> -> memref<1568xf32, #tpu.memory_space<vmem>>
      %dma_start3A_120 = tpu.memref_slice %arg2[%add3A_9] : memref<100352xf32, #tpu.memory_space<hbm>> -> memref<1568xf32, #tpu.memory_space<hbm>>
      %dma_start3A_121 = arith.constant 0 : i32
      %dma_start3A_122 = tpu.memref_slice %arg24[%dma_start3A_121] : memref<2000xf32, #tpu.memory_space<vmem>> -> memref<1568xf32, #tpu.memory_space<vmem>>
      %dma_start3A_123 = tpu.memref_slice %arg2[%add3A_9] : memref<100352xf32, #tpu.memory_space<hbm>> -> memref<1568xf32, #tpu.memory_space<hbm>>
      tpu.enqueue_dma source(%dma_start3A_123 : memref<1568xf32, #tpu.memory_space<hbm>>) target(%dma_start3A_122 : memref<1568xf32, #tpu.memory_space<vmem>>) target_semaphore(%run_scoped3A : memref<!tpu.dma_semaphore, #tpu.memory_space<semaphore_mem>>)
      %dma_wait3A_124 = arith.constant 0 : i32
      %dma_wait3A_125 = tpu.memref_slice %arg24[%dma_wait3A_124] : memref<2000xf32, #tpu.memory_space<vmem>> -> memref<1568xf32, #tpu.memory_space<vmem>>
      %dma_wait3A_126 = tpu.memref_slice %arg2[%add3A_9] : memref<100352xf32, #tpu.memory_space<hbm>> -> memref<1568xf32, #tpu.memory_space<hbm>>
      %dma_wait3A_127 = arith.constant 0 : i32
      %dma_wait3A_128 = tpu.memref_slice %arg24[%dma_wait3A_127] : memref<2000xf32, #tpu.memory_space<vmem>> -> memref<1568xf32, #tpu.memory_space<vmem>>
      %dma_wait3A_129 = tpu.memref_slice %arg2[%add3A_9] : memref<100352xf32, #tpu.memory_space<hbm>> -> memref<1568xf32, #tpu.memory_space<hbm>>
      tpu.wait_dma2 semaphore(%run_scoped3A : memref<!tpu.dma_semaphore, #tpu.memory_space<semaphore_mem>>) src(%dma_wait3A_129 : memref<1568xf32, #tpu.memory_space<hbm>>) dst(%dma_wait3A_128 : memref<1568xf32, #tpu.memory_space<vmem>>)
      tpu.yield
    }) : () -> ()
    "tpu.region"() ({
      %run_scoped3A = tpu.sem_alloc : memref<!tpu.dma_semaphore, #tpu.memory_space<semaphore_mem>>
      %dma_start3A_118 = arith.constant 0 : i32
      %dma_start3A_119 = tpu.memref_slice %arg24[%dma_start3A_118] : memref<2000xf32, #tpu.memory_space<vmem>> -> memref<1568xf32, #tpu.memory_space<vmem>>
      %dma_start3A_120 = tpu.memref_slice %arg10[%add3A_9] : memref<100352xf32, #tpu.memory_space<vmem_shared>> -> memref<1568xf32, #tpu.memory_space<vmem_shared>>
      %dma_start3A_121 = tpu.memref_slice %arg10[%add3A_9] : memref<100352xf32, #tpu.memory_space<vmem_shared>> -> memref<1568xf32, #tpu.memory_space<vmem_shared>>
      %dma_start3A_122 = arith.constant 0 : i32
      %dma_start3A_123 = tpu.memref_slice %arg24[%dma_start3A_122] : memref<2000xf32, #tpu.memory_space<vmem>> -> memref<1568xf32, #tpu.memory_space<vmem>>
      tpu.enqueue_dma source(%dma_start3A_123 : memref<1568xf32, #tpu.memory_space<vmem>>) target(%dma_start3A_121 : memref<1568xf32, #tpu.memory_space<vmem_shared>>) target_semaphore(%run_scoped3A : memref<!tpu.dma_semaphore, #tpu.memory_space<semaphore_mem>>)
      %dma_wait3A_124 = arith.constant 0 : i32
      %dma_wait3A_125 = tpu.memref_slice %arg24[%dma_wait3A_124] : memref<2000xf32, #tpu.memory_space<vmem>> -> memref<1568xf32, #tpu.memory_space<vmem>>
      %dma_wait3A_126 = tpu.memref_slice %arg10[%add3A_9] : memref<100352xf32, #tpu.memory_space<vmem_shared>> -> memref<1568xf32, #tpu.memory_space<vmem_shared>>
      %dma_wait3A_127 = tpu.memref_slice %arg10[%add3A_9] : memref<100352xf32, #tpu.memory_space<vmem_shared>> -> memref<1568xf32, #tpu.memory_space<vmem_shared>>
      %dma_wait3A_128 = arith.constant 0 : i32
      %dma_wait3A_129 = tpu.memref_slice %arg24[%dma_wait3A_128] : memref<2000xf32, #tpu.memory_space<vmem>> -> memref<1568xf32, #tpu.memory_space<vmem>>
      tpu.wait_dma2 semaphore(%run_scoped3A : memref<!tpu.dma_semaphore, #tpu.memory_space<semaphore_mem>>) src(%dma_wait3A_129 : memref<1568xf32, #tpu.memory_space<vmem>>) dst(%dma_wait3A_127 : memref<1568xf32, #tpu.memory_space<vmem_shared>>)
      tpu.yield
    }) : () -> ()
    "tpu.region"() ({
      %run_scoped3A = tpu.sem_alloc : memref<!tpu.dma_semaphore, #tpu.memory_space<semaphore_mem>>
      %dma_start3A_118 = arith.constant 0 : i32
      %dma_start3A_119 = tpu.memref_slice %arg26[%dma_start3A_118] : memref<2000xf32, #tpu.memory_space<vmem>> -> memref<1568xf32, #tpu.memory_space<vmem>>
      %dma_start3A_120 = tpu.memref_slice %arg3[%add3A_9] : memref<100352xf32, #tpu.memory_space<hbm>> -> memref<1568xf32, #tpu.memory_space<hbm>>
      %dma_start3A_121 = arith.constant 0 : i32
      %dma_start3A_122 = tpu.memref_slice %arg26[%dma_start3A_121] : memref<2000xf32, #tpu.memory_space<vmem>> -> memref<1568xf32, #tpu.memory_space<vmem>>
      %dma_start3A_123 = tpu.memref_slice %arg3[%add3A_9] : memref<100352xf32, #tpu.memory_space<hbm>> -> memref<1568xf32, #tpu.memory_space<hbm>>
      tpu.enqueue_dma source(%dma_start3A_123 : memref<1568xf32, #tpu.memory_space<hbm>>) target(%dma_start3A_122 : memref<1568xf32, #tpu.memory_space<vmem>>) target_semaphore(%run_scoped3A : memref<!tpu.dma_semaphore, #tpu.memory_space<semaphore_mem>>)
      %dma_wait3A_124 = arith.constant 0 : i32
      %dma_wait3A_125 = tpu.memref_slice %arg26[%dma_wait3A_124] : memref<2000xf32, #tpu.memory_space<vmem>> -> memref<1568xf32, #tpu.memory_space<vmem>>
      %dma_wait3A_126 = tpu.memref_slice %arg3[%add3A_9] : memref<100352xf32, #tpu.memory_space<hbm>> -> memref<1568xf32, #tpu.memory_space<hbm>>
      %dma_wait3A_127 = arith.constant 0 : i32
      %dma_wait3A_128 = tpu.memref_slice %arg26[%dma_wait3A_127] : memref<2000xf32, #tpu.memory_space<vmem>> -> memref<1568xf32, #tpu.memory_space<vmem>>
      %dma_wait3A_129 = tpu.memref_slice %arg3[%add3A_9] : memref<100352xf32, #tpu.memory_space<hbm>> -> memref<1568xf32, #tpu.memory_space<hbm>>
      tpu.wait_dma2 semaphore(%run_scoped3A : memref<!tpu.dma_semaphore, #tpu.memory_space<semaphore_mem>>) src(%dma_wait3A_129 : memref<1568xf32, #tpu.memory_space<hbm>>) dst(%dma_wait3A_128 : memref<1568xf32, #tpu.memory_space<vmem>>)
      tpu.yield
    }) : () -> ()
    "tpu.region"() ({
      %run_scoped3A = tpu.sem_alloc : memref<!tpu.dma_semaphore, #tpu.memory_space<semaphore_mem>>
      %dma_start3A_118 = arith.constant 0 : i32
      %dma_start3A_119 = tpu.memref_slice %arg26[%dma_start3A_118] : memref<2000xf32, #tpu.memory_space<vmem>> -> memref<1568xf32, #tpu.memory_space<vmem>>
      %dma_start3A_120 = tpu.memref_slice %arg11[%add3A_9] : memref<100352xf32, #tpu.memory_space<vmem_shared>> -> memref<1568xf32, #tpu.memory_space<vmem_shared>>
      %dma_start3A_121 = tpu.memref_slice %arg11[%add3A_9] : memref<100352xf32, #tpu.memory_space<vmem_shared>> -> memref<1568xf32, #tpu.memory_space<vmem_shared>>
      %dma_start3A_122 = arith.constant 0 : i32
      %dma_start3A_123 = tpu.memref_slice %arg26[%dma_start3A_122] : memref<2000xf32, #tpu.memory_space<vmem>> -> memref<1568xf32, #tpu.memory_space<vmem>>
      tpu.enqueue_dma source(%dma_start3A_123 : memref<1568xf32, #tpu.memory_space<vmem>>) target(%dma_start3A_121 : memref<1568xf32, #tpu.memory_space<vmem_shared>>) target_semaphore(%run_scoped3A : memref<!tpu.dma_semaphore, #tpu.memory_space<semaphore_mem>>)
      %dma_wait3A_124 = arith.constant 0 : i32
      %dma_wait3A_125 = tpu.memref_slice %arg26[%dma_wait3A_124] : memref<2000xf32, #tpu.memory_space<vmem>> -> memref<1568xf32, #tpu.memory_space<vmem>>
      %dma_wait3A_126 = tpu.memref_slice %arg11[%add3A_9] : memref<100352xf32, #tpu.memory_space<vmem_shared>> -> memref<1568xf32, #tpu.memory_space<vmem_shared>>
      %dma_wait3A_127 = tpu.memref_slice %arg11[%add3A_9] : memref<100352xf32, #tpu.memory_space<vmem_shared>> -> memref<1568xf32, #tpu.memory_space<vmem_shared>>
      %dma_wait3A_128 = arith.constant 0 : i32
      %dma_wait3A_129 = tpu.memref_slice %arg26[%dma_wait3A_128] : memref<2000xf32, #tpu.memory_space<vmem>> -> memref<1568xf32, #tpu.memory_space<vmem>>
      tpu.wait_dma2 semaphore(%run_scoped3A : memref<!tpu.dma_semaphore, #tpu.memory_space<semaphore_mem>>) src(%dma_wait3A_129 : memref<1568xf32, #tpu.memory_space<vmem>>) dst(%dma_wait3A_127 : memref<1568xf32, #tpu.memory_space<vmem_shared>>)
      tpu.yield
    }) : () -> ()
    %eq3A_10 = arith.constant 0 : i32
    %eq3A_11 = arith.cmpi eq, %arg0, %eq3A_10 : i32
    %convert_element_type3A_12 = arith.extui %eq3A_11 : i1 to i32
    %cond3A_13 = arith.constant 0 : i32
    %cond3A_14 = arith.cmpi ne, %convert_element_type3A_12, %cond3A_13 : i32
    scf.if %cond3A_14 {
      "tpu.region"() ({
        %run_scoped3A = tpu.sem_alloc : memref<!tpu.dma_semaphore, #tpu.memory_space<semaphore_mem>>
        %dma_start3A_118 = arith.constant 0 : i32
        %dma_start3A_119 = tpu.memref_slice %arg24[%dma_start3A_118] : memref<2000xf32, #tpu.memory_space<vmem>> -> memref<1568xf32, #tpu.memory_space<vmem>>
        %dma_start3A_120 = tpu.memref_slice %arg12[%add3A_9] : memref<100352xf32, #tpu.memory_space<vmem_shared>> -> memref<1568xf32, #tpu.memory_space<vmem_shared>>
        %dma_start3A_121 = tpu.memref_slice %arg12[%add3A_9] : memref<100352xf32, #tpu.memory_space<vmem_shared>> -> memref<1568xf32, #tpu.memory_space<vmem_shared>>
        %dma_start3A_122 = arith.constant 0 : i32
        %dma_start3A_123 = tpu.memref_slice %arg24[%dma_start3A_122] : memref<2000xf32, #tpu.memory_space<vmem>> -> memref<1568xf32, #tpu.memory_space<vmem>>
        tpu.enqueue_dma source(%dma_start3A_123 : memref<1568xf32, #tpu.memory_space<vmem>>) target(%dma_start3A_121 : memref<1568xf32, #tpu.memory_space<vmem_shared>>) target_semaphore(%run_scoped3A : memref<!tpu.dma_semaphore, #tpu.memory_space<semaphore_mem>>)
        %dma_wait3A_124 = arith.constant 0 : i32
        %dma_wait3A_125 = tpu.memref_slice %arg24[%dma_wait3A_124] : memref<2000xf32, #tpu.memory_space<vmem>> -> memref<1568xf32, #tpu.memory_space<vmem>>
        %dma_wait3A_126 = tpu.memref_slice %arg12[%add3A_9] : memref<100352xf32, #tpu.memory_space<vmem_shared>> -> memref<1568xf32, #tpu.memory_space<vmem_shared>>
        %dma_wait3A_127 = tpu.memref_slice %arg12[%add3A_9] : memref<100352xf32, #tpu.memory_space<vmem_shared>> -> memref<1568xf32, #tpu.memory_space<vmem_shared>>
        %dma_wait3A_128 = arith.constant 0 : i32
        %dma_wait3A_129 = tpu.memref_slice %arg24[%dma_wait3A_128] : memref<2000xf32, #tpu.memory_space<vmem>> -> memref<1568xf32, #tpu.memory_space<vmem>>
        tpu.wait_dma2 semaphore(%run_scoped3A : memref<!tpu.dma_semaphore, #tpu.memory_space<semaphore_mem>>) src(%dma_wait3A_129 : memref<1568xf32, #tpu.memory_space<vmem>>) dst(%dma_wait3A_127 : memref<1568xf32, #tpu.memory_space<vmem_shared>>)
        tpu.yield
      }) : () -> ()
      "tpu.region"() ({
        %run_scoped3A = tpu.sem_alloc : memref<!tpu.dma_semaphore, #tpu.memory_space<semaphore_mem>>
        %dma_start3A_118 = arith.constant 0 : i32
        %dma_start3A_119 = tpu.memref_slice %arg26[%dma_start3A_118] : memref<2000xf32, #tpu.memory_space<vmem>> -> memref<1568xf32, #tpu.memory_space<vmem>>
        %dma_start3A_120 = tpu.memref_slice %arg13[%add3A_9] : memref<100352xf32, #tpu.memory_space<vmem_shared>> -> memref<1568xf32, #tpu.memory_space<vmem_shared>>
        %dma_start3A_121 = tpu.memref_slice %arg13[%add3A_9] : memref<100352xf32, #tpu.memory_space<vmem_shared>> -> memref<1568xf32, #tpu.memory_space<vmem_shared>>
        %dma_start3A_122 = arith.constant 0 : i32
        %dma_start3A_123 = tpu.memref_slice %arg26[%dma_start3A_122] : memref<2000xf32, #tpu.memory_space<vmem>> -> memref<1568xf32, #tpu.memory_space<vmem>>
        tpu.enqueue_dma source(%dma_start3A_123 : memref<1568xf32, #tpu.memory_space<vmem>>) target(%dma_start3A_121 : memref<1568xf32, #tpu.memory_space<vmem_shared>>) target_semaphore(%run_scoped3A : memref<!tpu.dma_semaphore, #tpu.memory_space<semaphore_mem>>)
        %dma_wait3A_124 = arith.constant 0 : i32
        %dma_wait3A_125 = tpu.memref_slice %arg26[%dma_wait3A_124] : memref<2000xf32, #tpu.memory_space<vmem>> -> memref<1568xf32, #tpu.memory_space<vmem>>
        %dma_wait3A_126 = tpu.memref_slice %arg13[%add3A_9] : memref<100352xf32, #tpu.memory_space<vmem_shared>> -> memref<1568xf32, #tpu.memory_space<vmem_shared>>
        %dma_wait3A_127 = tpu.memref_slice %arg13[%add3A_9] : memref<100352xf32, #tpu.memory_space<vmem_shared>> -> memref<1568xf32, #tpu.memory_space<vmem_shared>>
        %dma_wait3A_128 = arith.constant 0 : i32
        %dma_wait3A_129 = tpu.memref_slice %arg26[%dma_wait3A_128] : memref<2000xf32, #tpu.memory_space<vmem>> -> memref<1568xf32, #tpu.memory_space<vmem>>
        tpu.wait_dma2 semaphore(%run_scoped3A : memref<!tpu.dma_semaphore, #tpu.memory_space<semaphore_mem>>) src(%dma_wait3A_129 : memref<1568xf32, #tpu.memory_space<vmem>>) dst(%dma_wait3A_127 : memref<1568xf32, #tpu.memory_space<vmem_shared>>)
        tpu.yield
      }) : () -> ()
    } else {
    }
    %add3A_15 = arith.constant 3136 : i32
    %add3A_16 = arith.addi %mul3A_3, %add3A_15 : i32
    "tpu.region"() ({
      %run_scoped3A = tpu.sem_alloc : memref<!tpu.dma_semaphore, #tpu.memory_space<semaphore_mem>>
      %dma_start3A_118 = arith.constant 0 : i32
      %dma_start3A_119 = tpu.memref_slice %arg24[%dma_start3A_118] : memref<2000xf32, #tpu.memory_space<vmem>> -> memref<1568xf32, #tpu.memory_space<vmem>>
      %dma_start3A_120 = tpu.memref_slice %arg2[%add3A_16] : memref<100352xf32, #tpu.memory_space<hbm>> -> memref<1568xf32, #tpu.memory_space<hbm>>
      %dma_start3A_121 = arith.constant 0 : i32
      %dma_start3A_122 = tpu.memref_slice %arg24[%dma_start3A_121] : memref<2000xf32, #tpu.memory_space<vmem>> -> memref<1568xf32, #tpu.memory_space<vmem>>
      %dma_start3A_123 = tpu.memref_slice %arg2[%add3A_16] : memref<100352xf32, #tpu.memory_space<hbm>> -> memref<1568xf32, #tpu.memory_space<hbm>>
      tpu.enqueue_dma source(%dma_start3A_123 : memref<1568xf32, #tpu.memory_space<hbm>>) target(%dma_start3A_122 : memref<1568xf32, #tpu.memory_space<vmem>>) target_semaphore(%run_scoped3A : memref<!tpu.dma_semaphore, #tpu.memory_space<semaphore_mem>>)
      %dma_wait3A_124 = arith.constant 0 : i32
      %dma_wait3A_125 = tpu.memref_slice %arg24[%dma_wait3A_124] : memref<2000xf32, #tpu.memory_space<vmem>> -> memref<1568xf32, #tpu.memory_space<vmem>>
      %dma_wait3A_126 = tpu.memref_slice %arg2[%add3A_16] : memref<100352xf32, #tpu.memory_space<hbm>> -> memref<1568xf32, #tpu.memory_space<hbm>>
      %dma_wait3A_127 = arith.constant 0 : i32
      %dma_wait3A_128 = tpu.memref_slice %arg24[%dma_wait3A_127] : memref<2000xf32, #tpu.memory_space<vmem>> -> memref<1568xf32, #tpu.memory_space<vmem>>
      %dma_wait3A_129 = tpu.memref_slice %arg2[%add3A_16] : memref<100352xf32, #tpu.memory_space<hbm>> -> memref<1568xf32, #tpu.memory_space<hbm>>
      tpu.wait_dma2 semaphore(%run_scoped3A : memref<!tpu.dma_semaphore, #tpu.memory_space<semaphore_mem>>) src(%dma_wait3A_129 : memref<1568xf32, #tpu.memory_space<hbm>>) dst(%dma_wait3A_128 : memref<1568xf32, #tpu.memory_space<vmem>>)
      tpu.yield
    }) : () -> ()
    "tpu.region"() ({
      %run_scoped3A = tpu.sem_alloc : memref<!tpu.dma_semaphore, #tpu.memory_space<semaphore_mem>>
      %dma_start3A_118 = arith.constant 0 : i32
      %dma_start3A_119 = tpu.memref_slice %arg24[%dma_start3A_118] : memref<2000xf32, #tpu.memory_space<vmem>> -> memref<1568xf32, #tpu.memory_space<vmem>>
      %dma_start3A_120 = tpu.memref_slice %arg10[%add3A_16] : memref<100352xf32, #tpu.memory_space<vmem_shared>> -> memref<1568xf32, #tpu.memory_space<vmem_shared>>
      %dma_start3A_121 = tpu.memref_slice %arg10[%add3A_16] : memref<100352xf32, #tpu.memory_space<vmem_shared>> -> memref<1568xf32, #tpu.memory_space<vmem_shared>>
      %dma_start3A_122 = arith.constant 0 : i32
      %dma_start3A_123 = tpu.memref_slice %arg24[%dma_start3A_122] : memref<2000xf32, #tpu.memory_space<vmem>> -> memref<1568xf32, #tpu.memory_space<vmem>>
      tpu.enqueue_dma source(%dma_start3A_123 : memref<1568xf32, #tpu.memory_space<vmem>>) target(%dma_start3A_121 : memref<1568xf32, #tpu.memory_space<vmem_shared>>) target_semaphore(%run_scoped3A : memref<!tpu.dma_semaphore, #tpu.memory_space<semaphore_mem>>)
      %dma_wait3A_124 = arith.constant 0 : i32
      %dma_wait3A_125 = tpu.memref_slice %arg24[%dma_wait3A_124] : memref<2000xf32, #tpu.memory_space<vmem>> -> memref<1568xf32, #tpu.memory_space<vmem>>
      %dma_wait3A_126 = tpu.memref_slice %arg10[%add3A_16] : memref<100352xf32, #tpu.memory_space<vmem_shared>> -> memref<1568xf32, #tpu.memory_space<vmem_shared>>
      %dma_wait3A_127 = tpu.memref_slice %arg10[%add3A_16] : memref<100352xf32, #tpu.memory_space<vmem_shared>> -> memref<1568xf32, #tpu.memory_space<vmem_shared>>
      %dma_wait3A_128 = arith.constant 0 : i32
      %dma_wait3A_129 = tpu.memref_slice %arg24[%dma_wait3A_128] : memref<2000xf32, #tpu.memory_space<vmem>> -> memref<1568xf32, #tpu.memory_space<vmem>>
      tpu.wait_dma2 semaphore(%run_scoped3A : memref<!tpu.dma_semaphore, #tpu.memory_space<semaphore_mem>>) src(%dma_wait3A_129 : memref<1568xf32, #tpu.memory_space<vmem>>) dst(%dma_wait3A_127 : memref<1568xf32, #tpu.memory_space<vmem_shared>>)
      tpu.yield
    }) : () -> ()
    "tpu.region"() ({
      %run_scoped3A = tpu.sem_alloc : memref<!tpu.dma_semaphore, #tpu.memory_space<semaphore_mem>>
      %dma_start3A_118 = arith.constant 0 : i32
      %dma_start3A_119 = tpu.memref_slice %arg26[%dma_start3A_118] : memref<2000xf32, #tpu.memory_space<vmem>> -> memref<1568xf32, #tpu.memory_space<vmem>>
      %dma_start3A_120 = tpu.memref_slice %arg3[%add3A_16] : memref<100352xf32, #tpu.memory_space<hbm>> -> memref<1568xf32, #tpu.memory_space<hbm>>
      %dma_start3A_121 = arith.constant 0 : i32
      %dma_start3A_122 = tpu.memref_slice %arg26[%dma_start3A_121] : memref<2000xf32, #tpu.memory_space<vmem>> -> memref<1568xf32, #tpu.memory_space<vmem>>
      %dma_start3A_123 = tpu.memref_slice %arg3[%add3A_16] : memref<100352xf32, #tpu.memory_space<hbm>> -> memref<1568xf32, #tpu.memory_space<hbm>>
      tpu.enqueue_dma source(%dma_start3A_123 : memref<1568xf32, #tpu.memory_space<hbm>>) target(%dma_start3A_122 : memref<1568xf32, #tpu.memory_space<vmem>>) target_semaphore(%run_scoped3A : memref<!tpu.dma_semaphore, #tpu.memory_space<semaphore_mem>>)
      %dma_wait3A_124 = arith.constant 0 : i32
      %dma_wait3A_125 = tpu.memref_slice %arg26[%dma_wait3A_124] : memref<2000xf32, #tpu.memory_space<vmem>> -> memref<1568xf32, #tpu.memory_space<vmem>>
      %dma_wait3A_126 = tpu.memref_slice %arg3[%add3A_16] : memref<100352xf32, #tpu.memory_space<hbm>> -> memref<1568xf32, #tpu.memory_space<hbm>>
      %dma_wait3A_127 = arith.constant 0 : i32
      %dma_wait3A_128 = tpu.memref_slice %arg26[%dma_wait3A_127] : memref<2000xf32, #tpu.memory_space<vmem>> -> memref<1568xf32, #tpu.memory_space<vmem>>
      %dma_wait3A_129 = tpu.memref_slice %arg3[%add3A_16] : memref<100352xf32, #tpu.memory_space<hbm>> -> memref<1568xf32, #tpu.memory_space<hbm>>
      tpu.wait_dma2 semaphore(%run_scoped3A : memref<!tpu.dma_semaphore, #tpu.memory_space<semaphore_mem>>) src(%dma_wait3A_129 : memref<1568xf32, #tpu.memory_space<hbm>>) dst(%dma_wait3A_128 : memref<1568xf32, #tpu.memory_space<vmem>>)
      tpu.yield
    }) : () -> ()
    "tpu.region"() ({
      %run_scoped3A = tpu.sem_alloc : memref<!tpu.dma_semaphore, #tpu.memory_space<semaphore_mem>>
      %dma_start3A_118 = arith.constant 0 : i32
      %dma_start3A_119 = tpu.memref_slice %arg26[%dma_start3A_118] : memref<2000xf32, #tpu.memory_space<vmem>> -> memref<1568xf32, #tpu.memory_space<vmem>>
      %dma_start3A_120 = tpu.memref_slice %arg11[%add3A_16] : memref<100352xf32, #tpu.memory_space<vmem_shared>> -> memref<1568xf32, #tpu.memory_space<vmem_shared>>
      %dma_start3A_121 = tpu.memref_slice %arg11[%add3A_16] : memref<100352xf32, #tpu.memory_space<vmem_shared>> -> memref<1568xf32, #tpu.memory_space<vmem_shared>>
      %dma_start3A_122 = arith.constant 0 : i32
      %dma_start3A_123 = tpu.memref_slice %arg26[%dma_start3A_122] : memref<2000xf32, #tpu.memory_space<vmem>> -> memref<1568xf32, #tpu.memory_space<vmem>>
      tpu.enqueue_dma source(%dma_start3A_123 : memref<1568xf32, #tpu.memory_space<vmem>>) target(%dma_start3A_121 : memref<1568xf32, #tpu.memory_space<vmem_shared>>) target_semaphore(%run_scoped3A : memref<!tpu.dma_semaphore, #tpu.memory_space<semaphore_mem>>)
      %dma_wait3A_124 = arith.constant 0 : i32
      %dma_wait3A_125 = tpu.memref_slice %arg26[%dma_wait3A_124] : memref<2000xf32, #tpu.memory_space<vmem>> -> memref<1568xf32, #tpu.memory_space<vmem>>
      %dma_wait3A_126 = tpu.memref_slice %arg11[%add3A_16] : memref<100352xf32, #tpu.memory_space<vmem_shared>> -> memref<1568xf32, #tpu.memory_space<vmem_shared>>
      %dma_wait3A_127 = tpu.memref_slice %arg11[%add3A_16] : memref<100352xf32, #tpu.memory_space<vmem_shared>> -> memref<1568xf32, #tpu.memory_space<vmem_shared>>
      %dma_wait3A_128 = arith.constant 0 : i32
      %dma_wait3A_129 = tpu.memref_slice %arg26[%dma_wait3A_128] : memref<2000xf32, #tpu.memory_space<vmem>> -> memref<1568xf32, #tpu.memory_space<vmem>>
      tpu.wait_dma2 semaphore(%run_scoped3A : memref<!tpu.dma_semaphore, #tpu.memory_space<semaphore_mem>>) src(%dma_wait3A_129 : memref<1568xf32, #tpu.memory_space<vmem>>) dst(%dma_wait3A_127 : memref<1568xf32, #tpu.memory_space<vmem_shared>>)
      tpu.yield
    }) : () -> ()
    %eq3A_17 = arith.constant 0 : i32
    %eq3A_18 = arith.cmpi eq, %arg0, %eq3A_17 : i32
    %convert_element_type3A_19 = arith.extui %eq3A_18 : i1 to i32
    %cond3A_20 = arith.constant 0 : i32
    %cond3A_21 = arith.cmpi ne, %convert_element_type3A_19, %cond3A_20 : i32
    scf.if %cond3A_21 {
      "tpu.region"() ({
        %run_scoped3A = tpu.sem_alloc : memref<!tpu.dma_semaphore, #tpu.memory_space<semaphore_mem>>
        %dma_start3A_118 = arith.constant 0 : i32
        %dma_start3A_119 = tpu.memref_slice %arg24[%dma_start3A_118] : memref<2000xf32, #tpu.memory_space<vmem>> -> memref<1568xf32, #tpu.memory_space<vmem>>
        %dma_start3A_120 = tpu.memref_slice %arg12[%add3A_16] : memref<100352xf32, #tpu.memory_space<vmem_shared>> -> memref<1568xf32, #tpu.memory_space<vmem_shared>>
        %dma_start3A_121 = tpu.memref_slice %arg12[%add3A_16] : memref<100352xf32, #tpu.memory_space<vmem_shared>> -> memref<1568xf32, #tpu.memory_space<vmem_shared>>
        %dma_start3A_122 = arith.constant 0 : i32
        %dma_start3A_123 = tpu.memref_slice %arg24[%dma_start3A_122] : memref<2000xf32, #tpu.memory_space<vmem>> -> memref<1568xf32, #tpu.memory_space<vmem>>
        tpu.enqueue_dma source(%dma_start3A_123 : memref<1568xf32, #tpu.memory_space<vmem>>) target(%dma_start3A_121 : memref<1568xf32, #tpu.memory_space<vmem_shared>>) target_semaphore(%run_scoped3A : memref<!tpu.dma_semaphore, #tpu.memory_space<semaphore_mem>>)
        %dma_wait3A_124 = arith.constant 0 : i32
        %dma_wait3A_125 = tpu.memref_slice %arg24[%dma_wait3A_124] : memref<2000xf32, #tpu.memory_space<vmem>> -> memref<1568xf32, #tpu.memory_space<vmem>>
        %dma_wait3A_126 = tpu.memref_slice %arg12[%add3A_16] : memref<100352xf32, #tpu.memory_space<vmem_shared>> -> memref<1568xf32, #tpu.memory_space<vmem_shared>>
        %dma_wait3A_127 = tpu.memref_slice %arg12[%add3A_16] : memref<100352xf32, #tpu.memory_space<vmem_shared>> -> memref<1568xf32, #tpu.memory_space<vmem_shared>>
        %dma_wait3A_128 = arith.constant 0 : i32
        %dma_wait3A_129 = tpu.memref_slice %arg24[%dma_wait3A_128] : memref<2000xf32, #tpu.memory_space<vmem>> -> memref<1568xf32, #tpu.memory_space<vmem>>
        tpu.wait_dma2 semaphore(%run_scoped3A : memref<!tpu.dma_semaphore, #tpu.memory_space<semaphore_mem>>) src(%dma_wait3A_129 : memref<1568xf32, #tpu.memory_space<vmem>>) dst(%dma_wait3A_127 : memref<1568xf32, #tpu.memory_space<vmem_shared>>)
        tpu.yield
      }) : () -> ()
      "tpu.region"() ({
        %run_scoped3A = tpu.sem_alloc : memref<!tpu.dma_semaphore, #tpu.memory_space<semaphore_mem>>
        %dma_start3A_118 = arith.constant 0 : i32
        %dma_start3A_119 = tpu.memref_slice %arg26[%dma_start3A_118] : memref<2000xf32, #tpu.memory_space<vmem>> -> memref<1568xf32, #tpu.memory_space<vmem>>
        %dma_start3A_120 = tpu.memref_slice %arg13[%add3A_16] : memref<100352xf32, #tpu.memory_space<vmem_shared>> -> memref<1568xf32, #tpu.memory_space<vmem_shared>>
        %dma_start3A_121 = tpu.memref_slice %arg13[%add3A_16] : memref<100352xf32, #tpu.memory_space<vmem_shared>> -> memref<1568xf32, #tpu.memory_space<vmem_shared>>
        %dma_start3A_122 = arith.constant 0 : i32
        %dma_start3A_123 = tpu.memref_slice %arg26[%dma_start3A_122] : memref<2000xf32, #tpu.memory_space<vmem>> -> memref<1568xf32, #tpu.memory_space<vmem>>
        tpu.enqueue_dma source(%dma_start3A_123 : memref<1568xf32, #tpu.memory_space<vmem>>) target(%dma_start3A_121 : memref<1568xf32, #tpu.memory_space<vmem_shared>>) target_semaphore(%run_scoped3A : memref<!tpu.dma_semaphore, #tpu.memory_space<semaphore_mem>>)
        %dma_wait3A_124 = arith.constant 0 : i32
        %dma_wait3A_125 = tpu.memref_slice %arg26[%dma_wait3A_124] : memref<2000xf32, #tpu.memory_space<vmem>> -> memref<1568xf32, #tpu.memory_space<vmem>>
        %dma_wait3A_126 = tpu.memref_slice %arg13[%add3A_16] : memref<100352xf32, #tpu.memory_space<vmem_shared>> -> memref<1568xf32, #tpu.memory_space<vmem_shared>>
        %dma_wait3A_127 = tpu.memref_slice %arg13[%add3A_16] : memref<100352xf32, #tpu.memory_space<vmem_shared>> -> memref<1568xf32, #tpu.memory_space<vmem_shared>>
        %dma_wait3A_128 = arith.constant 0 : i32
        %dma_wait3A_129 = tpu.memref_slice %arg26[%dma_wait3A_128] : memref<2000xf32, #tpu.memory_space<vmem>> -> memref<1568xf32, #tpu.memory_space<vmem>>
        tpu.wait_dma2 semaphore(%run_scoped3A : memref<!tpu.dma_semaphore, #tpu.memory_space<semaphore_mem>>) src(%dma_wait3A_129 : memref<1568xf32, #tpu.memory_space<vmem>>) dst(%dma_wait3A_127 : memref<1568xf32, #tpu.memory_space<vmem_shared>>)
        tpu.yield
      }) : () -> ()
    } else {
    }
    %add3A_22 = arith.constant 4704 : i32
    %add3A_23 = arith.addi %mul3A_3, %add3A_22 : i32
    "tpu.region"() ({
      %run_scoped3A = tpu.sem_alloc : memref<!tpu.dma_semaphore, #tpu.memory_space<semaphore_mem>>
      %dma_start3A_118 = arith.constant 0 : i32
      %dma_start3A_119 = tpu.memref_slice %arg24[%dma_start3A_118] : memref<2000xf32, #tpu.memory_space<vmem>> -> memref<1568xf32, #tpu.memory_space<vmem>>
      %dma_start3A_120 = tpu.memref_slice %arg2[%add3A_23] : memref<100352xf32, #tpu.memory_space<hbm>> -> memref<1568xf32, #tpu.memory_space<hbm>>
      %dma_start3A_121 = arith.constant 0 : i32
      %dma_start3A_122 = tpu.memref_slice %arg24[%dma_start3A_121] : memref<2000xf32, #tpu.memory_space<vmem>> -> memref<1568xf32, #tpu.memory_space<vmem>>
      %dma_start3A_123 = tpu.memref_slice %arg2[%add3A_23] : memref<100352xf32, #tpu.memory_space<hbm>> -> memref<1568xf32, #tpu.memory_space<hbm>>
      tpu.enqueue_dma source(%dma_start3A_123 : memref<1568xf32, #tpu.memory_space<hbm>>) target(%dma_start3A_122 : memref<1568xf32, #tpu.memory_space<vmem>>) target_semaphore(%run_scoped3A : memref<!tpu.dma_semaphore, #tpu.memory_space<semaphore_mem>>)
      %dma_wait3A_124 = arith.constant 0 : i32
      %dma_wait3A_125 = tpu.memref_slice %arg24[%dma_wait3A_124] : memref<2000xf32, #tpu.memory_space<vmem>> -> memref<1568xf32, #tpu.memory_space<vmem>>
      %dma_wait3A_126 = tpu.memref_slice %arg2[%add3A_23] : memref<100352xf32, #tpu.memory_space<hbm>> -> memref<1568xf32, #tpu.memory_space<hbm>>
      %dma_wait3A_127 = arith.constant 0 : i32
      %dma_wait3A_128 = tpu.memref_slice %arg24[%dma_wait3A_127] : memref<2000xf32, #tpu.memory_space<vmem>> -> memref<1568xf32, #tpu.memory_space<vmem>>
      %dma_wait3A_129 = tpu.memref_slice %arg2[%add3A_23] : memref<100352xf32, #tpu.memory_space<hbm>> -> memref<1568xf32, #tpu.memory_space<hbm>>
      tpu.wait_dma2 semaphore(%run_scoped3A : memref<!tpu.dma_semaphore, #tpu.memory_space<semaphore_mem>>) src(%dma_wait3A_129 : memref<1568xf32, #tpu.memory_space<hbm>>) dst(%dma_wait3A_128 : memref<1568xf32, #tpu.memory_space<vmem>>)
      tpu.yield
    }) : () -> ()
    "tpu.region"() ({
      %run_scoped3A = tpu.sem_alloc : memref<!tpu.dma_semaphore, #tpu.memory_space<semaphore_mem>>
      %dma_start3A_118 = arith.constant 0 : i32
      %dma_start3A_119 = tpu.memref_slice %arg24[%dma_start3A_118] : memref<2000xf32, #tpu.memory_space<vmem>> -> memref<1568xf32, #tpu.memory_space<vmem>>
      %dma_start3A_120 = tpu.memref_slice %arg10[%add3A_23] : memref<100352xf32, #tpu.memory_space<vmem_shared>> -> memref<1568xf32, #tpu.memory_space<vmem_shared>>
      %dma_start3A_121 = tpu.memref_slice %arg10[%add3A_23] : memref<100352xf32, #tpu.memory_space<vmem_shared>> -> memref<1568xf32, #tpu.memory_space<vmem_shared>>
      %dma_start3A_122 = arith.constant 0 : i32
      %dma_start3A_123 = tpu.memref_slice %arg24[%dma_start3A_122] : memref<2000xf32, #tpu.memory_space<vmem>> -> memref<1568xf32, #tpu.memory_space<vmem>>
      tpu.enqueue_dma source(%dma_start3A_123 : memref<1568xf32, #tpu.memory_space<vmem>>) target(%dma_start3A_121 : memref<1568xf32, #tpu.memory_space<vmem_shared>>) target_semaphore(%run_scoped3A : memref<!tpu.dma_semaphore, #tpu.memory_space<semaphore_mem>>)
      %dma_wait3A_124 = arith.constant 0 : i32
      %dma_wait3A_125 = tpu.memref_slice %arg24[%dma_wait3A_124] : memref<2000xf32, #tpu.memory_space<vmem>> -> memref<1568xf32, #tpu.memory_space<vmem>>
      %dma_wait3A_126 = tpu.memref_slice %arg10[%add3A_23] : memref<100352xf32, #tpu.memory_space<vmem_shared>> -> memref<1568xf32, #tpu.memory_space<vmem_shared>>
      %dma_wait3A_127 = tpu.memref_slice %arg10[%add3A_23] : memref<100352xf32, #tpu.memory_space<vmem_shared>> -> memref<1568xf32, #tpu.memory_space<vmem_shared>>
      %dma_wait3A_128 = arith.constant 0 : i32
      %dma_wait3A_129 = tpu.memref_slice %arg24[%dma_wait3A_128] : memref<2000xf32, #tpu.memory_space<vmem>> -> memref<1568xf32, #tpu.memory_space<vmem>>
      tpu.wait_dma2 semaphore(%run_scoped3A : memref<!tpu.dma_semaphore, #tpu.memory_space<semaphore_mem>>) src(%dma_wait3A_129 : memref<1568xf32, #tpu.memory_space<vmem>>) dst(%dma_wait3A_127 : memref<1568xf32, #tpu.memory_space<vmem_shared>>)
      tpu.yield
    }) : () -> ()
    "tpu.region"() ({
      %run_scoped3A = tpu.sem_alloc : memref<!tpu.dma_semaphore, #tpu.memory_space<semaphore_mem>>
      %dma_start3A_118 = arith.constant 0 : i32
      %dma_start3A_119 = tpu.memref_slice %arg26[%dma_start3A_118] : memref<2000xf32, #tpu.memory_space<vmem>> -> memref<1568xf32, #tpu.memory_space<vmem>>
      %dma_start3A_120 = tpu.memref_slice %arg3[%add3A_23] : memref<100352xf32, #tpu.memory_space<hbm>> -> memref<1568xf32, #tpu.memory_space<hbm>>
      %dma_start3A_121 = arith.constant 0 : i32
      %dma_start3A_122 = tpu.memref_slice %arg26[%dma_start3A_121] : memref<2000xf32, #tpu.memory_space<vmem>> -> memref<1568xf32, #tpu.memory_space<vmem>>
      %dma_start3A_123 = tpu.memref_slice %arg3[%add3A_23] : memref<100352xf32, #tpu.memory_space<hbm>> -> memref<1568xf32, #tpu.memory_space<hbm>>
      tpu.enqueue_dma source(%dma_start3A_123 : memref<1568xf32, #tpu.memory_space<hbm>>) target(%dma_start3A_122 : memref<1568xf32, #tpu.memory_space<vmem>>) target_semaphore(%run_scoped3A : memref<!tpu.dma_semaphore, #tpu.memory_space<semaphore_mem>>)
      %dma_wait3A_124 = arith.constant 0 : i32
      %dma_wait3A_125 = tpu.memref_slice %arg26[%dma_wait3A_124] : memref<2000xf32, #tpu.memory_space<vmem>> -> memref<1568xf32, #tpu.memory_space<vmem>>
      %dma_wait3A_126 = tpu.memref_slice %arg3[%add3A_23] : memref<100352xf32, #tpu.memory_space<hbm>> -> memref<1568xf32, #tpu.memory_space<hbm>>
      %dma_wait3A_127 = arith.constant 0 : i32
      %dma_wait3A_128 = tpu.memref_slice %arg26[%dma_wait3A_127] : memref<2000xf32, #tpu.memory_space<vmem>> -> memref<1568xf32, #tpu.memory_space<vmem>>
      %dma_wait3A_129 = tpu.memref_slice %arg3[%add3A_23] : memref<100352xf32, #tpu.memory_space<hbm>> -> memref<1568xf32, #tpu.memory_space<hbm>>
      tpu.wait_dma2 semaphore(%run_scoped3A : memref<!tpu.dma_semaphore, #tpu.memory_space<semaphore_mem>>) src(%dma_wait3A_129 : memref<1568xf32, #tpu.memory_space<hbm>>) dst(%dma_wait3A_128 : memref<1568xf32, #tpu.memory_space<vmem>>)
      tpu.yield
    }) : () -> ()
    "tpu.region"() ({
      %run_scoped3A = tpu.sem_alloc : memref<!tpu.dma_semaphore, #tpu.memory_space<semaphore_mem>>
      %dma_start3A_118 = arith.constant 0 : i32
      %dma_start3A_119 = tpu.memref_slice %arg26[%dma_start3A_118] : memref<2000xf32, #tpu.memory_space<vmem>> -> memref<1568xf32, #tpu.memory_space<vmem>>
      %dma_start3A_120 = tpu.memref_slice %arg11[%add3A_23] : memref<100352xf32, #tpu.memory_space<vmem_shared>> -> memref<1568xf32, #tpu.memory_space<vmem_shared>>
      %dma_start3A_121 = tpu.memref_slice %arg11[%add3A_23] : memref<100352xf32, #tpu.memory_space<vmem_shared>> -> memref<1568xf32, #tpu.memory_space<vmem_shared>>
      %dma_start3A_122 = arith.constant 0 : i32
      %dma_start3A_123 = tpu.memref_slice %arg26[%dma_start3A_122] : memref<2000xf32, #tpu.memory_space<vmem>> -> memref<1568xf32, #tpu.memory_space<vmem>>
      tpu.enqueue_dma source(%dma_start3A_123 : memref<1568xf32, #tpu.memory_space<vmem>>) target(%dma_start3A_121 : memref<1568xf32, #tpu.memory_space<vmem_shared>>) target_semaphore(%run_scoped3A : memref<!tpu.dma_semaphore, #tpu.memory_space<semaphore_mem>>)
      %dma_wait3A_124 = arith.constant 0 : i32
      %dma_wait3A_125 = tpu.memref_slice %arg26[%dma_wait3A_124] : memref<2000xf32, #tpu.memory_space<vmem>> -> memref<1568xf32, #tpu.memory_space<vmem>>
      %dma_wait3A_126 = tpu.memref_slice %arg11[%add3A_23] : memref<100352xf32, #tpu.memory_space<vmem_shared>> -> memref<1568xf32, #tpu.memory_space<vmem_shared>>
      %dma_wait3A_127 = tpu.memref_slice %arg11[%add3A_23] : memref<100352xf32, #tpu.memory_space<vmem_shared>> -> memref<1568xf32, #tpu.memory_space<vmem_shared>>
      %dma_wait3A_128 = arith.constant 0 : i32
      %dma_wait3A_129 = tpu.memref_slice %arg26[%dma_wait3A_128] : memref<2000xf32, #tpu.memory_space<vmem>> -> memref<1568xf32, #tpu.memory_space<vmem>>
      tpu.wait_dma2 semaphore(%run_scoped3A : memref<!tpu.dma_semaphore, #tpu.memory_space<semaphore_mem>>) src(%dma_wait3A_129 : memref<1568xf32, #tpu.memory_space<vmem>>) dst(%dma_wait3A_127 : memref<1568xf32, #tpu.memory_space<vmem_shared>>)
      tpu.yield
    }) : () -> ()
    %eq3A_24 = arith.constant 0 : i32
    %eq3A_25 = arith.cmpi eq, %arg0, %eq3A_24 : i32
    %convert_element_type3A_26 = arith.extui %eq3A_25 : i1 to i32
    %cond3A_27 = arith.constant 0 : i32
    %cond3A_28 = arith.cmpi ne, %convert_element_type3A_26, %cond3A_27 : i32
    scf.if %cond3A_28 {
      "tpu.region"() ({
        %run_scoped3A = tpu.sem_alloc : memref<!tpu.dma_semaphore, #tpu.memory_space<semaphore_mem>>
        %dma_start3A_118 = arith.constant 0 : i32
        %dma_start3A_119 = tpu.memref_slice %arg24[%dma_start3A_118] : memref<2000xf32, #tpu.memory_space<vmem>> -> memref<1568xf32, #tpu.memory_space<vmem>>
        %dma_start3A_120 = tpu.memref_slice %arg12[%add3A_23] : memref<100352xf32, #tpu.memory_space<vmem_shared>> -> memref<1568xf32, #tpu.memory_space<vmem_shared>>
        %dma_start3A_121 = tpu.memref_slice %arg12[%add3A_23] : memref<100352xf32, #tpu.memory_space<vmem_shared>> -> memref<1568xf32, #tpu.memory_space<vmem_shared>>
        %dma_start3A_122 = arith.constant 0 : i32
        %dma_start3A_123 = tpu.memref_slice %arg24[%dma_start3A_122] : memref<2000xf32, #tpu.memory_space<vmem>> -> memref<1568xf32, #tpu.memory_space<vmem>>
        tpu.enqueue_dma source(%dma_start3A_123 : memref<1568xf32, #tpu.memory_space<vmem>>) target(%dma_start3A_121 : memref<1568xf32, #tpu.memory_space<vmem_shared>>) target_semaphore(%run_scoped3A : memref<!tpu.dma_semaphore, #tpu.memory_space<semaphore_mem>>)
        %dma_wait3A_124 = arith.constant 0 : i32
        %dma_wait3A_125 = tpu.memref_slice %arg24[%dma_wait3A_124] : memref<2000xf32, #tpu.memory_space<vmem>> -> memref<1568xf32, #tpu.memory_space<vmem>>
        %dma_wait3A_126 = tpu.memref_slice %arg12[%add3A_23] : memref<100352xf32, #tpu.memory_space<vmem_shared>> -> memref<1568xf32, #tpu.memory_space<vmem_shared>>
        %dma_wait3A_127 = tpu.memref_slice %arg12[%add3A_23] : memref<100352xf32, #tpu.memory_space<vmem_shared>> -> memref<1568xf32, #tpu.memory_space<vmem_shared>>
        %dma_wait3A_128 = arith.constant 0 : i32
        %dma_wait3A_129 = tpu.memref_slice %arg24[%dma_wait3A_128] : memref<2000xf32, #tpu.memory_space<vmem>> -> memref<1568xf32, #tpu.memory_space<vmem>>
        tpu.wait_dma2 semaphore(%run_scoped3A : memref<!tpu.dma_semaphore, #tpu.memory_space<semaphore_mem>>) src(%dma_wait3A_129 : memref<1568xf32, #tpu.memory_space<vmem>>) dst(%dma_wait3A_127 : memref<1568xf32, #tpu.memory_space<vmem_shared>>)
        tpu.yield
      }) : () -> ()
      "tpu.region"() ({
        %run_scoped3A = tpu.sem_alloc : memref<!tpu.dma_semaphore, #tpu.memory_space<semaphore_mem>>
        %dma_start3A_118 = arith.constant 0 : i32
        %dma_start3A_119 = tpu.memref_slice %arg26[%dma_start3A_118] : memref<2000xf32, #tpu.memory_space<vmem>> -> memref<1568xf32, #tpu.memory_space<vmem>>
        %dma_start3A_120 = tpu.memref_slice %arg13[%add3A_23] : memref<100352xf32, #tpu.memory_space<vmem_shared>> -> memref<1568xf32, #tpu.memory_space<vmem_shared>>
        %dma_start3A_121 = tpu.memref_slice %arg13[%add3A_23] : memref<100352xf32, #tpu.memory_space<vmem_shared>> -> memref<1568xf32, #tpu.memory_space<vmem_shared>>
        %dma_start3A_122 = arith.constant 0 : i32
        %dma_start3A_123 = tpu.memref_slice %arg26[%dma_start3A_122] : memref<2000xf32, #tpu.memory_space<vmem>> -> memref<1568xf32, #tpu.memory_space<vmem>>
        tpu.enqueue_dma source(%dma_start3A_123 : memref<1568xf32, #tpu.memory_space<vmem>>) target(%dma_start3A_121 : memref<1568xf32, #tpu.memory_space<vmem_shared>>) target_semaphore(%run_scoped3A : memref<!tpu.dma_semaphore, #tpu.memory_space<semaphore_mem>>)
        %dma_wait3A_124 = arith.constant 0 : i32
        %dma_wait3A_125 = tpu.memref_slice %arg26[%dma_wait3A_124] : memref<2000xf32, #tpu.memory_space<vmem>> -> memref<1568xf32, #tpu.memory_space<vmem>>
        %dma_wait3A_126 = tpu.memref_slice %arg13[%add3A_23] : memref<100352xf32, #tpu.memory_space<vmem_shared>> -> memref<1568xf32, #tpu.memory_space<vmem_shared>>
        %dma_wait3A_127 = tpu.memref_slice %arg13[%add3A_23] : memref<100352xf32, #tpu.memory_space<vmem_shared>> -> memref<1568xf32, #tpu.memory_space<vmem_shared>>
        %dma_wait3A_128 = arith.constant 0 : i32
        %dma_wait3A_129 = tpu.memref_slice %arg26[%dma_wait3A_128] : memref<2000xf32, #tpu.memory_space<vmem>> -> memref<1568xf32, #tpu.memory_space<vmem>>
        tpu.wait_dma2 semaphore(%run_scoped3A : memref<!tpu.dma_semaphore, #tpu.memory_space<semaphore_mem>>) src(%dma_wait3A_129 : memref<1568xf32, #tpu.memory_space<vmem>>) dst(%dma_wait3A_127 : memref<1568xf32, #tpu.memory_space<vmem_shared>>)
        tpu.yield
      }) : () -> ()
    } else {
    }
    %scan3A = arith.constant 0 : i32
    %scan3A_29 = arith.constant 0 : i32
    %scan3A_30 = arith.constant 125 : i32
    %scan3A_31 = arith.addi %scan3A_29, %scan3A_30 : i32
    %scan3A_32 = arith.constant 1 : i32
    %scan3A_33 = scf.for %scan3A_118 = %scan3A_29 to %scan3A_31 step %scan3A_32 iter_args(%scan3A_119 = %scan3A) -> (i32)  : i32 {
      %mul3A_120 = arith.constant 16 : i32
      %mul3A_121 = arith.muli %scan3A_118, %mul3A_120 : i32
      %swap3A = arith.index_cast %mul3A_121 : i32 to index
      %swap3A_122 = tpu.vector_load %arg28[%swap3A] {strides = array<i32>} : memref<2000xf32, #tpu.memory_space<vmem>>, vector<16xf32>,
      %swap3A_123 = vector.shape_cast %swap3A_122 : vector<16xf32> to vector<16xf32>
      %swap3A_124 = vector.shape_cast %broadcast_in_dim3A_1 : vector<16xf32> to vector<16xf32>
      tpu.vector_store %arg28[%swap3A], %swap3A_124 {strides = array<i32>} : memref<2000xf32, #tpu.memory_space<vmem>>, vector<16xf32>,
      %scan3A_125 = arith.constant 0 : i32
      scf.yield %scan3A_125 : i32
    }
    %scan3A_34 = arith.constant 125 : i32
    %ne3A = arith.constant 0 : i32
    %ne3A_35 = arith.cmpi ne, %arg0, %ne3A : i32
    %convert_element_type3A_36 = arith.extui %ne3A_35 : i1 to i32
    %cond3A_37 = arith.constant 0 : i32
    %cond3A_38 = arith.cmpi ne, %convert_element_type3A_36, %cond3A_37 : i32
    scf.if %cond3A_38 {
      %add3A_118 = arith.constant 0 : i32
      %add3A_119 = arith.addi %mul3A_3, %add3A_118 : i32
      "tpu.region"() ({
        %run_scoped3A = tpu.sem_alloc : memref<!tpu.dma_semaphore, #tpu.memory_space<semaphore_mem>>
        %dma_start3A_126 = arith.constant 0 : i32
        %dma_start3A_127 = tpu.memref_slice %arg28[%dma_start3A_126] : memref<2000xf32, #tpu.memory_space<vmem>> -> memref<1568xf32, #tpu.memory_space<vmem>>
        %dma_start3A_128 = tpu.memref_slice %arg12[%add3A_119] : memref<100352xf32, #tpu.memory_space<vmem_shared>> -> memref<1568xf32, #tpu.memory_space<vmem_shared>>
        %dma_start3A_129 = tpu.memref_slice %arg12[%add3A_119] : memref<100352xf32, #tpu.memory_space<vmem_shared>> -> memref<1568xf32, #tpu.memory_space<vmem_shared>>
        %dma_start3A_130 = arith.constant 0 : i32
        %dma_start3A_131 = tpu.memref_slice %arg28[%dma_start3A_130] : memref<2000xf32, #tpu.memory_space<vmem>> -> memref<1568xf32, #tpu.memory_space<vmem>>
        tpu.enqueue_dma source(%dma_start3A_131 : memref<1568xf32, #tpu.memory_space<vmem>>) target(%dma_start3A_129 : memref<1568xf32, #tpu.memory_space<vmem_shared>>) target_semaphore(%run_scoped3A : memref<!tpu.dma_semaphore, #tpu.memory_space<semaphore_mem>>)
        %dma_wait3A_132 = arith.constant 0 : i32
        %dma_wait3A_133 = tpu.memref_slice %arg28[%dma_wait3A_132] : memref<2000xf32, #tpu.memory_space<vmem>> -> memref<1568xf32, #tpu.memory_space<vmem>>
        %dma_wait3A_134 = tpu.memref_slice %arg12[%add3A_119] : memref<100352xf32, #tpu.memory_space<vmem_shared>> -> memref<1568xf32, #tpu.memory_space<vmem_shared>>
        %dma_wait3A_135 = tpu.memref_slice %arg12[%add3A_119] : memref<100352xf32, #tpu.memory_space<vmem_shared>> -> memref<1568xf32, #tpu.memory_space<vmem_shared>>
        %dma_wait3A_136 = arith.constant 0 : i32
        %dma_wait3A_137 = tpu.memref_slice %arg28[%dma_wait3A_136] : memref<2000xf32, #tpu.memory_space<vmem>> -> memref<1568xf32, #tpu.memory_space<vmem>>
        tpu.wait_dma2 semaphore(%run_scoped3A : memref<!tpu.dma_semaphore, #tpu.memory_space<semaphore_mem>>) src(%dma_wait3A_137 : memref<1568xf32, #tpu.memory_space<vmem>>) dst(%dma_wait3A_135 : memref<1568xf32, #tpu.memory_space<vmem_shared>>)
        tpu.yield
      }) : () -> ()
      "tpu.region"() ({
        %run_scoped3A = tpu.sem_alloc : memref<!tpu.dma_semaphore, #tpu.memory_space<semaphore_mem>>
        %dma_start3A_126 = arith.constant 0 : i32
        %dma_start3A_127 = tpu.memref_slice %arg28[%dma_start3A_126] : memref<2000xf32, #tpu.memory_space<vmem>> -> memref<1568xf32, #tpu.memory_space<vmem>>
        %dma_start3A_128 = tpu.memref_slice %arg13[%add3A_119] : memref<100352xf32, #tpu.memory_space<vmem_shared>> -> memref<1568xf32, #tpu.memory_space<vmem_shared>>
        %dma_start3A_129 = tpu.memref_slice %arg13[%add3A_119] : memref<100352xf32, #tpu.memory_space<vmem_shared>> -> memref<1568xf32, #tpu.memory_space<vmem_shared>>
        %dma_start3A_130 = arith.constant 0 : i32
        %dma_start3A_131 = tpu.memref_slice %arg28[%dma_start3A_130] : memref<2000xf32, #tpu.memory_space<vmem>> -> memref<1568xf32, #tpu.memory_space<vmem>>
        tpu.enqueue_dma source(%dma_start3A_131 : memref<1568xf32, #tpu.memory_space<vmem>>) target(%dma_start3A_129 : memref<1568xf32, #tpu.memory_space<vmem_shared>>) target_semaphore(%run_scoped3A : memref<!tpu.dma_semaphore, #tpu.memory_space<semaphore_mem>>)
        %dma_wait3A_132 = arith.constant 0 : i32
        %dma_wait3A_133 = tpu.memref_slice %arg28[%dma_wait3A_132] : memref<2000xf32, #tpu.memory_space<vmem>> -> memref<1568xf32, #tpu.memory_space<vmem>>
        %dma_wait3A_134 = tpu.memref_slice %arg13[%add3A_119] : memref<100352xf32, #tpu.memory_space<vmem_shared>> -> memref<1568xf32, #tpu.memory_space<vmem_shared>>
        %dma_wait3A_135 = tpu.memref_slice %arg13[%add3A_119] : memref<100352xf32, #tpu.memory_space<vmem_shared>> -> memref<1568xf32, #tpu.memory_space<vmem_shared>>
        %dma_wait3A_136 = arith.constant 0 : i32
        %dma_wait3A_137 = tpu.memref_slice %arg28[%dma_wait3A_136] : memref<2000xf32, #tpu.memory_space<vmem>> -> memref<1568xf32, #tpu.memory_space<vmem>>
        tpu.wait_dma2 semaphore(%run_scoped3A : memref<!tpu.dma_semaphore, #tpu.memory_space<semaphore_mem>>) src(%dma_wait3A_137 : memref<1568xf32, #tpu.memory_space<vmem>>) dst(%dma_wait3A_135 : memref<1568xf32, #tpu.memory_space<vmem_shared>>)
        tpu.yield
      }) : () -> ()
      %add3A_120 = arith.constant 1568 : i32
      %add3A_121 = arith.addi %mul3A_3, %add3A_120 : i32
      "tpu.region"() ({
        %run_scoped3A = tpu.sem_alloc : memref<!tpu.dma_semaphore, #tpu.memory_space<semaphore_mem>>
        %dma_start3A_126 = arith.constant 0 : i32
        %dma_start3A_127 = tpu.memref_slice %arg28[%dma_start3A_126] : memref<2000xf32, #tpu.memory_space<vmem>> -> memref<1568xf32, #tpu.memory_space<vmem>>
        %dma_start3A_128 = tpu.memref_slice %arg12[%add3A_121] : memref<100352xf32, #tpu.memory_space<vmem_shared>> -> memref<1568xf32, #tpu.memory_space<vmem_shared>>
        %dma_start3A_129 = tpu.memref_slice %arg12[%add3A_121] : memref<100352xf32, #tpu.memory_space<vmem_shared>> -> memref<1568xf32, #tpu.memory_space<vmem_shared>>
        %dma_start3A_130 = arith.constant 0 : i32
        %dma_start3A_131 = tpu.memref_slice %arg28[%dma_start3A_130] : memref<2000xf32, #tpu.memory_space<vmem>> -> memref<1568xf32, #tpu.memory_space<vmem>>
        tpu.enqueue_dma source(%dma_start3A_131 : memref<1568xf32, #tpu.memory_space<vmem>>) target(%dma_start3A_129 : memref<1568xf32, #tpu.memory_space<vmem_shared>>) target_semaphore(%run_scoped3A : memref<!tpu.dma_semaphore, #tpu.memory_space<semaphore_mem>>)
        %dma_wait3A_132 = arith.constant 0 : i32
        %dma_wait3A_133 = tpu.memref_slice %arg28[%dma_wait3A_132] : memref<2000xf32, #tpu.memory_space<vmem>> -> memref<1568xf32, #tpu.memory_space<vmem>>
        %dma_wait3A_134 = tpu.memref_slice %arg12[%add3A_121] : memref<100352xf32, #tpu.memory_space<vmem_shared>> -> memref<1568xf32, #tpu.memory_space<vmem_shared>>
        %dma_wait3A_135 = tpu.memref_slice %arg12[%add3A_121] : memref<100352xf32, #tpu.memory_space<vmem_shared>> -> memref<1568xf32, #tpu.memory_space<vmem_shared>>
        %dma_wait3A_136 = arith.constant 0 : i32
        %dma_wait3A_137 = tpu.memref_slice %arg28[%dma_wait3A_136] : memref<2000xf32, #tpu.memory_space<vmem>> -> memref<1568xf32, #tpu.memory_space<vmem>>
        tpu.wait_dma2 semaphore(%run_scoped3A : memref<!tpu.dma_semaphore, #tpu.memory_space<semaphore_mem>>) src(%dma_wait3A_137 : memref<1568xf32, #tpu.memory_space<vmem>>) dst(%dma_wait3A_135 : memref<1568xf32, #tpu.memory_space<vmem_shared>>)
        tpu.yield
      }) : () -> ()
      "tpu.region"() ({
        %run_scoped3A = tpu.sem_alloc : memref<!tpu.dma_semaphore, #tpu.memory_space<semaphore_mem>>
        %dma_start3A_126 = arith.constant 0 : i32
        %dma_start3A_127 = tpu.memref_slice %arg28[%dma_start3A_126] : memref<2000xf32, #tpu.memory_space<vmem>> -> memref<1568xf32, #tpu.memory_space<vmem>>
        %dma_start3A_128 = tpu.memref_slice %arg13[%add3A_121] : memref<100352xf32, #tpu.memory_space<vmem_shared>> -> memref<1568xf32, #tpu.memory_space<vmem_shared>>
        %dma_start3A_129 = tpu.memref_slice %arg13[%add3A_121] : memref<100352xf32, #tpu.memory_space<vmem_shared>> -> memref<1568xf32, #tpu.memory_space<vmem_shared>>
        %dma_start3A_130 = arith.constant 0 : i32
        %dma_start3A_131 = tpu.memref_slice %arg28[%dma_start3A_130] : memref<2000xf32, #tpu.memory_space<vmem>> -> memref<1568xf32, #tpu.memory_space<vmem>>
        tpu.enqueue_dma source(%dma_start3A_131 : memref<1568xf32, #tpu.memory_space<vmem>>) target(%dma_start3A_129 : memref<1568xf32, #tpu.memory_space<vmem_shared>>) target_semaphore(%run_scoped3A : memref<!tpu.dma_semaphore, #tpu.memory_space<semaphore_mem>>)
        %dma_wait3A_132 = arith.constant 0 : i32
        %dma_wait3A_133 = tpu.memref_slice %arg28[%dma_wait3A_132] : memref<2000xf32, #tpu.memory_space<vmem>> -> memref<1568xf32, #tpu.memory_space<vmem>>
        %dma_wait3A_134 = tpu.memref_slice %arg13[%add3A_121] : memref<100352xf32, #tpu.memory_space<vmem_shared>> -> memref<1568xf32, #tpu.memory_space<vmem_shared>>
        %dma_wait3A_135 = tpu.memref_slice %arg13[%add3A_121] : memref<100352xf32, #tpu.memory_space<vmem_shared>> -> memref<1568xf32, #tpu.memory_space<vmem_shared>>
        %dma_wait3A_136 = arith.constant 0 : i32
        %dma_wait3A_137 = tpu.memref_slice %arg28[%dma_wait3A_136] : memref<2000xf32, #tpu.memory_space<vmem>> -> memref<1568xf32, #tpu.memory_space<vmem>>
        tpu.wait_dma2 semaphore(%run_scoped3A : memref<!tpu.dma_semaphore, #tpu.memory_space<semaphore_mem>>) src(%dma_wait3A_137 : memref<1568xf32, #tpu.memory_space<vmem>>) dst(%dma_wait3A_135 : memref<1568xf32, #tpu.memory_space<vmem_shared>>)
        tpu.yield
      }) : () -> ()
      %add3A_122 = arith.constant 3136 : i32
      %add3A_123 = arith.addi %mul3A_3, %add3A_122 : i32
      "tpu.region"() ({
        %run_scoped3A = tpu.sem_alloc : memref<!tpu.dma_semaphore, #tpu.memory_space<semaphore_mem>>
        %dma_start3A_126 = arith.constant 0 : i32
        %dma_start3A_127 = tpu.memref_slice %arg28[%dma_start3A_126] : memref<2000xf32, #tpu.memory_space<vmem>> -> memref<1568xf32, #tpu.memory_space<vmem>>
        %dma_start3A_128 = tpu.memref_slice %arg12[%add3A_123] : memref<100352xf32, #tpu.memory_space<vmem_shared>> -> memref<1568xf32, #tpu.memory_space<vmem_shared>>
        %dma_start3A_129 = tpu.memref_slice %arg12[%add3A_123] : memref<100352xf32, #tpu.memory_space<vmem_shared>> -> memref<1568xf32, #tpu.memory_space<vmem_shared>>
        %dma_start3A_130 = arith.constant 0 : i32
        %dma_start3A_131 = tpu.memref_slice %arg28[%dma_start3A_130] : memref<2000xf32, #tpu.memory_space<vmem>> -> memref<1568xf32, #tpu.memory_space<vmem>>
        tpu.enqueue_dma source(%dma_start3A_131 : memref<1568xf32, #tpu.memory_space<vmem>>) target(%dma_start3A_129 : memref<1568xf32, #tpu.memory_space<vmem_shared>>) target_semaphore(%run_scoped3A : memref<!tpu.dma_semaphore, #tpu.memory_space<semaphore_mem>>)
        %dma_wait3A_132 = arith.constant 0 : i32
        %dma_wait3A_133 = tpu.memref_slice %arg28[%dma_wait3A_132] : memref<2000xf32, #tpu.memory_space<vmem>> -> memref<1568xf32, #tpu.memory_space<vmem>>
        %dma_wait3A_134 = tpu.memref_slice %arg12[%add3A_123] : memref<100352xf32, #tpu.memory_space<vmem_shared>> -> memref<1568xf32, #tpu.memory_space<vmem_shared>>
        %dma_wait3A_135 = tpu.memref_slice %arg12[%add3A_123] : memref<100352xf32, #tpu.memory_space<vmem_shared>> -> memref<1568xf32, #tpu.memory_space<vmem_shared>>
        %dma_wait3A_136 = arith.constant 0 : i32
        %dma_wait3A_137 = tpu.memref_slice %arg28[%dma_wait3A_136] : memref<2000xf32, #tpu.memory_space<vmem>> -> memref<1568xf32, #tpu.memory_space<vmem>>
        tpu.wait_dma2 semaphore(%run_scoped3A : memref<!tpu.dma_semaphore, #tpu.memory_space<semaphore_mem>>) src(%dma_wait3A_137 : memref<1568xf32, #tpu.memory_space<vmem>>) dst(%dma_wait3A_135 : memref<1568xf32, #tpu.memory_space<vmem_shared>>)
        tpu.yield
      }) : () -> ()
      "tpu.region"() ({
        %run_scoped3A = tpu.sem_alloc : memref<!tpu.dma_semaphore, #tpu.memory_space<semaphore_mem>>
        %dma_start3A_126 = arith.constant 0 : i32
        %dma_start3A_127 = tpu.memref_slice %arg28[%dma_start3A_126] : memref<2000xf32, #tpu.memory_space<vmem>> -> memref<1568xf32, #tpu.memory_space<vmem>>
        %dma_start3A_128 = tpu.memref_slice %arg13[%add3A_123] : memref<100352xf32, #tpu.memory_space<vmem_shared>> -> memref<1568xf32, #tpu.memory_space<vmem_shared>>
        %dma_start3A_129 = tpu.memref_slice %arg13[%add3A_123] : memref<100352xf32, #tpu.memory_space<vmem_shared>> -> memref<1568xf32, #tpu.memory_space<vmem_shared>>
        %dma_start3A_130 = arith.constant 0 : i32
        %dma_start3A_131 = tpu.memref_slice %arg28[%dma_start3A_130] : memref<2000xf32, #tpu.memory_space<vmem>> -> memref<1568xf32, #tpu.memory_space<vmem>>
        tpu.enqueue_dma source(%dma_start3A_131 : memref<1568xf32, #tpu.memory_space<vmem>>) target(%dma_start3A_129 : memref<1568xf32, #tpu.memory_space<vmem_shared>>) target_semaphore(%run_scoped3A : memref<!tpu.dma_semaphore, #tpu.memory_space<semaphore_mem>>)
        %dma_wait3A_132 = arith.constant 0 : i32
        %dma_wait3A_133 = tpu.memref_slice %arg28[%dma_wait3A_132] : memref<2000xf32, #tpu.memory_space<vmem>> -> memref<1568xf32, #tpu.memory_space<vmem>>
        %dma_wait3A_134 = tpu.memref_slice %arg13[%add3A_123] : memref<100352xf32, #tpu.memory_space<vmem_shared>> -> memref<1568xf32, #tpu.memory_space<vmem_shared>>
        %dma_wait3A_135 = tpu.memref_slice %arg13[%add3A_123] : memref<100352xf32, #tpu.memory_space<vmem_shared>> -> memref<1568xf32, #tpu.memory_space<vmem_shared>>
        %dma_wait3A_136 = arith.constant 0 : i32
        %dma_wait3A_137 = tpu.memref_slice %arg28[%dma_wait3A_136] : memref<2000xf32, #tpu.memory_space<vmem>> -> memref<1568xf32, #tpu.memory_space<vmem>>
        tpu.wait_dma2 semaphore(%run_scoped3A : memref<!tpu.dma_semaphore, #tpu.memory_space<semaphore_mem>>) src(%dma_wait3A_137 : memref<1568xf32, #tpu.memory_space<vmem>>) dst(%dma_wait3A_135 : memref<1568xf32, #tpu.memory_space<vmem_shared>>)
        tpu.yield
      }) : () -> ()
      %add3A_124 = arith.constant 4704 : i32
      %add3A_125 = arith.addi %mul3A_3, %add3A_124 : i32
      "tpu.region"() ({
        %run_scoped3A = tpu.sem_alloc : memref<!tpu.dma_semaphore, #tpu.memory_space<semaphore_mem>>
        %dma_start3A_126 = arith.constant 0 : i32
        %dma_start3A_127 = tpu.memref_slice %arg28[%dma_start3A_126] : memref<2000xf32, #tpu.memory_space<vmem>> -> memref<1568xf32, #tpu.memory_space<vmem>>
        %dma_start3A_128 = tpu.memref_slice %arg12[%add3A_125] : memref<100352xf32, #tpu.memory_space<vmem_shared>> -> memref<1568xf32, #tpu.memory_space<vmem_shared>>
        %dma_start3A_129 = tpu.memref_slice %arg12[%add3A_125] : memref<100352xf32, #tpu.memory_space<vmem_shared>> -> memref<1568xf32, #tpu.memory_space<vmem_shared>>
        %dma_start3A_130 = arith.constant 0 : i32
        %dma_start3A_131 = tpu.memref_slice %arg28[%dma_start3A_130] : memref<2000xf32, #tpu.memory_space<vmem>> -> memref<1568xf32, #tpu.memory_space<vmem>>
        tpu.enqueue_dma source(%dma_start3A_131 : memref<1568xf32, #tpu.memory_space<vmem>>) target(%dma_start3A_129 : memref<1568xf32, #tpu.memory_space<vmem_shared>>) target_semaphore(%run_scoped3A : memref<!tpu.dma_semaphore, #tpu.memory_space<semaphore_mem>>)
        %dma_wait3A_132 = arith.constant 0 : i32
        %dma_wait3A_133 = tpu.memref_slice %arg28[%dma_wait3A_132] : memref<2000xf32, #tpu.memory_space<vmem>> -> memref<1568xf32, #tpu.memory_space<vmem>>
        %dma_wait3A_134 = tpu.memref_slice %arg12[%add3A_125] : memref<100352xf32, #tpu.memory_space<vmem_shared>> -> memref<1568xf32, #tpu.memory_space<vmem_shared>>
        %dma_wait3A_135 = tpu.memref_slice %arg12[%add3A_125] : memref<100352xf32, #tpu.memory_space<vmem_shared>> -> memref<1568xf32, #tpu.memory_space<vmem_shared>>
        %dma_wait3A_136 = arith.constant 0 : i32
        %dma_wait3A_137 = tpu.memref_slice %arg28[%dma_wait3A_136] : memref<2000xf32, #tpu.memory_space<vmem>> -> memref<1568xf32, #tpu.memory_space<vmem>>
        tpu.wait_dma2 semaphore(%run_scoped3A : memref<!tpu.dma_semaphore, #tpu.memory_space<semaphore_mem>>) src(%dma_wait3A_137 : memref<1568xf32, #tpu.memory_space<vmem>>) dst(%dma_wait3A_135 : memref<1568xf32, #tpu.memory_space<vmem_shared>>)
        tpu.yield
      }) : () -> ()
      "tpu.region"() ({
        %run_scoped3A = tpu.sem_alloc : memref<!tpu.dma_semaphore, #tpu.memory_space<semaphore_mem>>
        %dma_start3A_126 = arith.constant 0 : i32
        %dma_start3A_127 = tpu.memref_slice %arg28[%dma_start3A_126] : memref<2000xf32, #tpu.memory_space<vmem>> -> memref<1568xf32, #tpu.memory_space<vmem>>
        %dma_start3A_128 = tpu.memref_slice %arg13[%add3A_125] : memref<100352xf32, #tpu.memory_space<vmem_shared>> -> memref<1568xf32, #tpu.memory_space<vmem_shared>>
        %dma_start3A_129 = tpu.memref_slice %arg13[%add3A_125] : memref<100352xf32, #tpu.memory_space<vmem_shared>> -> memref<1568xf32, #tpu.memory_space<vmem_shared>>
        %dma_start3A_130 = arith.constant 0 : i32
        %dma_start3A_131 = tpu.memref_slice %arg28[%dma_start3A_130] : memref<2000xf32, #tpu.memory_space<vmem>> -> memref<1568xf32, #tpu.memory_space<vmem>>
        tpu.enqueue_dma source(%dma_start3A_131 : memref<1568xf32, #tpu.memory_space<vmem>>) target(%dma_start3A_129 : memref<1568xf32, #tpu.memory_space<vmem_shared>>) target_semaphore(%run_scoped3A : memref<!tpu.dma_semaphore, #tpu.memory_space<semaphore_mem>>)
        %dma_wait3A_132 = arith.constant 0 : i32
        %dma_wait3A_133 = tpu.memref_slice %arg28[%dma_wait3A_132] : memref<2000xf32, #tpu.memory_space<vmem>> -> memref<1568xf32, #tpu.memory_space<vmem>>
        %dma_wait3A_134 = tpu.memref_slice %arg13[%add3A_125] : memref<100352xf32, #tpu.memory_space<vmem_shared>> -> memref<1568xf32, #tpu.memory_space<vmem_shared>>
        %dma_wait3A_135 = tpu.memref_slice %arg13[%add3A_125] : memref<100352xf32, #tpu.memory_space<vmem_shared>> -> memref<1568xf32, #tpu.memory_space<vmem_shared>>
        %dma_wait3A_136 = arith.constant 0 : i32
        %dma_wait3A_137 = tpu.memref_slice %arg28[%dma_wait3A_136] : memref<2000xf32, #tpu.memory_space<vmem>> -> memref<1568xf32, #tpu.memory_space<vmem>>
        tpu.wait_dma2 semaphore(%run_scoped3A : memref<!tpu.dma_semaphore, #tpu.memory_space<semaphore_mem>>) src(%dma_wait3A_137 : memref<1568xf32, #tpu.memory_space<vmem>>) dst(%dma_wait3A_135 : memref<1568xf32, #tpu.memory_space<vmem_shared>>)
        tpu.yield
      }) : () -> ()
    } else {
    }
    "tpu.region"() ({
      %run_scoped3A = tpu.sem_alloc : memref<!tpu.dma_semaphore, #tpu.memory_space<semaphore_mem>>
      tpu.enqueue_dma source(%arg4 : memref<64xf32, #tpu.memory_space<hbm>>) target(%arg32 : memref<64xf32, #tpu.memory_space<vmem>>) target_semaphore(%run_scoped3A : memref<!tpu.dma_semaphore, #tpu.memory_space<semaphore_mem>>)
      tpu.wait_dma2 semaphore(%run_scoped3A : memref<!tpu.dma_semaphore, #tpu.memory_space<semaphore_mem>>) src(%arg4 : memref<64xf32, #tpu.memory_space<hbm>>) dst(%arg32 : memref<64xf32, #tpu.memory_space<vmem>>)
      tpu.yield
    }) : () -> ()
    %barrier3A = arith.constant 0 : index
    tpu.barrier barrier_id(%barrier3A)
    %get3A = arith.constant 0 : index
    %get3A_39 = tpu.vector_load %arg32[%get3A] {strides = array<i32>} : memref<64xf32, #tpu.memory_space<vmem>>, vector<16xf32>,
    %get3A_40 = vector.shape_cast %get3A_39 : vector<16xf32> to vector<16xf32>
    %get3A_41 = arith.constant 16 : index
    %get3A_42 = tpu.vector_load %arg32[%get3A_41] {strides = array<i32>} : memref<64xf32, #tpu.memory_space<vmem>>, vector<16xf32>,
    %get3A_43 = vector.shape_cast %get3A_42 : vector<16xf32> to vector<16xf32>
    %get3A_44 = arith.constant 32 : index
    %get3A_45 = tpu.vector_load %arg32[%get3A_44] {strides = array<i32>} : memref<64xf32, #tpu.memory_space<vmem>>, vector<16xf32>,
    %get3A_46 = vector.shape_cast %get3A_45 : vector<16xf32> to vector<16xf32>
    %get3A_47 = arith.constant 48 : index
    %get3A_48 = tpu.vector_load %arg32[%get3A_47] {strides = array<i32>} : memref<64xf32, #tpu.memory_space<vmem>>, vector<16xf32>,
    %get3A_49 = vector.shape_cast %get3A_48 : vector<16xf32> to vector<16xf32>
    %mul3A_50 = arith.constant 200000 : i32
    %mul3A_51 = arith.muli %add3A, %mul3A_50 : i32
    %add3A_52 = arith.constant 0 : i32
    %add3A_53 = arith.addi %mul3A_51, %add3A_52 : i32
    %dma_start3A = tpu.memref_slice %arg5[%add3A_53] : memref<6400000xi32, #tpu.memory_space<hbm>> -> memref<2000xi32, #tpu.memory_space<hbm>>
    %dma_start3A_54 = tpu.memref_slice %arg5[%add3A_53] : memref<6400000xi32, #tpu.memory_space<hbm>> -> memref<2000xi32, #tpu.memory_space<hbm>>
    tpu.enqueue_dma source(%dma_start3A_54 : memref<2000xi32, #tpu.memory_space<hbm>>) target(%arg14 : memref<2000xi32, #tpu.memory_space<vmem>>) target_semaphore(%arg33 : memref<!tpu.dma_semaphore, #tpu.memory_space<semaphore_mem>>)
    %dma_start3A_55 = tpu.memref_slice %arg6[%add3A_53] : memref<6400000xi32, #tpu.memory_space<hbm>> -> memref<2000xi32, #tpu.memory_space<hbm>>
    %dma_start3A_56 = tpu.memref_slice %arg6[%add3A_53] : memref<6400000xi32, #tpu.memory_space<hbm>> -> memref<2000xi32, #tpu.memory_space<hbm>>
    tpu.enqueue_dma source(%dma_start3A_56 : memref<2000xi32, #tpu.memory_space<hbm>>) target(%arg16 : memref<2000xi32, #tpu.memory_space<vmem>>) target_semaphore(%arg33 : memref<!tpu.dma_semaphore, #tpu.memory_space<semaphore_mem>>)
    %dma_start3A_57 = tpu.memref_slice %arg7[%add3A_53] : memref<6400000xf32, #tpu.memory_space<hbm>> -> memref<2000xf32, #tpu.memory_space<hbm>>
    %dma_start3A_58 = tpu.memref_slice %arg7[%add3A_53] : memref<6400000xf32, #tpu.memory_space<hbm>> -> memref<2000xf32, #tpu.memory_space<hbm>>
    tpu.enqueue_dma source(%dma_start3A_58 : memref<2000xf32, #tpu.memory_space<hbm>>) target(%arg20 : memref<2000xf32, #tpu.memory_space<vmem>>) target_semaphore(%arg33 : memref<!tpu.dma_semaphore, #tpu.memory_space<semaphore_mem>>)
    %add3A_59 = arith.constant 2000 : i32
    %add3A_60 = arith.addi %mul3A_51, %add3A_59 : i32
    %dma_start3A_61 = tpu.memref_slice %arg5[%add3A_60] : memref<6400000xi32, #tpu.memory_space<hbm>> -> memref<2000xi32, #tpu.memory_space<hbm>>
    %dma_start3A_62 = tpu.memref_slice %arg5[%add3A_60] : memref<6400000xi32, #tpu.memory_space<hbm>> -> memref<2000xi32, #tpu.memory_space<hbm>>
    tpu.enqueue_dma source(%dma_start3A_62 : memref<2000xi32, #tpu.memory_space<hbm>>) target(%arg15 : memref<2000xi32, #tpu.memory_space<vmem>>) target_semaphore(%arg34 : memref<!tpu.dma_semaphore, #tpu.memory_space<semaphore_mem>>)
    %dma_start3A_63 = tpu.memref_slice %arg6[%add3A_60] : memref<6400000xi32, #tpu.memory_space<hbm>> -> memref<2000xi32, #tpu.memory_space<hbm>>
    %dma_start3A_64 = tpu.memref_slice %arg6[%add3A_60] : memref<6400000xi32, #tpu.memory_space<hbm>> -> memref<2000xi32, #tpu.memory_space<hbm>>
    tpu.enqueue_dma source(%dma_start3A_64 : memref<2000xi32, #tpu.memory_space<hbm>>) target(%arg17 : memref<2000xi32, #tpu.memory_space<vmem>>) target_semaphore(%arg34 : memref<!tpu.dma_semaphore, #tpu.memory_space<semaphore_mem>>)
    %dma_start3A_65 = tpu.memref_slice %arg7[%add3A_60] : memref<6400000xf32, #tpu.memory_space<hbm>> -> memref<2000xf32, #tpu.memory_space<hbm>>
    %dma_start3A_66 = tpu.memref_slice %arg7[%add3A_60] : memref<6400000xf32, #tpu.memory_space<hbm>> -> memref<2000xf32, #tpu.memory_space<hbm>>
    tpu.enqueue_dma source(%dma_start3A_66 : memref<2000xf32, #tpu.memory_space<hbm>>) target(%arg21 : memref<2000xf32, #tpu.memory_space<vmem>>) target_semaphore(%arg34 : memref<!tpu.dma_semaphore, #tpu.memory_space<semaphore_mem>>)
    %dma_wait3A = arith.constant 0 : i32
    %dma_wait3A_67 = tpu.memref_slice %arg5[%dma_wait3A] : memref<6400000xi32, #tpu.memory_space<hbm>> -> memref<2000xi32, #tpu.memory_space<hbm>>
    %dma_wait3A_68 = arith.constant 0 : i32
    %dma_wait3A_69 = tpu.memref_slice %arg5[%dma_wait3A_68] : memref<6400000xi32, #tpu.memory_space<hbm>> -> memref<2000xi32, #tpu.memory_space<hbm>>
    tpu.wait_dma2 semaphore(%arg33 : memref<!tpu.dma_semaphore, #tpu.memory_space<semaphore_mem>>) src(%dma_wait3A_69 : memref<2000xi32, #tpu.memory_space<hbm>>) dst(%arg14 : memref<2000xi32, #tpu.memory_space<vmem>>)
    %dma_wait3A_70 = arith.constant 0 : i32
    %dma_wait3A_71 = tpu.memref_slice %arg6[%dma_wait3A_70] : memref<6400000xi32, #tpu.memory_space<hbm>> -> memref<2000xi32, #tpu.memory_space<hbm>>
    %dma_wait3A_72 = arith.constant 0 : i32
    %dma_wait3A_73 = tpu.memref_slice %arg6[%dma_wait3A_72] : memref<6400000xi32, #tpu.memory_space<hbm>> -> memref<2000xi32, #tpu.memory_space<hbm>>
    tpu.wait_dma2 semaphore(%arg33 : memref<!tpu.dma_semaphore, #tpu.memory_space<semaphore_mem>>) src(%dma_wait3A_73 : memref<2000xi32, #tpu.memory_space<hbm>>) dst(%arg16 : memref<2000xi32, #tpu.memory_space<vmem>>)
    %dma_wait3A_74 = arith.constant 0 : i32
    %dma_wait3A_75 = tpu.memref_slice %arg7[%dma_wait3A_74] : memref<6400000xf32, #tpu.memory_space<hbm>> -> memref<2000xf32, #tpu.memory_space<hbm>>
    %dma_wait3A_76 = arith.constant 0 : i32
    %dma_wait3A_77 = tpu.memref_slice %arg7[%dma_wait3A_76] : memref<6400000xf32, #tpu.memory_space<hbm>> -> memref<2000xf32, #tpu.memory_space<hbm>>
    tpu.wait_dma2 semaphore(%arg33 : memref<!tpu.dma_semaphore, #tpu.memory_space<semaphore_mem>>) src(%dma_wait3A_77 : memref<2000xf32, #tpu.memory_space<hbm>>) dst(%arg20 : memref<2000xf32, #tpu.memory_space<vmem>>)
    %dma_start3A_78 = arith.constant 0 : i32
    %dma_start3A_79 = tpu.memref_slice %arg10[%dma_start3A_78] : memref<100352xf32, #tpu.memory_space<vmem_shared>> -> memref<100352xf32, #tpu.memory_space<vmem_shared>>
    tpu.enqueue_indirect_dma source(%dma_start3A_79 : memref<100352xf32, #tpu.memory_space<vmem_shared>>) target(%arg24 : memref<2000xf32, #tpu.memory_space<vmem>>) offsets(%arg14 : memref<2000xi32, #tpu.memory_space<vmem>>) semaphore(%arg35 : memref<!tpu.dma_semaphore, #tpu.memory_space<semaphore_mem>>)
    %dma_start3A_80 = arith.constant 0 : i32
    %dma_start3A_81 = tpu.memref_slice %arg11[%dma_start3A_80] : memref<100352xf32, #tpu.memory_space<vmem_shared>> -> memref<100352xf32, #tpu.memory_space<vmem_shared>>
    tpu.enqueue_indirect_dma source(%dma_start3A_81 : memref<100352xf32, #tpu.memory_space<vmem_shared>>) target(%arg26 : memref<2000xf32, #tpu.memory_space<vmem>>) offsets(%arg14 : memref<2000xi32, #tpu.memory_space<vmem>>) semaphore(%arg35 : memref<!tpu.dma_semaphore, #tpu.memory_space<semaphore_mem>>)
    %scan3A_82 = arith.constant 0 : i32
    %scan3A_83 = arith.constant 0 : i32
    %scan3A_84 = arith.constant 25 : i32
    %scan3A_85 = arith.addi %scan3A_83, %scan3A_84 : i32
    %scan3A_86 = arith.constant 1 : i32
    %scan3A_87 = scf.for %scan3A_118 = %scan3A_83 to %scan3A_85 step %scan3A_86 iter_args(%scan3A_119 = %scan3A_82) -> (i32)  : i32 {
      %dma_wait3A_120 = arith.constant 0 : i32
      %dma_wait3A_121 = tpu.memref_slice %arg10[%dma_wait3A_120] : memref<100352xf32, #tpu.memory_space<vmem_shared>> -> memref<100352xf32, #tpu.memory_space<vmem_shared>>
      tpu.wait_indirect_dma semaphore(%arg35 : memref<!tpu.dma_semaphore, #tpu.memory_space<semaphore_mem>>) src(%dma_wait3A_121 : memref<100352xf32, #tpu.memory_space<vmem_shared>>) dst(%arg24 : memref<2000xf32, #tpu.memory_space<vmem>>)
      %dma_wait3A_122 = arith.constant 0 : i32
      %dma_wait3A_123 = tpu.memref_slice %arg11[%dma_wait3A_122] : memref<100352xf32, #tpu.memory_space<vmem_shared>> -> memref<100352xf32, #tpu.memory_space<vmem_shared>>
      tpu.wait_indirect_dma semaphore(%arg35 : memref<!tpu.dma_semaphore, #tpu.memory_space<semaphore_mem>>) src(%dma_wait3A_123 : memref<100352xf32, #tpu.memory_space<vmem_shared>>) dst(%arg26 : memref<2000xf32, #tpu.memory_space<vmem>>)
      %dma_wait3A_124 = arith.constant 0 : i32
      %dma_wait3A_125 = tpu.memref_slice %arg5[%dma_wait3A_124] : memref<6400000xi32, #tpu.memory_space<hbm>> -> memref<2000xi32, #tpu.memory_space<hbm>>
      %dma_wait3A_126 = arith.constant 0 : i32
      %dma_wait3A_127 = tpu.memref_slice %arg5[%dma_wait3A_126] : memref<6400000xi32, #tpu.memory_space<hbm>> -> memref<2000xi32, #tpu.memory_space<hbm>>
      tpu.wait_dma2 semaphore(%arg34 : memref<!tpu.dma_semaphore, #tpu.memory_space<semaphore_mem>>) src(%dma_wait3A_127 : memref<2000xi32, #tpu.memory_space<hbm>>) dst(%arg15 : memref<2000xi32, #tpu.memory_space<vmem>>)
      %dma_wait3A_128 = arith.constant 0 : i32
      %dma_wait3A_129 = tpu.memref_slice %arg6[%dma_wait3A_128] : memref<6400000xi32, #tpu.memory_space<hbm>> -> memref<2000xi32, #tpu.memory_space<hbm>>
      %dma_wait3A_130 = arith.constant 0 : i32
      %dma_wait3A_131 = tpu.memref_slice %arg6[%dma_wait3A_130] : memref<6400000xi32, #tpu.memory_space<hbm>> -> memref<2000xi32, #tpu.memory_space<hbm>>
      tpu.wait_dma2 semaphore(%arg34 : memref<!tpu.dma_semaphore, #tpu.memory_space<semaphore_mem>>) src(%dma_wait3A_131 : memref<2000xi32, #tpu.memory_space<hbm>>) dst(%arg17 : memref<2000xi32, #tpu.memory_space<vmem>>)
      %dma_wait3A_132 = arith.constant 0 : i32
      %dma_wait3A_133 = tpu.memref_slice %arg7[%dma_wait3A_132] : memref<6400000xf32, #tpu.memory_space<hbm>> -> memref<2000xf32, #tpu.memory_space<hbm>>
      %dma_wait3A_134 = arith.constant 0 : i32
      %dma_wait3A_135 = tpu.memref_slice %arg7[%dma_wait3A_134] : memref<6400000xf32, #tpu.memory_space<hbm>> -> memref<2000xf32, #tpu.memory_space<hbm>>
      tpu.wait_dma2 semaphore(%arg34 : memref<!tpu.dma_semaphore, #tpu.memory_space<semaphore_mem>>) src(%dma_wait3A_135 : memref<2000xf32, #tpu.memory_space<hbm>>) dst(%arg21 : memref<2000xf32, #tpu.memory_space<vmem>>)
      %dma_start3A_136 = arith.constant 0 : i32
      %dma_start3A_137 = tpu.memref_slice %arg10[%dma_start3A_136] : memref<100352xf32, #tpu.memory_space<vmem_shared>> -> memref<100352xf32, #tpu.memory_space<vmem_shared>>
      tpu.enqueue_indirect_dma source(%dma_start3A_137 : memref<100352xf32, #tpu.memory_space<vmem_shared>>) target(%arg25 : memref<2000xf32, #tpu.memory_space<vmem>>) offsets(%arg15 : memref<2000xi32, #tpu.memory_space<vmem>>) semaphore(%arg36 : memref<!tpu.dma_semaphore, #tpu.memory_space<semaphore_mem>>)
      %dma_start3A_138 = arith.constant 0 : i32
      %dma_start3A_139 = tpu.memref_slice %arg11[%dma_start3A_138] : memref<100352xf32, #tpu.memory_space<vmem_shared>> -> memref<100352xf32, #tpu.memory_space<vmem_shared>>
      tpu.enqueue_indirect_dma source(%dma_start3A_139 : memref<100352xf32, #tpu.memory_space<vmem_shared>>) target(%arg27 : memref<2000xf32, #tpu.memory_space<vmem>>) offsets(%arg15 : memref<2000xi32, #tpu.memory_space<vmem>>) semaphore(%arg36 : memref<!tpu.dma_semaphore, #tpu.memory_space<semaphore_mem>>)
      %ge3A = arith.constant 1 : i32
      %ge3A_140 = arith.cmpi sge, %scan3A_118, %ge3A : i32
      %convert_element_type3A_141 = arith.extui %ge3A_140 : i1 to i32
      %cond3A_142 = arith.constant 0 : i32
      %cond3A_143 = arith.cmpi ne, %convert_element_type3A_141, %cond3A_142 : i32
      scf.if %cond3A_143 {
        %dma_wait3A_290 = arith.constant 0 : i32
        %dma_wait3A_291 = tpu.memref_slice %arg12[%dma_wait3A_290] : memref<100352xf32, #tpu.memory_space<vmem_shared>> -> memref<100352xf32, #tpu.memory_space<vmem_shared>>
        tpu.wait_indirect_dma semaphore(%arg37 : memref<!tpu.dma_semaphore, #tpu.memory_space<semaphore_mem>>) src(%arg28 : memref<2000xf32, #tpu.memory_space<vmem>>) dst(%dma_wait3A_291 : memref<100352xf32, #tpu.memory_space<vmem_shared>>)
        %dma_wait3A_292 = arith.constant 0 : i32
        %dma_wait3A_293 = tpu.memref_slice %arg13[%dma_wait3A_292] : memref<100352xf32, #tpu.memory_space<vmem_shared>> -> memref<100352xf32, #tpu.memory_space<vmem_shared>>
        tpu.wait_indirect_dma semaphore(%arg37 : memref<!tpu.dma_semaphore, #tpu.memory_space<semaphore_mem>>) src(%arg30 : memref<2000xf32, #tpu.memory_space<vmem>>) dst(%dma_wait3A_293 : memref<100352xf32, #tpu.memory_space<vmem_shared>>)
      } else {
      }
      %mul3A_144 = arith.constant 4 : i32
      %mul3A_145 = arith.muli %mul3A_144, %scan3A_118 : i32
      %add3A_146 = arith.constant 0 : i32
      %add3A_147 = arith.addi %mul3A_145, %add3A_146 : i32
      %add3A_148 = arith.constant 2 : i32
      %add3A_149 = arith.addi %add3A_147, %add3A_148 : i32
      %mul3A_150 = arith.constant 2000 : i32
      %mul3A_151 = arith.muli %add3A_149, %mul3A_150 : i32
      %add3A_152 = arith.addi %mul3A_51, %mul3A_151 : i32
      %dma_start3A_153 = tpu.memref_slice %arg5[%add3A_152] : memref<6400000xi32, #tpu.memory_space<hbm>> -> memref<2000xi32, #tpu.memory_space<hbm>>
      %dma_start3A_154 = tpu.memref_slice %arg5[%add3A_152] : memref<6400000xi32, #tpu.memory_space<hbm>> -> memref<2000xi32, #tpu.memory_space<hbm>>
      tpu.enqueue_dma source(%dma_start3A_154 : memref<2000xi32, #tpu.memory_space<hbm>>) target(%arg14 : memref<2000xi32, #tpu.memory_space<vmem>>) target_semaphore(%arg33 : memref<!tpu.dma_semaphore, #tpu.memory_space<semaphore_mem>>)
      %dma_start3A_155 = tpu.memref_slice %arg6[%add3A_152] : memref<6400000xi32, #tpu.memory_space<hbm>> -> memref<2000xi32, #tpu.memory_space<hbm>>
      %dma_start3A_156 = tpu.memref_slice %arg6[%add3A_152] : memref<6400000xi32, #tpu.memory_space<hbm>> -> memref<2000xi32, #tpu.memory_space<hbm>>
      tpu.enqueue_dma source(%dma_start3A_156 : memref<2000xi32, #tpu.memory_space<hbm>>) target(%arg18 : memref<2000xi32, #tpu.memory_space<vmem>>) target_semaphore(%arg33 : memref<!tpu.dma_semaphore, #tpu.memory_space<semaphore_mem>>)
      %dma_start3A_157 = tpu.memref_slice %arg7[%add3A_152] : memref<6400000xf32, #tpu.memory_space<hbm>> -> memref<2000xf32, #tpu.memory_space<hbm>>
      %dma_start3A_158 = tpu.memref_slice %arg7[%add3A_152] : memref<6400000xf32, #tpu.memory_space<hbm>> -> memref<2000xf32, #tpu.memory_space<hbm>>
      tpu.enqueue_dma source(%dma_start3A_158 : memref<2000xf32, #tpu.memory_space<hbm>>) target(%arg22 : memref<2000xf32, #tpu.memory_space<vmem>>) target_semaphore(%arg33 : memref<!tpu.dma_semaphore, #tpu.memory_space<semaphore_mem>>)
      %scan3A_159 = arith.constant 0 : i32
      %scan3A_160 = arith.constant 0 : i32
      %scan3A_161 = arith.constant 125 : i32
      %scan3A_162 = arith.addi %scan3A_160, %scan3A_161 : i32
      %scan3A_163 = arith.constant 1 : i32
      %scan3A_164 = scf.for %scan3A_290 = %scan3A_160 to %scan3A_162 step %scan3A_163 iter_args(%scan3A_291 = %scan3A_159) -> (i32)  : i32 {
        %mul3A_292 = arith.constant 16 : i32
        %mul3A_293 = arith.muli %scan3A_290, %mul3A_292 : i32
        %get3A_294 = arith.index_cast %mul3A_293 : i32 to index
        %get3A_295 = tpu.vector_load %arg24[%get3A_294] {strides = array<i32>} : memref<2000xf32, #tpu.memory_space<vmem>>, vector<16xf32>,
        %get3A_296 = vector.shape_cast %get3A_295 : vector<16xf32> to vector<16xf32>
        %get3A_297 = arith.index_cast %mul3A_293 : i32 to index
        %get3A_298 = tpu.vector_load %arg26[%get3A_297] {strides = array<i32>} : memref<2000xf32, #tpu.memory_space<vmem>>, vector<16xf32>,
        %get3A_299 = vector.shape_cast %get3A_298 : vector<16xf32> to vector<16xf32>
        %get3A_300 = arith.index_cast %mul3A_293 : i32 to index
        %get3A_301 = tpu.vector_load %arg20[%get3A_300] {strides = array<i32>} : memref<2000xf32, #tpu.memory_space<vmem>>, vector<16xf32>,
        %get3A_302 = vector.shape_cast %get3A_301 : vector<16xf32> to vector<16xf32>
        %mul3A_303 = arith.mulf %get3A_296, %get3A_40 : vector<16xf32>
        %mul3A_304 = arith.mulf %get3A_299, %get3A_46 : vector<16xf32>
        %add3A_305 = arith.addf %mul3A_303, %mul3A_304 : vector<16xf32>
        %mul3A_306 = arith.mulf %get3A_302, %add3A_305 : vector<16xf32>
        %swap3A = arith.index_cast %mul3A_293 : i32 to index
        %swap3A_307 = tpu.vector_load %arg28[%swap3A] {strides = array<i32>} : memref<2000xf32, #tpu.memory_space<vmem>>, vector<16xf32>,
        %swap3A_308 = vector.shape_cast %swap3A_307 : vector<16xf32> to vector<16xf32>
        %swap3A_309 = vector.shape_cast %mul3A_306 : vector<16xf32> to vector<16xf32>
        tpu.vector_store %arg28[%swap3A], %swap3A_309 {strides = array<i32>} : memref<2000xf32, #tpu.memory_space<vmem>>, vector<16xf32>,
        %mul3A_310 = arith.mulf %get3A_296, %get3A_43 : vector<16xf32>
        %mul3A_311 = arith.mulf %get3A_299, %get3A_49 : vector<16xf32>
        %add3A_312 = arith.addf %mul3A_310, %mul3A_311 : vector<16xf32>
        %mul3A_313 = arith.mulf %get3A_302, %add3A_312 : vector<16xf32>
        %swap3A_314 = arith.index_cast %mul3A_293 : i32 to index
        %swap3A_315 = tpu.vector_load %arg30[%swap3A_314] {strides = array<i32>} : memref<2000xf32, #tpu.memory_space<vmem>>, vector<16xf32>,
        %swap3A_316 = vector.shape_cast %swap3A_315 : vector<16xf32> to vector<16xf32>
        %swap3A_317 = vector.shape_cast %mul3A_313 : vector<16xf32> to vector<16xf32>
        tpu.vector_store %arg30[%swap3A_314], %swap3A_317 {strides = array<i32>} : memref<2000xf32, #tpu.memory_space<vmem>>, vector<16xf32>,
        %scan3A_318 = arith.constant 0 : i32
        scf.yield %scan3A_318 : i32
      }
      %scan3A_165 = arith.constant 125 : i32
      %dma_start3A_166 = arith.constant 0 : i32
      %dma_start3A_167 = tpu.memref_slice %arg12[%dma_start3A_166] : memref<100352xf32, #tpu.memory_space<vmem_shared>> -> memref<100352xf32, #tpu.memory_space<vmem_shared>>
      tpu.enqueue_indirect_dma source(%arg28 : memref<2000xf32, #tpu.memory_space<vmem>>) target(%dma_start3A_167 : memref<100352xf32, #tpu.memory_space<vmem_shared>>) offsets(%arg16 : memref<2000xi32, #tpu.memory_space<vmem>>) semaphore(%arg37 : memref<!tpu.dma_semaphore, #tpu.memory_space<semaphore_mem>>) {add = true}
      %dma_start3A_168 = arith.constant 0 : i32
      %dma_start3A_169 = tpu.memref_slice %arg13[%dma_start3A_168] : memref<100352xf32, #tpu.memory_space<vmem_shared>> -> memref<100352xf32, #tpu.memory_space<vmem_shared>>
      tpu.enqueue_indirect_dma source(%arg30 : memref<2000xf32, #tpu.memory_space<vmem>>) target(%dma_start3A_169 : memref<100352xf32, #tpu.memory_space<vmem_shared>>) offsets(%arg16 : memref<2000xi32, #tpu.memory_space<vmem>>) semaphore(%arg37 : memref<!tpu.dma_semaphore, #tpu.memory_space<semaphore_mem>>) {add = true}
      %dma_wait3A_170 = arith.constant 0 : i32
      %dma_wait3A_171 = tpu.memref_slice %arg10[%dma_wait3A_170] : memref<100352xf32, #tpu.memory_space<vmem_shared>> -> memref<100352xf32, #tpu.memory_space<vmem_shared>>
      tpu.wait_indirect_dma semaphore(%arg36 : memref<!tpu.dma_semaphore, #tpu.memory_space<semaphore_mem>>) src(%dma_wait3A_171 : memref<100352xf32, #tpu.memory_space<vmem_shared>>) dst(%arg25 : memref<2000xf32, #tpu.memory_space<vmem>>)
      %dma_wait3A_172 = arith.constant 0 : i32
      %dma_wait3A_173 = tpu.memref_slice %arg11[%dma_wait3A_172] : memref<100352xf32, #tpu.memory_space<vmem_shared>> -> memref<100352xf32, #tpu.memory_space<vmem_shared>>
      tpu.wait_indirect_dma semaphore(%arg36 : memref<!tpu.dma_semaphore, #tpu.memory_space<semaphore_mem>>) src(%dma_wait3A_173 : memref<100352xf32, #tpu.memory_space<vmem_shared>>) dst(%arg27 : memref<2000xf32, #tpu.memory_space<vmem>>)
      %dma_wait3A_174 = arith.constant 0 : i32
      %dma_wait3A_175 = tpu.memref_slice %arg5[%dma_wait3A_174] : memref<6400000xi32, #tpu.memory_space<hbm>> -> memref<2000xi32, #tpu.memory_space<hbm>>
      %dma_wait3A_176 = arith.constant 0 : i32
      %dma_wait3A_177 = tpu.memref_slice %arg5[%dma_wait3A_176] : memref<6400000xi32, #tpu.memory_space<hbm>> -> memref<2000xi32, #tpu.memory_space<hbm>>
      tpu.wait_dma2 semaphore(%arg33 : memref<!tpu.dma_semaphore, #tpu.memory_space<semaphore_mem>>) src(%dma_wait3A_177 : memref<2000xi32, #tpu.memory_space<hbm>>) dst(%arg14 : memref<2000xi32, #tpu.memory_space<vmem>>)
      %dma_wait3A_178 = arith.constant 0 : i32
      %dma_wait3A_179 = tpu.memref_slice %arg6[%dma_wait3A_178] : memref<6400000xi32, #tpu.memory_space<hbm>> -> memref<2000xi32, #tpu.memory_space<hbm>>
      %dma_wait3A_180 = arith.constant 0 : i32
      %dma_wait3A_181 = tpu.memref_slice %arg6[%dma_wait3A_180] : memref<6400000xi32, #tpu.memory_space<hbm>> -> memref<2000xi32, #tpu.memory_space<hbm>>
      tpu.wait_dma2 semaphore(%arg33 : memref<!tpu.dma_semaphore, #tpu.memory_space<semaphore_mem>>) src(%dma_wait3A_181 : memref<2000xi32, #tpu.memory_space<hbm>>) dst(%arg18 : memref<2000xi32, #tpu.memory_space<vmem>>)
      %dma_wait3A_182 = arith.constant 0 : i32
      %dma_wait3A_183 = tpu.memref_slice %arg7[%dma_wait3A_182] : memref<6400000xf32, #tpu.memory_space<hbm>> -> memref<2000xf32, #tpu.memory_space<hbm>>
      %dma_wait3A_184 = arith.constant 0 : i32
      %dma_wait3A_185 = tpu.memref_slice %arg7[%dma_wait3A_184] : memref<6400000xf32, #tpu.memory_space<hbm>> -> memref<2000xf32, #tpu.memory_space<hbm>>
      tpu.wait_dma2 semaphore(%arg33 : memref<!tpu.dma_semaphore, #tpu.memory_space<semaphore_mem>>) src(%dma_wait3A_185 : memref<2000xf32, #tpu.memory_space<hbm>>) dst(%arg22 : memref<2000xf32, #tpu.memory_space<vmem>>)
      %dma_start3A_186 = arith.constant 0 : i32
      %dma_start3A_187 = tpu.memref_slice %arg10[%dma_start3A_186] : memref<100352xf32, #tpu.memory_space<vmem_shared>> -> memref<100352xf32, #tpu.memory_space<vmem_shared>>
      tpu.enqueue_indirect_dma source(%dma_start3A_187 : memref<100352xf32, #tpu.memory_space<vmem_shared>>) target(%arg24 : memref<2000xf32, #tpu.memory_space<vmem>>) offsets(%arg14 : memref<2000xi32, #tpu.memory_space<vmem>>) semaphore(%arg35 : memref<!tpu.dma_semaphore, #tpu.memory_space<semaphore_mem>>)
      %dma_start3A_188 = arith.constant 0 : i32
      %dma_start3A_189 = tpu.memref_slice %arg11[%dma_start3A_188] : memref<100352xf32, #tpu.memory_space<vmem_shared>> -> memref<100352xf32, #tpu.memory_space<vmem_shared>>
      tpu.enqueue_indirect_dma source(%dma_start3A_189 : memref<100352xf32, #tpu.memory_space<vmem_shared>>) target(%arg26 : memref<2000xf32, #tpu.memory_space<vmem>>) offsets(%arg14 : memref<2000xi32, #tpu.memory_space<vmem>>) semaphore(%arg35 : memref<!tpu.dma_semaphore, #tpu.memory_space<semaphore_mem>>)
      %ge3A_190 = arith.constant 1 : i32
      %ge3A_191 = arith.cmpi sge, %scan3A_118, %ge3A_190 : i32
      %convert_element_type3A_192 = arith.extui %ge3A_191 : i1 to i32
      %cond3A_193 = arith.constant 0 : i32
      %cond3A_194 = arith.cmpi ne, %convert_element_type3A_192, %cond3A_193 : i32
      scf.if %cond3A_194 {
        %dma_wait3A_290 = arith.constant 0 : i32
        %dma_wait3A_291 = tpu.memref_slice %arg12[%dma_wait3A_290] : memref<100352xf32, #tpu.memory_space<vmem_shared>> -> memref<100352xf32, #tpu.memory_space<vmem_shared>>
        tpu.wait_indirect_dma semaphore(%arg38 : memref<!tpu.dma_semaphore, #tpu.memory_space<semaphore_mem>>) src(%arg29 : memref<2000xf32, #tpu.memory_space<vmem>>) dst(%dma_wait3A_291 : memref<100352xf32, #tpu.memory_space<vmem_shared>>)
        %dma_wait3A_292 = arith.constant 0 : i32
        %dma_wait3A_293 = tpu.memref_slice %arg13[%dma_wait3A_292] : memref<100352xf32, #tpu.memory_space<vmem_shared>> -> memref<100352xf32, #tpu.memory_space<vmem_shared>>
        tpu.wait_indirect_dma semaphore(%arg38 : memref<!tpu.dma_semaphore, #tpu.memory_space<semaphore_mem>>) src(%arg31 : memref<2000xf32, #tpu.memory_space<vmem>>) dst(%dma_wait3A_293 : memref<100352xf32, #tpu.memory_space<vmem_shared>>)
      } else {
      }
      %mul3A_195 = arith.constant 4 : i32
      %mul3A_196 = arith.muli %mul3A_195, %scan3A_118 : i32
      %add3A_197 = arith.constant 1 : i32
      %add3A_198 = arith.addi %mul3A_196, %add3A_197 : i32
      %add3A_199 = arith.constant 2 : i32
      %add3A_200 = arith.addi %add3A_198, %add3A_199 : i32
      %mul3A_201 = arith.constant 2000 : i32
      %mul3A_202 = arith.muli %add3A_200, %mul3A_201 : i32
      %add3A_203 = arith.addi %mul3A_51, %mul3A_202 : i32
      %dma_start3A_204 = tpu.memref_slice %arg5[%add3A_203] : memref<6400000xi32, #tpu.memory_space<hbm>> -> memref<2000xi32, #tpu.memory_space<hbm>>
      %dma_start3A_205 = tpu.memref_slice %arg5[%add3A_203] : memref<6400000xi32, #tpu.memory_space<hbm>> -> memref<2000xi32, #tpu.memory_space<hbm>>
      tpu.enqueue_dma source(%dma_start3A_205 : memref<2000xi32, #tpu.memory_space<hbm>>) target(%arg15 : memref<2000xi32, #tpu.memory_space<vmem>>) target_semaphore(%arg34 : memref<!tpu.dma_semaphore, #tpu.memory_space<semaphore_mem>>)
      %dma_start3A_206 = tpu.memref_slice %arg6[%add3A_203] : memref<6400000xi32, #tpu.memory_space<hbm>> -> memref<2000xi32, #tpu.memory_space<hbm>>
      %dma_start3A_207 = tpu.memref_slice %arg6[%add3A_203] : memref<6400000xi32, #tpu.memory_space<hbm>> -> memref<2000xi32, #tpu.memory_space<hbm>>
      tpu.enqueue_dma source(%dma_start3A_207 : memref<2000xi32, #tpu.memory_space<hbm>>) target(%arg19 : memref<2000xi32, #tpu.memory_space<vmem>>) target_semaphore(%arg34 : memref<!tpu.dma_semaphore, #tpu.memory_space<semaphore_mem>>)
      %dma_start3A_208 = tpu.memref_slice %arg7[%add3A_203] : memref<6400000xf32, #tpu.memory_space<hbm>> -> memref<2000xf32, #tpu.memory_space<hbm>>
      %dma_start3A_209 = tpu.memref_slice %arg7[%add3A_203] : memref<6400000xf32, #tpu.memory_space<hbm>> -> memref<2000xf32, #tpu.memory_space<hbm>>
      tpu.enqueue_dma source(%dma_start3A_209 : memref<2000xf32, #tpu.memory_space<hbm>>) target(%arg23 : memref<2000xf32, #tpu.memory_space<vmem>>) target_semaphore(%arg34 : memref<!tpu.dma_semaphore, #tpu.memory_space<semaphore_mem>>)
      %scan3A_210 = arith.constant 0 : i32
      %scan3A_211 = arith.constant 0 : i32
      %scan3A_212 = arith.constant 125 : i32
      %scan3A_213 = arith.addi %scan3A_211, %scan3A_212 : i32
      %scan3A_214 = arith.constant 1 : i32
      %scan3A_215 = scf.for %scan3A_290 = %scan3A_211 to %scan3A_213 step %scan3A_214 iter_args(%scan3A_291 = %scan3A_210) -> (i32)  : i32 {
        %mul3A_292 = arith.constant 16 : i32
        %mul3A_293 = arith.muli %scan3A_290, %mul3A_292 : i32
        %get3A_294 = arith.index_cast %mul3A_293 : i32 to index
        %get3A_295 = tpu.vector_load %arg25[%get3A_294] {strides = array<i32>} : memref<2000xf32, #tpu.memory_space<vmem>>, vector<16xf32>,
        %get3A_296 = vector.shape_cast %get3A_295 : vector<16xf32> to vector<16xf32>
        %get3A_297 = arith.index_cast %mul3A_293 : i32 to index
        %get3A_298 = tpu.vector_load %arg27[%get3A_297] {strides = array<i32>} : memref<2000xf32, #tpu.memory_space<vmem>>, vector<16xf32>,
        %get3A_299 = vector.shape_cast %get3A_298 : vector<16xf32> to vector<16xf32>
        %get3A_300 = arith.index_cast %mul3A_293 : i32 to index
        %get3A_301 = tpu.vector_load %arg21[%get3A_300] {strides = array<i32>} : memref<2000xf32, #tpu.memory_space<vmem>>, vector<16xf32>,
        %get3A_302 = vector.shape_cast %get3A_301 : vector<16xf32> to vector<16xf32>
        %mul3A_303 = arith.mulf %get3A_296, %get3A_40 : vector<16xf32>
        %mul3A_304 = arith.mulf %get3A_299, %get3A_46 : vector<16xf32>
        %add3A_305 = arith.addf %mul3A_303, %mul3A_304 : vector<16xf32>
        %mul3A_306 = arith.mulf %get3A_302, %add3A_305 : vector<16xf32>
        %swap3A = arith.index_cast %mul3A_293 : i32 to index
        %swap3A_307 = tpu.vector_load %arg29[%swap3A] {strides = array<i32>} : memref<2000xf32, #tpu.memory_space<vmem>>, vector<16xf32>,
        %swap3A_308 = vector.shape_cast %swap3A_307 : vector<16xf32> to vector<16xf32>
        %swap3A_309 = vector.shape_cast %mul3A_306 : vector<16xf32> to vector<16xf32>
        tpu.vector_store %arg29[%swap3A], %swap3A_309 {strides = array<i32>} : memref<2000xf32, #tpu.memory_space<vmem>>, vector<16xf32>,
        %mul3A_310 = arith.mulf %get3A_296, %get3A_43 : vector<16xf32>
        %mul3A_311 = arith.mulf %get3A_299, %get3A_49 : vector<16xf32>
        %add3A_312 = arith.addf %mul3A_310, %mul3A_311 : vector<16xf32>
        %mul3A_313 = arith.mulf %get3A_302, %add3A_312 : vector<16xf32>
        %swap3A_314 = arith.index_cast %mul3A_293 : i32 to index
        %swap3A_315 = tpu.vector_load %arg31[%swap3A_314] {strides = array<i32>} : memref<2000xf32, #tpu.memory_space<vmem>>, vector<16xf32>,
        %swap3A_316 = vector.shape_cast %swap3A_315 : vector<16xf32> to vector<16xf32>
        %swap3A_317 = vector.shape_cast %mul3A_313 : vector<16xf32> to vector<16xf32>
        tpu.vector_store %arg31[%swap3A_314], %swap3A_317 {strides = array<i32>} : memref<2000xf32, #tpu.memory_space<vmem>>, vector<16xf32>,
        %scan3A_318 = arith.constant 0 : i32
        scf.yield %scan3A_318 : i32
      }
      %scan3A_216 = arith.constant 125 : i32
      %dma_start3A_217 = arith.constant 0 : i32
      %dma_start3A_218 = tpu.memref_slice %arg12[%dma_start3A_217] : memref<100352xf32, #tpu.memory_space<vmem_shared>> -> memref<100352xf32, #tpu.memory_space<vmem_shared>>
      tpu.enqueue_indirect_dma source(%arg29 : memref<2000xf32, #tpu.memory_space<vmem>>) target(%dma_start3A_218 : memref<100352xf32, #tpu.memory_space<vmem_shared>>) offsets(%arg17 : memref<2000xi32, #tpu.memory_space<vmem>>) semaphore(%arg38 : memref<!tpu.dma_semaphore, #tpu.memory_space<semaphore_mem>>) {add = true}
      %dma_start3A_219 = arith.constant 0 : i32
      %dma_start3A_220 = tpu.memref_slice %arg13[%dma_start3A_219] : memref<100352xf32, #tpu.memory_space<vmem_shared>> -> memref<100352xf32, #tpu.memory_space<vmem_shared>>
      tpu.enqueue_indirect_dma source(%arg31 : memref<2000xf32, #tpu.memory_space<vmem>>) target(%dma_start3A_220 : memref<100352xf32, #tpu.memory_space<vmem_shared>>) offsets(%arg17 : memref<2000xi32, #tpu.memory_space<vmem>>) semaphore(%arg38 : memref<!tpu.dma_semaphore, #tpu.memory_space<semaphore_mem>>) {add = true}
      %dma_wait3A_221 = arith.constant 0 : i32
      %dma_wait3A_222 = tpu.memref_slice %arg10[%dma_wait3A_221] : memref<100352xf32, #tpu.memory_space<vmem_shared>> -> memref<100352xf32, #tpu.memory_space<vmem_shared>>
      tpu.wait_indirect_dma semaphore(%arg35 : memref<!tpu.dma_semaphore, #tpu.memory_space<semaphore_mem>>) src(%dma_wait3A_222 : memref<100352xf32, #tpu.memory_space<vmem_shared>>) dst(%arg24 : memref<2000xf32, #tpu.memory_space<vmem>>)
      %dma_wait3A_223 = arith.constant 0 : i32
      %dma_wait3A_224 = tpu.memref_slice %arg11[%dma_wait3A_223] : memref<100352xf32, #tpu.memory_space<vmem_shared>> -> memref<100352xf32, #tpu.memory_space<vmem_shared>>
      tpu.wait_indirect_dma semaphore(%arg35 : memref<!tpu.dma_semaphore, #tpu.memory_space<semaphore_mem>>) src(%dma_wait3A_224 : memref<100352xf32, #tpu.memory_space<vmem_shared>>) dst(%arg26 : memref<2000xf32, #tpu.memory_space<vmem>>)
      %dma_wait3A_225 = arith.constant 0 : i32
      %dma_wait3A_226 = tpu.memref_slice %arg5[%dma_wait3A_225] : memref<6400000xi32, #tpu.memory_space<hbm>> -> memref<2000xi32, #tpu.memory_space<hbm>>
      %dma_wait3A_227 = arith.constant 0 : i32
      %dma_wait3A_228 = tpu.memref_slice %arg5[%dma_wait3A_227] : memref<6400000xi32, #tpu.memory_space<hbm>> -> memref<2000xi32, #tpu.memory_space<hbm>>
      tpu.wait_dma2 semaphore(%arg34 : memref<!tpu.dma_semaphore, #tpu.memory_space<semaphore_mem>>) src(%dma_wait3A_228 : memref<2000xi32, #tpu.memory_space<hbm>>) dst(%arg15 : memref<2000xi32, #tpu.memory_space<vmem>>)
      %dma_wait3A_229 = arith.constant 0 : i32
      %dma_wait3A_230 = tpu.memref_slice %arg6[%dma_wait3A_229] : memref<6400000xi32, #tpu.memory_space<hbm>> -> memref<2000xi32, #tpu.memory_space<hbm>>
      %dma_wait3A_231 = arith.constant 0 : i32
      %dma_wait3A_232 = tpu.memref_slice %arg6[%dma_wait3A_231] : memref<6400000xi32, #tpu.memory_space<hbm>> -> memref<2000xi32, #tpu.memory_space<hbm>>
      tpu.wait_dma2 semaphore(%arg34 : memref<!tpu.dma_semaphore, #tpu.memory_space<semaphore_mem>>) src(%dma_wait3A_232 : memref<2000xi32, #tpu.memory_space<hbm>>) dst(%arg19 : memref<2000xi32, #tpu.memory_space<vmem>>)
      %dma_wait3A_233 = arith.constant 0 : i32
      %dma_wait3A_234 = tpu.memref_slice %arg7[%dma_wait3A_233] : memref<6400000xf32, #tpu.memory_space<hbm>> -> memref<2000xf32, #tpu.memory_space<hbm>>
      %dma_wait3A_235 = arith.constant 0 : i32
      %dma_wait3A_236 = tpu.memref_slice %arg7[%dma_wait3A_235] : memref<6400000xf32, #tpu.memory_space<hbm>> -> memref<2000xf32, #tpu.memory_space<hbm>>
      tpu.wait_dma2 semaphore(%arg34 : memref<!tpu.dma_semaphore, #tpu.memory_space<semaphore_mem>>) src(%dma_wait3A_236 : memref<2000xf32, #tpu.memory_space<hbm>>) dst(%arg23 : memref<2000xf32, #tpu.memory_space<vmem>>)
      %dma_start3A_237 = arith.constant 0 : i32
      %dma_start3A_238 = tpu.memref_slice %arg10[%dma_start3A_237] : memref<100352xf32, #tpu.memory_space<vmem_shared>> -> memref<100352xf32, #tpu.memory_space<vmem_shared>>
      tpu.enqueue_indirect_dma source(%dma_start3A_238 : memref<100352xf32, #tpu.memory_space<vmem_shared>>) target(%arg25 : memref<2000xf32, #tpu.memory_space<vmem>>) offsets(%arg15 : memref<2000xi32, #tpu.memory_space<vmem>>) semaphore(%arg36 : memref<!tpu.dma_semaphore, #tpu.memory_space<semaphore_mem>>)
      %dma_start3A_239 = arith.constant 0 : i32
      %dma_start3A_240 = tpu.memref_slice %arg11[%dma_start3A_239] : memref<100352xf32, #tpu.memory_space<vmem_shared>> -> memref<100352xf32, #tpu.memory_space<vmem_shared>>
      tpu.enqueue_indirect_dma source(%dma_start3A_240 : memref<100352xf32, #tpu.memory_space<vmem_shared>>) target(%arg27 : memref<2000xf32, #tpu.memory_space<vmem>>) offsets(%arg15 : memref<2000xi32, #tpu.memory_space<vmem>>) semaphore(%arg36 : memref<!tpu.dma_semaphore, #tpu.memory_space<semaphore_mem>>)
      %dma_wait3A_241 = arith.constant 0 : i32
      %dma_wait3A_242 = tpu.memref_slice %arg12[%dma_wait3A_241] : memref<100352xf32, #tpu.memory_space<vmem_shared>> -> memref<100352xf32, #tpu.memory_space<vmem_shared>>
      tpu.wait_indirect_dma semaphore(%arg37 : memref<!tpu.dma_semaphore, #tpu.memory_space<semaphore_mem>>) src(%arg28 : memref<2000xf32, #tpu.memory_space<vmem>>) dst(%dma_wait3A_242 : memref<100352xf32, #tpu.memory_space<vmem_shared>>)
      %dma_wait3A_243 = arith.constant 0 : i32
      %dma_wait3A_244 = tpu.memref_slice %arg13[%dma_wait3A_243] : memref<100352xf32, #tpu.memory_space<vmem_shared>> -> memref<100352xf32, #tpu.memory_space<vmem_shared>>
      tpu.wait_indirect_dma semaphore(%arg37 : memref<!tpu.dma_semaphore, #tpu.memory_space<semaphore_mem>>) src(%arg30 : memref<2000xf32, #tpu.memory_space<vmem>>) dst(%dma_wait3A_244 : memref<100352xf32, #tpu.memory_space<vmem_shared>>)
      %lt3A = arith.constant 24 : i32
      %lt3A_245 = arith.cmpi slt, %scan3A_118, %lt3A : i32
      %convert_element_type3A_246 = arith.extui %lt3A_245 : i1 to i32
      %cond3A_247 = arith.constant 0 : i32
      %cond3A_248 = arith.cmpi ne, %convert_element_type3A_246, %cond3A_247 : i32
      scf.if %cond3A_248 {
        %mul3A_290 = arith.constant 4 : i32
        %mul3A_291 = arith.muli %mul3A_290, %scan3A_118 : i32
        %add3A_292 = arith.constant 2 : i32
        %add3A_293 = arith.addi %mul3A_291, %add3A_292 : i32
        %add3A_294 = arith.constant 2 : i32
        %add3A_295 = arith.addi %add3A_293, %add3A_294 : i32
        %mul3A_296 = arith.constant 2000 : i32
        %mul3A_297 = arith.muli %add3A_295, %mul3A_296 : i32
        %add3A_298 = arith.addi %mul3A_51, %mul3A_297 : i32
        %dma_start3A_299 = tpu.memref_slice %arg5[%add3A_298] : memref<6400000xi32, #tpu.memory_space<hbm>> -> memref<2000xi32, #tpu.memory_space<hbm>>
        %dma_start3A_300 = tpu.memref_slice %arg5[%add3A_298] : memref<6400000xi32, #tpu.memory_space<hbm>> -> memref<2000xi32, #tpu.memory_space<hbm>>
        tpu.enqueue_dma source(%dma_start3A_300 : memref<2000xi32, #tpu.memory_space<hbm>>) target(%arg14 : memref<2000xi32, #tpu.memory_space<vmem>>) target_semaphore(%arg33 : memref<!tpu.dma_semaphore, #tpu.memory_space<semaphore_mem>>)
        %dma_start3A_301 = tpu.memref_slice %arg6[%add3A_298] : memref<6400000xi32, #tpu.memory_space<hbm>> -> memref<2000xi32, #tpu.memory_space<hbm>>
        %dma_start3A_302 = tpu.memref_slice %arg6[%add3A_298] : memref<6400000xi32, #tpu.memory_space<hbm>> -> memref<2000xi32, #tpu.memory_space<hbm>>
        tpu.enqueue_dma source(%dma_start3A_302 : memref<2000xi32, #tpu.memory_space<hbm>>) target(%arg16 : memref<2000xi32, #tpu.memory_space<vmem>>) target_semaphore(%arg33 : memref<!tpu.dma_semaphore, #tpu.memory_space<semaphore_mem>>)
        %dma_start3A_303 = tpu.memref_slice %arg7[%add3A_298] : memref<6400000xf32, #tpu.memory_space<hbm>> -> memref<2000xf32, #tpu.memory_space<hbm>>
        %dma_start3A_304 = tpu.memref_slice %arg7[%add3A_298] : memref<6400000xf32, #tpu.memory_space<hbm>> -> memref<2000xf32, #tpu.memory_space<hbm>>
        tpu.enqueue_dma source(%dma_start3A_304 : memref<2000xf32, #tpu.memory_space<hbm>>) target(%arg20 : memref<2000xf32, #tpu.memory_space<vmem>>) target_semaphore(%arg33 : memref<!tpu.dma_semaphore, #tpu.memory_space<semaphore_mem>>)
      } else {
      }
      %scan3A_249 = arith.constant 0 : i32
      %scan3A_250 = arith.constant 0 : i32
      %scan3A_251 = arith.constant 125 : i32
      %scan3A_252 = arith.addi %scan3A_250, %scan3A_251 : i32
      %scan3A_253 = arith.constant 1 : i32
      %scan3A_254 = scf.for %scan3A_290 = %scan3A_250 to %scan3A_252 step %scan3A_253 iter_args(%scan3A_291 = %scan3A_249) -> (i32)  : i32 {
        %mul3A_292 = arith.constant 16 : i32
        %mul3A_293 = arith.muli %scan3A_290, %mul3A_292 : i32
        %get3A_294 = arith.index_cast %mul3A_293 : i32 to index
        %get3A_295 = tpu.vector_load %arg24[%get3A_294] {strides = array<i32>} : memref<2000xf32, #tpu.memory_space<vmem>>, vector<16xf32>,
        %get3A_296 = vector.shape_cast %get3A_295 : vector<16xf32> to vector<16xf32>
        %get3A_297 = arith.index_cast %mul3A_293 : i32 to index
        %get3A_298 = tpu.vector_load %arg26[%get3A_297] {strides = array<i32>} : memref<2000xf32, #tpu.memory_space<vmem>>, vector<16xf32>,
        %get3A_299 = vector.shape_cast %get3A_298 : vector<16xf32> to vector<16xf32>
        %get3A_300 = arith.index_cast %mul3A_293 : i32 to index
        %get3A_301 = tpu.vector_load %arg22[%get3A_300] {strides = array<i32>} : memref<2000xf32, #tpu.memory_space<vmem>>, vector<16xf32>,
        %get3A_302 = vector.shape_cast %get3A_301 : vector<16xf32> to vector<16xf32>
        %mul3A_303 = arith.mulf %get3A_296, %get3A_40 : vector<16xf32>
        %mul3A_304 = arith.mulf %get3A_299, %get3A_46 : vector<16xf32>
        %add3A_305 = arith.addf %mul3A_303, %mul3A_304 : vector<16xf32>
        %mul3A_306 = arith.mulf %get3A_302, %add3A_305 : vector<16xf32>
        %swap3A = arith.index_cast %mul3A_293 : i32 to index
        %swap3A_307 = tpu.vector_load %arg28[%swap3A] {strides = array<i32>} : memref<2000xf32, #tpu.memory_space<vmem>>, vector<16xf32>,
        %swap3A_308 = vector.shape_cast %swap3A_307 : vector<16xf32> to vector<16xf32>
        %swap3A_309 = vector.shape_cast %mul3A_306 : vector<16xf32> to vector<16xf32>
        tpu.vector_store %arg28[%swap3A], %swap3A_309 {strides = array<i32>} : memref<2000xf32, #tpu.memory_space<vmem>>, vector<16xf32>,
        %mul3A_310 = arith.mulf %get3A_296, %get3A_43 : vector<16xf32>
        %mul3A_311 = arith.mulf %get3A_299, %get3A_49 : vector<16xf32>
        %add3A_312 = arith.addf %mul3A_310, %mul3A_311 : vector<16xf32>
        %mul3A_313 = arith.mulf %get3A_302, %add3A_312 : vector<16xf32>
        %swap3A_314 = arith.index_cast %mul3A_293 : i32 to index
        %swap3A_315 = tpu.vector_load %arg30[%swap3A_314] {strides = array<i32>} : memref<2000xf32, #tpu.memory_space<vmem>>, vector<16xf32>,
        %swap3A_316 = vector.shape_cast %swap3A_315 : vector<16xf32> to vector<16xf32>
        %swap3A_317 = vector.shape_cast %mul3A_313 : vector<16xf32> to vector<16xf32>
        tpu.vector_store %arg30[%swap3A_314], %swap3A_317 {strides = array<i32>} : memref<2000xf32, #tpu.memory_space<vmem>>, vector<16xf32>,
        %scan3A_318 = arith.constant 0 : i32
        scf.yield %scan3A_318 : i32
      }
      %scan3A_255 = arith.constant 125 : i32
      %dma_start3A_256 = arith.constant 0 : i32
      %dma_start3A_257 = tpu.memref_slice %arg12[%dma_start3A_256] : memref<100352xf32, #tpu.memory_space<vmem_shared>> -> memref<100352xf32, #tpu.memory_space<vmem_shared>>
      tpu.enqueue_indirect_dma source(%arg28 : memref<2000xf32, #tpu.memory_space<vmem>>) target(%dma_start3A_257 : memref<100352xf32, #tpu.memory_space<vmem_shared>>) offsets(%arg18 : memref<2000xi32, #tpu.memory_space<vmem>>) semaphore(%arg37 : memref<!tpu.dma_semaphore, #tpu.memory_space<semaphore_mem>>) {add = true}
      %dma_start3A_258 = arith.constant 0 : i32
      %dma_start3A_259 = tpu.memref_slice %arg13[%dma_start3A_258] : memref<100352xf32, #tpu.memory_space<vmem_shared>> -> memref<100352xf32, #tpu.memory_space<vmem_shared>>
      tpu.enqueue_indirect_dma source(%arg30 : memref<2000xf32, #tpu.memory_space<vmem>>) target(%dma_start3A_259 : memref<100352xf32, #tpu.memory_space<vmem_shared>>) offsets(%arg18 : memref<2000xi32, #tpu.memory_space<vmem>>) semaphore(%arg37 : memref<!tpu.dma_semaphore, #tpu.memory_space<semaphore_mem>>) {add = true}
      %dma_wait3A_260 = arith.constant 0 : i32
      %dma_wait3A_261 = tpu.memref_slice %arg10[%dma_wait3A_260] : memref<100352xf32, #tpu.memory_space<vmem_shared>> -> memref<100352xf32, #tpu.memory_space<vmem_shared>>
      tpu.wait_indirect_dma semaphore(%arg36 : memref<!tpu.dma_semaphore, #tpu.memory_space<semaphore_mem>>) src(%dma_wait3A_261 : memref<100352xf32, #tpu.memory_space<vmem_shared>>) dst(%arg25 : memref<2000xf32, #tpu.memory_space<vmem>>)
      %dma_wait3A_262 = arith.constant 0 : i32
      %dma_wait3A_263 = tpu.memref_slice %arg11[%dma_wait3A_262] : memref<100352xf32, #tpu.memory_space<vmem_shared>> -> memref<100352xf32, #tpu.memory_space<vmem_shared>>
      tpu.wait_indirect_dma semaphore(%arg36 : memref<!tpu.dma_semaphore, #tpu.memory_space<semaphore_mem>>) src(%dma_wait3A_263 : memref<100352xf32, #tpu.memory_space<vmem_shared>>) dst(%arg27 : memref<2000xf32, #tpu.memory_space<vmem>>)
      %lt3A_264 = arith.constant 24 : i32
      %lt3A_265 = arith.cmpi slt, %scan3A_118, %lt3A_264 : i32
      %convert_element_type3A_266 = arith.extui %lt3A_265 : i1 to i32
      %cond3A_267 = arith.constant 0 : i32
      %cond3A_268 = arith.cmpi ne, %convert_element_type3A_266, %cond3A_267 : i32
      scf.if %cond3A_268 {
        %dma_wait3A_290 = arith.constant 0 : i32
        %dma_wait3A_291 = tpu.memref_slice %arg5[%dma_wait3A_290] : memref<6400000xi32, #tpu.memory_space<hbm>> -> memref<2000xi32, #tpu.memory_space<hbm>>
        %dma_wait3A_292 = arith.constant 0 : i32
        %dma_wait3A_293 = tpu.memref_slice %arg5[%dma_wait3A_292] : memref<6400000xi32, #tpu.memory_space<hbm>> -> memref<2000xi32, #tpu.memory_space<hbm>>
        tpu.wait_dma2 semaphore(%arg33 : memref<!tpu.dma_semaphore, #tpu.memory_space<semaphore_mem>>) src(%dma_wait3A_293 : memref<2000xi32, #tpu.memory_space<hbm>>) dst(%arg14 : memref<2000xi32, #tpu.memory_space<vmem>>)
        %dma_wait3A_294 = arith.constant 0 : i32
        %dma_wait3A_295 = tpu.memref_slice %arg6[%dma_wait3A_294] : memref<6400000xi32, #tpu.memory_space<hbm>> -> memref<2000xi32, #tpu.memory_space<hbm>>
        %dma_wait3A_296 = arith.constant 0 : i32
        %dma_wait3A_297 = tpu.memref_slice %arg6[%dma_wait3A_296] : memref<6400000xi32, #tpu.memory_space<hbm>> -> memref<2000xi32, #tpu.memory_space<hbm>>
        tpu.wait_dma2 semaphore(%arg33 : memref<!tpu.dma_semaphore, #tpu.memory_space<semaphore_mem>>) src(%dma_wait3A_297 : memref<2000xi32, #tpu.memory_space<hbm>>) dst(%arg16 : memref<2000xi32, #tpu.memory_space<vmem>>)
        %dma_wait3A_298 = arith.constant 0 : i32
        %dma_wait3A_299 = tpu.memref_slice %arg7[%dma_wait3A_298] : memref<6400000xf32, #tpu.memory_space<hbm>> -> memref<2000xf32, #tpu.memory_space<hbm>>
        %dma_wait3A_300 = arith.constant 0 : i32
        %dma_wait3A_301 = tpu.memref_slice %arg7[%dma_wait3A_300] : memref<6400000xf32, #tpu.memory_space<hbm>> -> memref<2000xf32, #tpu.memory_space<hbm>>
        tpu.wait_dma2 semaphore(%arg33 : memref<!tpu.dma_semaphore, #tpu.memory_space<semaphore_mem>>) src(%dma_wait3A_301 : memref<2000xf32, #tpu.memory_space<hbm>>) dst(%arg20 : memref<2000xf32, #tpu.memory_space<vmem>>)
        %dma_start3A_302 = arith.constant 0 : i32
        %dma_start3A_303 = tpu.memref_slice %arg10[%dma_start3A_302] : memref<100352xf32, #tpu.memory_space<vmem_shared>> -> memref<100352xf32, #tpu.memory_space<vmem_shared>>
        tpu.enqueue_indirect_dma source(%dma_start3A_303 : memref<100352xf32, #tpu.memory_space<vmem_shared>>) target(%arg24 : memref<2000xf32, #tpu.memory_space<vmem>>) offsets(%arg14 : memref<2000xi32, #tpu.memory_space<vmem>>) semaphore(%arg35 : memref<!tpu.dma_semaphore, #tpu.memory_space<semaphore_mem>>)
        %dma_start3A_304 = arith.constant 0 : i32
        %dma_start3A_305 = tpu.memref_slice %arg11[%dma_start3A_304] : memref<100352xf32, #tpu.memory_space<vmem_shared>> -> memref<100352xf32, #tpu.memory_space<vmem_shared>>
        tpu.enqueue_indirect_dma source(%dma_start3A_305 : memref<100352xf32, #tpu.memory_space<vmem_shared>>) target(%arg26 : memref<2000xf32, #tpu.memory_space<vmem>>) offsets(%arg14 : memref<2000xi32, #tpu.memory_space<vmem>>) semaphore(%arg35 : memref<!tpu.dma_semaphore, #tpu.memory_space<semaphore_mem>>)
      } else {
      }
      %dma_wait3A_269 = arith.constant 0 : i32
      %dma_wait3A_270 = tpu.memref_slice %arg12[%dma_wait3A_269] : memref<100352xf32, #tpu.memory_space<vmem_shared>> -> memref<100352xf32, #tpu.memory_space<vmem_shared>>
      tpu.wait_indirect_dma semaphore(%arg38 : memref<!tpu.dma_semaphore, #tpu.memory_space<semaphore_mem>>) src(%arg29 : memref<2000xf32, #tpu.memory_space<vmem>>) dst(%dma_wait3A_270 : memref<100352xf32, #tpu.memory_space<vmem_shared>>)
      %dma_wait3A_271 = arith.constant 0 : i32
      %dma_wait3A_272 = tpu.memref_slice %arg13[%dma_wait3A_271] : memref<100352xf32, #tpu.memory_space<vmem_shared>> -> memref<100352xf32, #tpu.memory_space<vmem_shared>>
      tpu.wait_indirect_dma semaphore(%arg38 : memref<!tpu.dma_semaphore, #tpu.memory_space<semaphore_mem>>) src(%arg31 : memref<2000xf32, #tpu.memory_space<vmem>>) dst(%dma_wait3A_272 : memref<100352xf32, #tpu.memory_space<vmem_shared>>)
      %lt3A_273 = arith.constant 24 : i32
      %lt3A_274 = arith.cmpi slt, %scan3A_118, %lt3A_273 : i32
      %convert_element_type3A_275 = arith.extui %lt3A_274 : i1 to i32
      %cond3A_276 = arith.constant 0 : i32
      %cond3A_277 = arith.cmpi ne, %convert_element_type3A_275, %cond3A_276 : i32
      scf.if %cond3A_277 {
        %mul3A_290 = arith.constant 4 : i32
        %mul3A_291 = arith.muli %mul3A_290, %scan3A_118 : i32
        %add3A_292 = arith.constant 3 : i32
        %add3A_293 = arith.addi %mul3A_291, %add3A_292 : i32
        %add3A_294 = arith.constant 2 : i32
        %add3A_295 = arith.addi %add3A_293, %add3A_294 : i32
        %mul3A_296 = arith.constant 2000 : i32
        %mul3A_297 = arith.muli %add3A_295, %mul3A_296 : i32
        %add3A_298 = arith.addi %mul3A_51, %mul3A_297 : i32
        %dma_start3A_299 = tpu.memref_slice %arg5[%add3A_298] : memref<6400000xi32, #tpu.memory_space<hbm>> -> memref<2000xi32, #tpu.memory_space<hbm>>
        %dma_start3A_300 = tpu.memref_slice %arg5[%add3A_298] : memref<6400000xi32, #tpu.memory_space<hbm>> -> memref<2000xi32, #tpu.memory_space<hbm>>
        tpu.enqueue_dma source(%dma_start3A_300 : memref<2000xi32, #tpu.memory_space<hbm>>) target(%arg15 : memref<2000xi32, #tpu.memory_space<vmem>>) target_semaphore(%arg34 : memref<!tpu.dma_semaphore, #tpu.memory_space<semaphore_mem>>)
        %dma_start3A_301 = tpu.memref_slice %arg6[%add3A_298] : memref<6400000xi32, #tpu.memory_space<hbm>> -> memref<2000xi32, #tpu.memory_space<hbm>>
        %dma_start3A_302 = tpu.memref_slice %arg6[%add3A_298] : memref<6400000xi32, #tpu.memory_space<hbm>> -> memref<2000xi32, #tpu.memory_space<hbm>>
        tpu.enqueue_dma source(%dma_start3A_302 : memref<2000xi32, #tpu.memory_space<hbm>>) target(%arg17 : memref<2000xi32, #tpu.memory_space<vmem>>) target_semaphore(%arg34 : memref<!tpu.dma_semaphore, #tpu.memory_space<semaphore_mem>>)
        %dma_start3A_303 = tpu.memref_slice %arg7[%add3A_298] : memref<6400000xf32, #tpu.memory_space<hbm>> -> memref<2000xf32, #tpu.memory_space<hbm>>
        %dma_start3A_304 = tpu.memref_slice %arg7[%add3A_298] : memref<6400000xf32, #tpu.memory_space<hbm>> -> memref<2000xf32, #tpu.memory_space<hbm>>
        tpu.enqueue_dma source(%dma_start3A_304 : memref<2000xf32, #tpu.memory_space<hbm>>) target(%arg21 : memref<2000xf32, #tpu.memory_space<vmem>>) target_semaphore(%arg34 : memref<!tpu.dma_semaphore, #tpu.memory_space<semaphore_mem>>)
      } else {
      }
      %scan3A_278 = arith.constant 0 : i32
      %scan3A_279 = arith.constant 0 : i32
      %scan3A_280 = arith.constant 125 : i32
      %scan3A_281 = arith.addi %scan3A_279, %scan3A_280 : i32
      %scan3A_282 = arith.constant 1 : i32
      %scan3A_283 = scf.for %scan3A_290 = %scan3A_279 to %scan3A_281 step %scan3A_282 iter_args(%scan3A_291 = %scan3A_278) -> (i32)  : i32 {
        %mul3A_292 = arith.constant 16 : i32
        %mul3A_293 = arith.muli %scan3A_290, %mul3A_292 : i32
        %get3A_294 = arith.index_cast %mul3A_293 : i32 to index
        %get3A_295 = tpu.vector_load %arg25[%get3A_294] {strides = array<i32>} : memref<2000xf32, #tpu.memory_space<vmem>>, vector<16xf32>,
        %get3A_296 = vector.shape_cast %get3A_295 : vector<16xf32> to vector<16xf32>
        %get3A_297 = arith.index_cast %mul3A_293 : i32 to index
        %get3A_298 = tpu.vector_load %arg27[%get3A_297] {strides = array<i32>} : memref<2000xf32, #tpu.memory_space<vmem>>, vector<16xf32>,
        %get3A_299 = vector.shape_cast %get3A_298 : vector<16xf32> to vector<16xf32>
        %get3A_300 = arith.index_cast %mul3A_293 : i32 to index
        %get3A_301 = tpu.vector_load %arg23[%get3A_300] {strides = array<i32>} : memref<2000xf32, #tpu.memory_space<vmem>>, vector<16xf32>,
        %get3A_302 = vector.shape_cast %get3A_301 : vector<16xf32> to vector<16xf32>
        %mul3A_303 = arith.mulf %get3A_296, %get3A_40 : vector<16xf32>
        %mul3A_304 = arith.mulf %get3A_299, %get3A_46 : vector<16xf32>
        %add3A_305 = arith.addf %mul3A_303, %mul3A_304 : vector<16xf32>
        %mul3A_306 = arith.mulf %get3A_302, %add3A_305 : vector<16xf32>
        %swap3A = arith.index_cast %mul3A_293 : i32 to index
        %swap3A_307 = tpu.vector_load %arg29[%swap3A] {strides = array<i32>} : memref<2000xf32, #tpu.memory_space<vmem>>, vector<16xf32>,
        %swap3A_308 = vector.shape_cast %swap3A_307 : vector<16xf32> to vector<16xf32>
        %swap3A_309 = vector.shape_cast %mul3A_306 : vector<16xf32> to vector<16xf32>
        tpu.vector_store %arg29[%swap3A], %swap3A_309 {strides = array<i32>} : memref<2000xf32, #tpu.memory_space<vmem>>, vector<16xf32>,
        %mul3A_310 = arith.mulf %get3A_296, %get3A_43 : vector<16xf32>
        %mul3A_311 = arith.mulf %get3A_299, %get3A_49 : vector<16xf32>
        %add3A_312 = arith.addf %mul3A_310, %mul3A_311 : vector<16xf32>
        %mul3A_313 = arith.mulf %get3A_302, %add3A_312 : vector<16xf32>
        %swap3A_314 = arith.index_cast %mul3A_293 : i32 to index
        %swap3A_315 = tpu.vector_load %arg31[%swap3A_314] {strides = array<i32>} : memref<2000xf32, #tpu.memory_space<vmem>>, vector<16xf32>,
        %swap3A_316 = vector.shape_cast %swap3A_315 : vector<16xf32> to vector<16xf32>
        %swap3A_317 = vector.shape_cast %mul3A_313 : vector<16xf32> to vector<16xf32>
        tpu.vector_store %arg31[%swap3A_314], %swap3A_317 {strides = array<i32>} : memref<2000xf32, #tpu.memory_space<vmem>>, vector<16xf32>,
        %scan3A_318 = arith.constant 0 : i32
        scf.yield %scan3A_318 : i32
      }
      %scan3A_284 = arith.constant 125 : i32
      %dma_start3A_285 = arith.constant 0 : i32
      %dma_start3A_286 = tpu.memref_slice %arg12[%dma_start3A_285] : memref<100352xf32, #tpu.memory_space<vmem_shared>> -> memref<100352xf32, #tpu.memory_space<vmem_shared>>
      tpu.enqueue_indirect_dma source(%arg29 : memref<2000xf32, #tpu.memory_space<vmem>>) target(%dma_start3A_286 : memref<100352xf32, #tpu.memory_space<vmem_shared>>) offsets(%arg19 : memref<2000xi32, #tpu.memory_space<vmem>>) semaphore(%arg38 : memref<!tpu.dma_semaphore, #tpu.memory_space<semaphore_mem>>) {add = true}
      %dma_start3A_287 = arith.constant 0 : i32
      %dma_start3A_288 = tpu.memref_slice %arg13[%dma_start3A_287] : memref<100352xf32, #tpu.memory_space<vmem_shared>> -> memref<100352xf32, #tpu.memory_space<vmem_shared>>
      tpu.enqueue_indirect_dma source(%arg31 : memref<2000xf32, #tpu.memory_space<vmem>>) target(%dma_start3A_288 : memref<100352xf32, #tpu.memory_space<vmem_shared>>) offsets(%arg19 : memref<2000xi32, #tpu.memory_space<vmem>>) semaphore(%arg38 : memref<!tpu.dma_semaphore, #tpu.memory_space<semaphore_mem>>) {add = true}
      %scan3A_289 = arith.constant 0 : i32
      scf.yield %scan3A_289 : i32
    }
    %scan3A_88 = arith.constant 25 : i32
    %dma_wait3A_89 = arith.constant 0 : i32
    %dma_wait3A_90 = tpu.memref_slice %arg12[%dma_wait3A_89] : memref<100352xf32, #tpu.memory_space<vmem_shared>> -> memref<100352xf32, #tpu.memory_space<vmem_shared>>
    tpu.wait_indirect_dma semaphore(%arg37 : memref<!tpu.dma_semaphore, #tpu.memory_space<semaphore_mem>>) src(%arg28 : memref<2000xf32, #tpu.memory_space<vmem>>) dst(%dma_wait3A_90 : memref<100352xf32, #tpu.memory_space<vmem_shared>>)
    %dma_wait3A_91 = arith.constant 0 : i32
    %dma_wait3A_92 = tpu.memref_slice %arg13[%dma_wait3A_91] : memref<100352xf32, #tpu.memory_space<vmem_shared>> -> memref<100352xf32, #tpu.memory_space<vmem_shared>>
    tpu.wait_indirect_dma semaphore(%arg37 : memref<!tpu.dma_semaphore, #tpu.memory_space<semaphore_mem>>) src(%arg30 : memref<2000xf32, #tpu.memory_space<vmem>>) dst(%dma_wait3A_92 : memref<100352xf32, #tpu.memory_space<vmem_shared>>)
    %dma_wait3A_93 = arith.constant 0 : i32
    %dma_wait3A_94 = tpu.memref_slice %arg12[%dma_wait3A_93] : memref<100352xf32, #tpu.memory_space<vmem_shared>> -> memref<100352xf32, #tpu.memory_space<vmem_shared>>
    tpu.wait_indirect_dma semaphore(%arg38 : memref<!tpu.dma_semaphore, #tpu.memory_space<semaphore_mem>>) src(%arg29 : memref<2000xf32, #tpu.memory_space<vmem>>) dst(%dma_wait3A_94 : memref<100352xf32, #tpu.memory_space<vmem_shared>>)
    %dma_wait3A_95 = arith.constant 0 : i32
    %dma_wait3A_96 = tpu.memref_slice %arg13[%dma_wait3A_95] : memref<100352xf32, #tpu.memory_space<vmem_shared>> -> memref<100352xf32, #tpu.memory_space<vmem_shared>>
    tpu.wait_indirect_dma semaphore(%arg38 : memref<!tpu.dma_semaphore, #tpu.memory_space<semaphore_mem>>) src(%arg31 : memref<2000xf32, #tpu.memory_space<vmem>>) dst(%dma_wait3A_96 : memref<100352xf32, #tpu.memory_space<vmem_shared>>)
    %barrier3A_97 = arith.constant 0 : index
    tpu.barrier barrier_id(%barrier3A_97)
    %add3A_98 = arith.constant 0 : i32
    %add3A_99 = arith.addi %mul3A_3, %add3A_98 : i32
    %mul3A_100 = arith.constant 100352 : i32
    %mul3A_101 = arith.muli %arg0, %mul3A_100 : i32
    %add3A_102 = arith.addi %mul3A_101, %add3A_99 : i32
    "tpu.region"() ({
      %run_scoped3A = tpu.sem_alloc : memref<!tpu.dma_semaphore, #tpu.memory_space<semaphore_mem>>
      %dma_start3A_118 = arith.constant 0 : i32
      %dma_start3A_119 = tpu.memref_slice %arg24[%dma_start3A_118] : memref<2000xf32, #tpu.memory_space<vmem>> -> memref<1568xf32, #tpu.memory_space<vmem>>
      %dma_start3A_120 = tpu.memref_slice %arg12[%add3A_99] : memref<100352xf32, #tpu.memory_space<vmem_shared>> -> memref<1568xf32, #tpu.memory_space<vmem_shared>>
      %dma_start3A_121 = arith.constant 0 : i32
      %dma_start3A_122 = tpu.memref_slice %arg24[%dma_start3A_121] : memref<2000xf32, #tpu.memory_space<vmem>> -> memref<1568xf32, #tpu.memory_space<vmem>>
      %dma_start3A_123 = tpu.memref_slice %arg12[%add3A_99] : memref<100352xf32, #tpu.memory_space<vmem_shared>> -> memref<1568xf32, #tpu.memory_space<vmem_shared>>
      tpu.enqueue_dma source(%dma_start3A_123 : memref<1568xf32, #tpu.memory_space<vmem_shared>>) target(%dma_start3A_122 : memref<1568xf32, #tpu.memory_space<vmem>>) target_semaphore(%run_scoped3A : memref<!tpu.dma_semaphore, #tpu.memory_space<semaphore_mem>>)
      %dma_wait3A_124 = arith.constant 0 : i32
      %dma_wait3A_125 = tpu.memref_slice %arg24[%dma_wait3A_124] : memref<2000xf32, #tpu.memory_space<vmem>> -> memref<1568xf32, #tpu.memory_space<vmem>>
      %dma_wait3A_126 = tpu.memref_slice %arg12[%add3A_99] : memref<100352xf32, #tpu.memory_space<vmem_shared>> -> memref<1568xf32, #tpu.memory_space<vmem_shared>>
      %dma_wait3A_127 = arith.constant 0 : i32
      %dma_wait3A_128 = tpu.memref_slice %arg24[%dma_wait3A_127] : memref<2000xf32, #tpu.memory_space<vmem>> -> memref<1568xf32, #tpu.memory_space<vmem>>
      %dma_wait3A_129 = tpu.memref_slice %arg12[%add3A_99] : memref<100352xf32, #tpu.memory_space<vmem_shared>> -> memref<1568xf32, #tpu.memory_space<vmem_shared>>
      tpu.wait_dma2 semaphore(%run_scoped3A : memref<!tpu.dma_semaphore, #tpu.memory_space<semaphore_mem>>) src(%dma_wait3A_129 : memref<1568xf32, #tpu.memory_space<vmem_shared>>) dst(%dma_wait3A_128 : memref<1568xf32, #tpu.memory_space<vmem>>)
      tpu.yield
    }) : () -> ()
    "tpu.region"() ({
      %run_scoped3A = tpu.sem_alloc : memref<!tpu.dma_semaphore, #tpu.memory_space<semaphore_mem>>
      %dma_start3A_118 = arith.constant 0 : i32
      %dma_start3A_119 = tpu.memref_slice %arg24[%dma_start3A_118] : memref<2000xf32, #tpu.memory_space<vmem>> -> memref<1568xf32, #tpu.memory_space<vmem>>
      %dma_start3A_120 = tpu.memref_slice %arg8[%add3A_102] : memref<200704xf32, #tpu.memory_space<hbm>> -> memref<1568xf32, #tpu.memory_space<hbm>>
      %dma_start3A_121 = tpu.memref_slice %arg8[%add3A_102] : memref<200704xf32, #tpu.memory_space<hbm>> -> memref<1568xf32, #tpu.memory_space<hbm>>
      %dma_start3A_122 = arith.constant 0 : i32
      %dma_start3A_123 = tpu.memref_slice %arg24[%dma_start3A_122] : memref<2000xf32, #tpu.memory_space<vmem>> -> memref<1568xf32, #tpu.memory_space<vmem>>
      tpu.enqueue_dma source(%dma_start3A_123 : memref<1568xf32, #tpu.memory_space<vmem>>) target(%dma_start3A_121 : memref<1568xf32, #tpu.memory_space<hbm>>) target_semaphore(%run_scoped3A : memref<!tpu.dma_semaphore, #tpu.memory_space<semaphore_mem>>)
      %dma_wait3A_124 = arith.constant 0 : i32
      %dma_wait3A_125 = tpu.memref_slice %arg24[%dma_wait3A_124] : memref<2000xf32, #tpu.memory_space<vmem>> -> memref<1568xf32, #tpu.memory_space<vmem>>
      %dma_wait3A_126 = tpu.memref_slice %arg8[%add3A_102] : memref<200704xf32, #tpu.memory_space<hbm>> -> memref<1568xf32, #tpu.memory_space<hbm>>
      %dma_wait3A_127 = tpu.memref_slice %arg8[%add3A_102] : memref<200704xf32, #tpu.memory_space<hbm>> -> memref<1568xf32, #tpu.memory_space<hbm>>
      %dma_wait3A_128 = arith.constant 0 : i32
      %dma_wait3A_129 = tpu.memref_slice %arg24[%dma_wait3A_128] : memref<2000xf32, #tpu.memory_space<vmem>> -> memref<1568xf32, #tpu.memory_space<vmem>>
      tpu.wait_dma2 semaphore(%run_scoped3A : memref<!tpu.dma_semaphore, #tpu.memory_space<semaphore_mem>>) src(%dma_wait3A_129 : memref<1568xf32, #tpu.memory_space<vmem>>) dst(%dma_wait3A_127 : memref<1568xf32, #tpu.memory_space<hbm>>)
      tpu.yield
    }) : () -> ()
    "tpu.region"() ({
      %run_scoped3A = tpu.sem_alloc : memref<!tpu.dma_semaphore, #tpu.memory_space<semaphore_mem>>
      %dma_start3A_118 = arith.constant 0 : i32
      %dma_start3A_119 = tpu.memref_slice %arg26[%dma_start3A_118] : memref<2000xf32, #tpu.memory_space<vmem>> -> memref<1568xf32, #tpu.memory_space<vmem>>
      %dma_start3A_120 = tpu.memref_slice %arg13[%add3A_99] : memref<100352xf32, #tpu.memory_space<vmem_shared>> -> memref<1568xf32, #tpu.memory_space<vmem_shared>>
      %dma_start3A_121 = arith.constant 0 : i32
      %dma_start3A_122 = tpu.memref_slice %arg26[%dma_start3A_121] : memref<2000xf32, #tpu.memory_space<vmem>> -> memref<1568xf32, #tpu.memory_space<vmem>>
      %dma_start3A_123 = tpu.memref_slice %arg13[%add3A_99] : memref<100352xf32, #tpu.memory_space<vmem_shared>> -> memref<1568xf32, #tpu.memory_space<vmem_shared>>
      tpu.enqueue_dma source(%dma_start3A_123 : memref<1568xf32, #tpu.memory_space<vmem_shared>>) target(%dma_start3A_122 : memref<1568xf32, #tpu.memory_space<vmem>>) target_semaphore(%run_scoped3A : memref<!tpu.dma_semaphore, #tpu.memory_space<semaphore_mem>>)
      %dma_wait3A_124 = arith.constant 0 : i32
      %dma_wait3A_125 = tpu.memref_slice %arg26[%dma_wait3A_124] : memref<2000xf32, #tpu.memory_space<vmem>> -> memref<1568xf32, #tpu.memory_space<vmem>>
      %dma_wait3A_126 = tpu.memref_slice %arg13[%add3A_99] : memref<100352xf32, #tpu.memory_space<vmem_shared>> -> memref<1568xf32, #tpu.memory_space<vmem_shared>>
      %dma_wait3A_127 = arith.constant 0 : i32
      %dma_wait3A_128 = tpu.memref_slice %arg26[%dma_wait3A_127] : memref<2000xf32, #tpu.memory_space<vmem>> -> memref<1568xf32, #tpu.memory_space<vmem>>
      %dma_wait3A_129 = tpu.memref_slice %arg13[%add3A_99] : memref<100352xf32, #tpu.memory_space<vmem_shared>> -> memref<1568xf32, #tpu.memory_space<vmem_shared>>
      tpu.wait_dma2 semaphore(%run_scoped3A : memref<!tpu.dma_semaphore, #tpu.memory_space<semaphore_mem>>) src(%dma_wait3A_129 : memref<1568xf32, #tpu.memory_space<vmem_shared>>) dst(%dma_wait3A_128 : memref<1568xf32, #tpu.memory_space<vmem>>)
      tpu.yield
    }) : () -> ()
    "tpu.region"() ({
      %run_scoped3A = tpu.sem_alloc : memref<!tpu.dma_semaphore, #tpu.memory_space<semaphore_mem>>
      %dma_start3A_118 = arith.constant 0 : i32
      %dma_start3A_119 = tpu.memref_slice %arg26[%dma_start3A_118] : memref<2000xf32, #tpu.memory_space<vmem>> -> memref<1568xf32, #tpu.memory_space<vmem>>
      %dma_start3A_120 = tpu.memref_slice %arg9[%add3A_102] : memref<200704xf32, #tpu.memory_space<hbm>> -> memref<1568xf32, #tpu.memory_space<hbm>>
      %dma_start3A_121 = tpu.memref_slice %arg9[%add3A_102] : memref<200704xf32, #tpu.memory_space<hbm>> -> memref<1568xf32, #tpu.memory_space<hbm>>
      %dma_start3A_122 = arith.constant 0 : i32
      %dma_start3A_123 = tpu.memref_slice %arg26[%dma_start3A_122] : memref<2000xf32, #tpu.memory_space<vmem>> -> memref<1568xf32, #tpu.memory_space<vmem>>
      tpu.enqueue_dma source(%dma_start3A_123 : memref<1568xf32, #tpu.memory_space<vmem>>) target(%dma_start3A_121 : memref<1568xf32, #tpu.memory_space<hbm>>) target_semaphore(%run_scoped3A : memref<!tpu.dma_semaphore, #tpu.memory_space<semaphore_mem>>)
      %dma_wait3A_124 = arith.constant 0 : i32
      %dma_wait3A_125 = tpu.memref_slice %arg26[%dma_wait3A_124] : memref<2000xf32, #tpu.memory_space<vmem>> -> memref<1568xf32, #tpu.memory_space<vmem>>
      %dma_wait3A_126 = tpu.memref_slice %arg9[%add3A_102] : memref<200704xf32, #tpu.memory_space<hbm>> -> memref<1568xf32, #tpu.memory_space<hbm>>
      %dma_wait3A_127 = tpu.memref_slice %arg9[%add3A_102] : memref<200704xf32, #tpu.memory_space<hbm>> -> memref<1568xf32, #tpu.memory_space<hbm>>
      %dma_wait3A_128 = arith.constant 0 : i32
      %dma_wait3A_129 = tpu.memref_slice %arg26[%dma_wait3A_128] : memref<2000xf32, #tpu.memory_space<vmem>> -> memref<1568xf32, #tpu.memory_space<vmem>>
      tpu.wait_dma2 semaphore(%run_scoped3A : memref<!tpu.dma_semaphore, #tpu.memory_space<semaphore_mem>>) src(%dma_wait3A_129 : memref<1568xf32, #tpu.memory_space<vmem>>) dst(%dma_wait3A_127 : memref<1568xf32, #tpu.memory_space<hbm>>)
      tpu.yield
    }) : () -> ()
    %add3A_103 = arith.constant 1568 : i32
    %add3A_104 = arith.addi %mul3A_3, %add3A_103 : i32
    %mul3A_105 = arith.constant 100352 : i32
    %mul3A_106 = arith.muli %arg0, %mul3A_105 : i32
    %add3A_107 = arith.addi %mul3A_106, %add3A_104 : i32
    "tpu.region"() ({
      %run_scoped3A = tpu.sem_alloc : memref<!tpu.dma_semaphore, #tpu.memory_space<semaphore_mem>>
      %dma_start3A_118 = arith.constant 0 : i32
      %dma_start3A_119 = tpu.memref_slice %arg24[%dma_start3A_118] : memref<2000xf32, #tpu.memory_space<vmem>> -> memref<1568xf32, #tpu.memory_space<vmem>>
      %dma_start3A_120 = tpu.memref_slice %arg12[%add3A_104] : memref<100352xf32, #tpu.memory_space<vmem_shared>> -> memref<1568xf32, #tpu.memory_space<vmem_shared>>
      %dma_start3A_121 = arith.constant 0 : i32
      %dma_start3A_122 = tpu.memref_slice %arg24[%dma_start3A_121] : memref<2000xf32, #tpu.memory_space<vmem>> -> memref<1568xf32, #tpu.memory_space<vmem>>
      %dma_start3A_123 = tpu.memref_slice %arg12[%add3A_104] : memref<100352xf32, #tpu.memory_space<vmem_shared>> -> memref<1568xf32, #tpu.memory_space<vmem_shared>>
      tpu.enqueue_dma source(%dma_start3A_123 : memref<1568xf32, #tpu.memory_space<vmem_shared>>) target(%dma_start3A_122 : memref<1568xf32, #tpu.memory_space<vmem>>) target_semaphore(%run_scoped3A : memref<!tpu.dma_semaphore, #tpu.memory_space<semaphore_mem>>)
      %dma_wait3A_124 = arith.constant 0 : i32
      %dma_wait3A_125 = tpu.memref_slice %arg24[%dma_wait3A_124] : memref<2000xf32, #tpu.memory_space<vmem>> -> memref<1568xf32, #tpu.memory_space<vmem>>
      %dma_wait3A_126 = tpu.memref_slice %arg12[%add3A_104] : memref<100352xf32, #tpu.memory_space<vmem_shared>> -> memref<1568xf32, #tpu.memory_space<vmem_shared>>
      %dma_wait3A_127 = arith.constant 0 : i32
      %dma_wait3A_128 = tpu.memref_slice %arg24[%dma_wait3A_127] : memref<2000xf32, #tpu.memory_space<vmem>> -> memref<1568xf32, #tpu.memory_space<vmem>>
      %dma_wait3A_129 = tpu.memref_slice %arg12[%add3A_104] : memref<100352xf32, #tpu.memory_space<vmem_shared>> -> memref<1568xf32, #tpu.memory_space<vmem_shared>>
      tpu.wait_dma2 semaphore(%run_scoped3A : memref<!tpu.dma_semaphore, #tpu.memory_space<semaphore_mem>>) src(%dma_wait3A_129 : memref<1568xf32, #tpu.memory_space<vmem_shared>>) dst(%dma_wait3A_128 : memref<1568xf32, #tpu.memory_space<vmem>>)
      tpu.yield
    }) : () -> ()
    "tpu.region"() ({
      %run_scoped3A = tpu.sem_alloc : memref<!tpu.dma_semaphore, #tpu.memory_space<semaphore_mem>>
      %dma_start3A_118 = arith.constant 0 : i32
      %dma_start3A_119 = tpu.memref_slice %arg24[%dma_start3A_118] : memref<2000xf32, #tpu.memory_space<vmem>> -> memref<1568xf32, #tpu.memory_space<vmem>>
      %dma_start3A_120 = tpu.memref_slice %arg8[%add3A_107] : memref<200704xf32, #tpu.memory_space<hbm>> -> memref<1568xf32, #tpu.memory_space<hbm>>
      %dma_start3A_121 = tpu.memref_slice %arg8[%add3A_107] : memref<200704xf32, #tpu.memory_space<hbm>> -> memref<1568xf32, #tpu.memory_space<hbm>>
      %dma_start3A_122 = arith.constant 0 : i32
      %dma_start3A_123 = tpu.memref_slice %arg24[%dma_start3A_122] : memref<2000xf32, #tpu.memory_space<vmem>> -> memref<1568xf32, #tpu.memory_space<vmem>>
      tpu.enqueue_dma source(%dma_start3A_123 : memref<1568xf32, #tpu.memory_space<vmem>>) target(%dma_start3A_121 : memref<1568xf32, #tpu.memory_space<hbm>>) target_semaphore(%run_scoped3A : memref<!tpu.dma_semaphore, #tpu.memory_space<semaphore_mem>>)
      %dma_wait3A_124 = arith.constant 0 : i32
      %dma_wait3A_125 = tpu.memref_slice %arg24[%dma_wait3A_124] : memref<2000xf32, #tpu.memory_space<vmem>> -> memref<1568xf32, #tpu.memory_space<vmem>>
      %dma_wait3A_126 = tpu.memref_slice %arg8[%add3A_107] : memref<200704xf32, #tpu.memory_space<hbm>> -> memref<1568xf32, #tpu.memory_space<hbm>>
      %dma_wait3A_127 = tpu.memref_slice %arg8[%add3A_107] : memref<200704xf32, #tpu.memory_space<hbm>> -> memref<1568xf32, #tpu.memory_space<hbm>>
      %dma_wait3A_128 = arith.constant 0 : i32
      %dma_wait3A_129 = tpu.memref_slice %arg24[%dma_wait3A_128] : memref<2000xf32, #tpu.memory_space<vmem>> -> memref<1568xf32, #tpu.memory_space<vmem>>
      tpu.wait_dma2 semaphore(%run_scoped3A : memref<!tpu.dma_semaphore, #tpu.memory_space<semaphore_mem>>) src(%dma_wait3A_129 : memref<1568xf32, #tpu.memory_space<vmem>>) dst(%dma_wait3A_127 : memref<1568xf32, #tpu.memory_space<hbm>>)
      tpu.yield
    }) : () -> ()
    "tpu.region"() ({
      %run_scoped3A = tpu.sem_alloc : memref<!tpu.dma_semaphore, #tpu.memory_space<semaphore_mem>>
      %dma_start3A_118 = arith.constant 0 : i32
      %dma_start3A_119 = tpu.memref_slice %arg26[%dma_start3A_118] : memref<2000xf32, #tpu.memory_space<vmem>> -> memref<1568xf32, #tpu.memory_space<vmem>>
      %dma_start3A_120 = tpu.memref_slice %arg13[%add3A_104] : memref<100352xf32, #tpu.memory_space<vmem_shared>> -> memref<1568xf32, #tpu.memory_space<vmem_shared>>
      %dma_start3A_121 = arith.constant 0 : i32
      %dma_start3A_122 = tpu.memref_slice %arg26[%dma_start3A_121] : memref<2000xf32, #tpu.memory_space<vmem>> -> memref<1568xf32, #tpu.memory_space<vmem>>
      %dma_start3A_123 = tpu.memref_slice %arg13[%add3A_104] : memref<100352xf32, #tpu.memory_space<vmem_shared>> -> memref<1568xf32, #tpu.memory_space<vmem_shared>>
      tpu.enqueue_dma source(%dma_start3A_123 : memref<1568xf32, #tpu.memory_space<vmem_shared>>) target(%dma_start3A_122 : memref<1568xf32, #tpu.memory_space<vmem>>) target_semaphore(%run_scoped3A : memref<!tpu.dma_semaphore, #tpu.memory_space<semaphore_mem>>)
      %dma_wait3A_124 = arith.constant 0 : i32
      %dma_wait3A_125 = tpu.memref_slice %arg26[%dma_wait3A_124] : memref<2000xf32, #tpu.memory_space<vmem>> -> memref<1568xf32, #tpu.memory_space<vmem>>
      %dma_wait3A_126 = tpu.memref_slice %arg13[%add3A_104] : memref<100352xf32, #tpu.memory_space<vmem_shared>> -> memref<1568xf32, #tpu.memory_space<vmem_shared>>
      %dma_wait3A_127 = arith.constant 0 : i32
      %dma_wait3A_128 = tpu.memref_slice %arg26[%dma_wait3A_127] : memref<2000xf32, #tpu.memory_space<vmem>> -> memref<1568xf32, #tpu.memory_space<vmem>>
      %dma_wait3A_129 = tpu.memref_slice %arg13[%add3A_104] : memref<100352xf32, #tpu.memory_space<vmem_shared>> -> memref<1568xf32, #tpu.memory_space<vmem_shared>>
      tpu.wait_dma2 semaphore(%run_scoped3A : memref<!tpu.dma_semaphore, #tpu.memory_space<semaphore_mem>>) src(%dma_wait3A_129 : memref<1568xf32, #tpu.memory_space<vmem_shared>>) dst(%dma_wait3A_128 : memref<1568xf32, #tpu.memory_space<vmem>>)
      tpu.yield
    }) : () -> ()
    "tpu.region"() ({
      %run_scoped3A = tpu.sem_alloc : memref<!tpu.dma_semaphore, #tpu.memory_space<semaphore_mem>>
      %dma_start3A_118 = arith.constant 0 : i32
      %dma_start3A_119 = tpu.memref_slice %arg26[%dma_start3A_118] : memref<2000xf32, #tpu.memory_space<vmem>> -> memref<1568xf32, #tpu.memory_space<vmem>>
      %dma_start3A_120 = tpu.memref_slice %arg9[%add3A_107] : memref<200704xf32, #tpu.memory_space<hbm>> -> memref<1568xf32, #tpu.memory_space<hbm>>
      %dma_start3A_121 = tpu.memref_slice %arg9[%add3A_107] : memref<200704xf32, #tpu.memory_space<hbm>> -> memref<1568xf32, #tpu.memory_space<hbm>>
      %dma_start3A_122 = arith.constant 0 : i32
      %dma_start3A_123 = tpu.memref_slice %arg26[%dma_start3A_122] : memref<2000xf32, #tpu.memory_space<vmem>> -> memref<1568xf32, #tpu.memory_space<vmem>>
      tpu.enqueue_dma source(%dma_start3A_123 : memref<1568xf32, #tpu.memory_space<vmem>>) target(%dma_start3A_121 : memref<1568xf32, #tpu.memory_space<hbm>>) target_semaphore(%run_scoped3A : memref<!tpu.dma_semaphore, #tpu.memory_space<semaphore_mem>>)
      %dma_wait3A_124 = arith.constant 0 : i32
      %dma_wait3A_125 = tpu.memref_slice %arg26[%dma_wait3A_124] : memref<2000xf32, #tpu.memory_space<vmem>> -> memref<1568xf32, #tpu.memory_space<vmem>>
      %dma_wait3A_126 = tpu.memref_slice %arg9[%add3A_107] : memref<200704xf32, #tpu.memory_space<hbm>> -> memref<1568xf32, #tpu.memory_space<hbm>>
      %dma_wait3A_127 = tpu.memref_slice %arg9[%add3A_107] : memref<200704xf32, #tpu.memory_space<hbm>> -> memref<1568xf32, #tpu.memory_space<hbm>>
      %dma_wait3A_128 = arith.constant 0 : i32
      %dma_wait3A_129 = tpu.memref_slice %arg26[%dma_wait3A_128] : memref<2000xf32, #tpu.memory_space<vmem>> -> memref<1568xf32, #tpu.memory_space<vmem>>
      tpu.wait_dma2 semaphore(%run_scoped3A : memref<!tpu.dma_semaphore, #tpu.memory_space<semaphore_mem>>) src(%dma_wait3A_129 : memref<1568xf32, #tpu.memory_space<vmem>>) dst(%dma_wait3A_127 : memref<1568xf32, #tpu.memory_space<hbm>>)
      tpu.yield
    }) : () -> ()
    %add3A_108 = arith.constant 3136 : i32
    %add3A_109 = arith.addi %mul3A_3, %add3A_108 : i32
    %mul3A_110 = arith.constant 100352 : i32
    %mul3A_111 = arith.muli %arg0, %mul3A_110 : i32
    %add3A_112 = arith.addi %mul3A_111, %add3A_109 : i32
    "tpu.region"() ({
      %run_scoped3A = tpu.sem_alloc : memref<!tpu.dma_semaphore, #tpu.memory_space<semaphore_mem>>
      %dma_start3A_118 = arith.constant 0 : i32
      %dma_start3A_119 = tpu.memref_slice %arg24[%dma_start3A_118] : memref<2000xf32, #tpu.memory_space<vmem>> -> memref<1568xf32, #tpu.memory_space<vmem>>
      %dma_start3A_120 = tpu.memref_slice %arg12[%add3A_109] : memref<100352xf32, #tpu.memory_space<vmem_shared>> -> memref<1568xf32, #tpu.memory_space<vmem_shared>>
      %dma_start3A_121 = arith.constant 0 : i32
      %dma_start3A_122 = tpu.memref_slice %arg24[%dma_start3A_121] : memref<2000xf32, #tpu.memory_space<vmem>> -> memref<1568xf32, #tpu.memory_space<vmem>>
      %dma_start3A_123 = tpu.memref_slice %arg12[%add3A_109] : memref<100352xf32, #tpu.memory_space<vmem_shared>> -> memref<1568xf32, #tpu.memory_space<vmem_shared>>
      tpu.enqueue_dma source(%dma_start3A_123 : memref<1568xf32, #tpu.memory_space<vmem_shared>>) target(%dma_start3A_122 : memref<1568xf32, #tpu.memory_space<vmem>>) target_semaphore(%run_scoped3A : memref<!tpu.dma_semaphore, #tpu.memory_space<semaphore_mem>>)
      %dma_wait3A_124 = arith.constant 0 : i32
      %dma_wait3A_125 = tpu.memref_slice %arg24[%dma_wait3A_124] : memref<2000xf32, #tpu.memory_space<vmem>> -> memref<1568xf32, #tpu.memory_space<vmem>>
      %dma_wait3A_126 = tpu.memref_slice %arg12[%add3A_109] : memref<100352xf32, #tpu.memory_space<vmem_shared>> -> memref<1568xf32, #tpu.memory_space<vmem_shared>>
      %dma_wait3A_127 = arith.constant 0 : i32
      %dma_wait3A_128 = tpu.memref_slice %arg24[%dma_wait3A_127] : memref<2000xf32, #tpu.memory_space<vmem>> -> memref<1568xf32, #tpu.memory_space<vmem>>
      %dma_wait3A_129 = tpu.memref_slice %arg12[%add3A_109] : memref<100352xf32, #tpu.memory_space<vmem_shared>> -> memref<1568xf32, #tpu.memory_space<vmem_shared>>
      tpu.wait_dma2 semaphore(%run_scoped3A : memref<!tpu.dma_semaphore, #tpu.memory_space<semaphore_mem>>) src(%dma_wait3A_129 : memref<1568xf32, #tpu.memory_space<vmem_shared>>) dst(%dma_wait3A_128 : memref<1568xf32, #tpu.memory_space<vmem>>)
      tpu.yield
    }) : () -> ()
    "tpu.region"() ({
      %run_scoped3A = tpu.sem_alloc : memref<!tpu.dma_semaphore, #tpu.memory_space<semaphore_mem>>
      %dma_start3A_118 = arith.constant 0 : i32
      %dma_start3A_119 = tpu.memref_slice %arg24[%dma_start3A_118] : memref<2000xf32, #tpu.memory_space<vmem>> -> memref<1568xf32, #tpu.memory_space<vmem>>
      %dma_start3A_120 = tpu.memref_slice %arg8[%add3A_112] : memref<200704xf32, #tpu.memory_space<hbm>> -> memref<1568xf32, #tpu.memory_space<hbm>>
      %dma_start3A_121 = tpu.memref_slice %arg8[%add3A_112] : memref<200704xf32, #tpu.memory_space<hbm>> -> memref<1568xf32, #tpu.memory_space<hbm>>
      %dma_start3A_122 = arith.constant 0 : i32
      %dma_start3A_123 = tpu.memref_slice %arg24[%dma_start3A_122] : memref<2000xf32, #tpu.memory_space<vmem>> -> memref<1568xf32, #tpu.memory_space<vmem>>
      tpu.enqueue_dma source(%dma_start3A_123 : memref<1568xf32, #tpu.memory_space<vmem>>) target(%dma_start3A_121 : memref<1568xf32, #tpu.memory_space<hbm>>) target_semaphore(%run_scoped3A : memref<!tpu.dma_semaphore, #tpu.memory_space<semaphore_mem>>)
      %dma_wait3A_124 = arith.constant 0 : i32
      %dma_wait3A_125 = tpu.memref_slice %arg24[%dma_wait3A_124] : memref<2000xf32, #tpu.memory_space<vmem>> -> memref<1568xf32, #tpu.memory_space<vmem>>
      %dma_wait3A_126 = tpu.memref_slice %arg8[%add3A_112] : memref<200704xf32, #tpu.memory_space<hbm>> -> memref<1568xf32, #tpu.memory_space<hbm>>
      %dma_wait3A_127 = tpu.memref_slice %arg8[%add3A_112] : memref<200704xf32, #tpu.memory_space<hbm>> -> memref<1568xf32, #tpu.memory_space<hbm>>
      %dma_wait3A_128 = arith.constant 0 : i32
      %dma_wait3A_129 = tpu.memref_slice %arg24[%dma_wait3A_128] : memref<2000xf32, #tpu.memory_space<vmem>> -> memref<1568xf32, #tpu.memory_space<vmem>>
      tpu.wait_dma2 semaphore(%run_scoped3A : memref<!tpu.dma_semaphore, #tpu.memory_space<semaphore_mem>>) src(%dma_wait3A_129 : memref<1568xf32, #tpu.memory_space<vmem>>) dst(%dma_wait3A_127 : memref<1568xf32, #tpu.memory_space<hbm>>)
      tpu.yield
    }) : () -> ()
    "tpu.region"() ({
      %run_scoped3A = tpu.sem_alloc : memref<!tpu.dma_semaphore, #tpu.memory_space<semaphore_mem>>
      %dma_start3A_118 = arith.constant 0 : i32
      %dma_start3A_119 = tpu.memref_slice %arg26[%dma_start3A_118] : memref<2000xf32, #tpu.memory_space<vmem>> -> memref<1568xf32, #tpu.memory_space<vmem>>
      %dma_start3A_120 = tpu.memref_slice %arg13[%add3A_109] : memref<100352xf32, #tpu.memory_space<vmem_shared>> -> memref<1568xf32, #tpu.memory_space<vmem_shared>>
      %dma_start3A_121 = arith.constant 0 : i32
      %dma_start3A_122 = tpu.memref_slice %arg26[%dma_start3A_121] : memref<2000xf32, #tpu.memory_space<vmem>> -> memref<1568xf32, #tpu.memory_space<vmem>>
      %dma_start3A_123 = tpu.memref_slice %arg13[%add3A_109] : memref<100352xf32, #tpu.memory_space<vmem_shared>> -> memref<1568xf32, #tpu.memory_space<vmem_shared>>
      tpu.enqueue_dma source(%dma_start3A_123 : memref<1568xf32, #tpu.memory_space<vmem_shared>>) target(%dma_start3A_122 : memref<1568xf32, #tpu.memory_space<vmem>>) target_semaphore(%run_scoped3A : memref<!tpu.dma_semaphore, #tpu.memory_space<semaphore_mem>>)
      %dma_wait3A_124 = arith.constant 0 : i32
      %dma_wait3A_125 = tpu.memref_slice %arg26[%dma_wait3A_124] : memref<2000xf32, #tpu.memory_space<vmem>> -> memref<1568xf32, #tpu.memory_space<vmem>>
      %dma_wait3A_126 = tpu.memref_slice %arg13[%add3A_109] : memref<100352xf32, #tpu.memory_space<vmem_shared>> -> memref<1568xf32, #tpu.memory_space<vmem_shared>>
      %dma_wait3A_127 = arith.constant 0 : i32
      %dma_wait3A_128 = tpu.memref_slice %arg26[%dma_wait3A_127] : memref<2000xf32, #tpu.memory_space<vmem>> -> memref<1568xf32, #tpu.memory_space<vmem>>
      %dma_wait3A_129 = tpu.memref_slice %arg13[%add3A_109] : memref<100352xf32, #tpu.memory_space<vmem_shared>> -> memref<1568xf32, #tpu.memory_space<vmem_shared>>
      tpu.wait_dma2 semaphore(%run_scoped3A : memref<!tpu.dma_semaphore, #tpu.memory_space<semaphore_mem>>) src(%dma_wait3A_129 : memref<1568xf32, #tpu.memory_space<vmem_shared>>) dst(%dma_wait3A_128 : memref<1568xf32, #tpu.memory_space<vmem>>)
      tpu.yield
    }) : () -> ()
    "tpu.region"() ({
      %run_scoped3A = tpu.sem_alloc : memref<!tpu.dma_semaphore, #tpu.memory_space<semaphore_mem>>
      %dma_start3A_118 = arith.constant 0 : i32
      %dma_start3A_119 = tpu.memref_slice %arg26[%dma_start3A_118] : memref<2000xf32, #tpu.memory_space<vmem>> -> memref<1568xf32, #tpu.memory_space<vmem>>
      %dma_start3A_120 = tpu.memref_slice %arg9[%add3A_112] : memref<200704xf32, #tpu.memory_space<hbm>> -> memref<1568xf32, #tpu.memory_space<hbm>>
      %dma_start3A_121 = tpu.memref_slice %arg9[%add3A_112] : memref<200704xf32, #tpu.memory_space<hbm>> -> memref<1568xf32, #tpu.memory_space<hbm>>
      %dma_start3A_122 = arith.constant 0 : i32
      %dma_start3A_123 = tpu.memref_slice %arg26[%dma_start3A_122] : memref<2000xf32, #tpu.memory_space<vmem>> -> memref<1568xf32, #tpu.memory_space<vmem>>
      tpu.enqueue_dma source(%dma_start3A_123 : memref<1568xf32, #tpu.memory_space<vmem>>) target(%dma_start3A_121 : memref<1568xf32, #tpu.memory_space<hbm>>) target_semaphore(%run_scoped3A : memref<!tpu.dma_semaphore, #tpu.memory_space<semaphore_mem>>)
      %dma_wait3A_124 = arith.constant 0 : i32
      %dma_wait3A_125 = tpu.memref_slice %arg26[%dma_wait3A_124] : memref<2000xf32, #tpu.memory_space<vmem>> -> memref<1568xf32, #tpu.memory_space<vmem>>
      %dma_wait3A_126 = tpu.memref_slice %arg9[%add3A_112] : memref<200704xf32, #tpu.memory_space<hbm>> -> memref<1568xf32, #tpu.memory_space<hbm>>
      %dma_wait3A_127 = tpu.memref_slice %arg9[%add3A_112] : memref<200704xf32, #tpu.memory_space<hbm>> -> memref<1568xf32, #tpu.memory_space<hbm>>
      %dma_wait3A_128 = arith.constant 0 : i32
      %dma_wait3A_129 = tpu.memref_slice %arg26[%dma_wait3A_128] : memref<2000xf32, #tpu.memory_space<vmem>> -> memref<1568xf32, #tpu.memory_space<vmem>>
      tpu.wait_dma2 semaphore(%run_scoped3A : memref<!tpu.dma_semaphore, #tpu.memory_space<semaphore_mem>>) src(%dma_wait3A_129 : memref<1568xf32, #tpu.memory_space<vmem>>) dst(%dma_wait3A_127 : memref<1568xf32, #tpu.memory_space<hbm>>)
      tpu.yield
    }) : () -> ()
    %add3A_113 = arith.constant 4704 : i32
    %add3A_114 = arith.addi %mul3A_3, %add3A_113 : i32
    %mul3A_115 = arith.constant 100352 : i32
    %mul3A_116 = arith.muli %arg0, %mul3A_115 : i32
    %add3A_117 = arith.addi %mul3A_116, %add3A_114 : i32
    "tpu.region"() ({
      %run_scoped3A = tpu.sem_alloc : memref<!tpu.dma_semaphore, #tpu.memory_space<semaphore_mem>>
      %dma_start3A_118 = arith.constant 0 : i32
      %dma_start3A_119 = tpu.memref_slice %arg24[%dma_start3A_118] : memref<2000xf32, #tpu.memory_space<vmem>> -> memref<1568xf32, #tpu.memory_space<vmem>>
      %dma_start3A_120 = tpu.memref_slice %arg12[%add3A_114] : memref<100352xf32, #tpu.memory_space<vmem_shared>> -> memref<1568xf32, #tpu.memory_space<vmem_shared>>
      %dma_start3A_121 = arith.constant 0 : i32
      %dma_start3A_122 = tpu.memref_slice %arg24[%dma_start3A_121] : memref<2000xf32, #tpu.memory_space<vmem>> -> memref<1568xf32, #tpu.memory_space<vmem>>
      %dma_start3A_123 = tpu.memref_slice %arg12[%add3A_114] : memref<100352xf32, #tpu.memory_space<vmem_shared>> -> memref<1568xf32, #tpu.memory_space<vmem_shared>>
      tpu.enqueue_dma source(%dma_start3A_123 : memref<1568xf32, #tpu.memory_space<vmem_shared>>) target(%dma_start3A_122 : memref<1568xf32, #tpu.memory_space<vmem>>) target_semaphore(%run_scoped3A : memref<!tpu.dma_semaphore, #tpu.memory_space<semaphore_mem>>)
      %dma_wait3A_124 = arith.constant 0 : i32
      %dma_wait3A_125 = tpu.memref_slice %arg24[%dma_wait3A_124] : memref<2000xf32, #tpu.memory_space<vmem>> -> memref<1568xf32, #tpu.memory_space<vmem>>
      %dma_wait3A_126 = tpu.memref_slice %arg12[%add3A_114] : memref<100352xf32, #tpu.memory_space<vmem_shared>> -> memref<1568xf32, #tpu.memory_space<vmem_shared>>
      %dma_wait3A_127 = arith.constant 0 : i32
      %dma_wait3A_128 = tpu.memref_slice %arg24[%dma_wait3A_127] : memref<2000xf32, #tpu.memory_space<vmem>> -> memref<1568xf32, #tpu.memory_space<vmem>>
      %dma_wait3A_129 = tpu.memref_slice %arg12[%add3A_114] : memref<100352xf32, #tpu.memory_space<vmem_shared>> -> memref<1568xf32, #tpu.memory_space<vmem_shared>>
      tpu.wait_dma2 semaphore(%run_scoped3A : memref<!tpu.dma_semaphore, #tpu.memory_space<semaphore_mem>>) src(%dma_wait3A_129 : memref<1568xf32, #tpu.memory_space<vmem_shared>>) dst(%dma_wait3A_128 : memref<1568xf32, #tpu.memory_space<vmem>>)
      tpu.yield
    }) : () -> ()
    "tpu.region"() ({
      %run_scoped3A = tpu.sem_alloc : memref<!tpu.dma_semaphore, #tpu.memory_space<semaphore_mem>>
      %dma_start3A_118 = arith.constant 0 : i32
      %dma_start3A_119 = tpu.memref_slice %arg24[%dma_start3A_118] : memref<2000xf32, #tpu.memory_space<vmem>> -> memref<1568xf32, #tpu.memory_space<vmem>>
      %dma_start3A_120 = tpu.memref_slice %arg8[%add3A_117] : memref<200704xf32, #tpu.memory_space<hbm>> -> memref<1568xf32, #tpu.memory_space<hbm>>
      %dma_start3A_121 = tpu.memref_slice %arg8[%add3A_117] : memref<200704xf32, #tpu.memory_space<hbm>> -> memref<1568xf32, #tpu.memory_space<hbm>>
      %dma_start3A_122 = arith.constant 0 : i32
      %dma_start3A_123 = tpu.memref_slice %arg24[%dma_start3A_122] : memref<2000xf32, #tpu.memory_space<vmem>> -> memref<1568xf32, #tpu.memory_space<vmem>>
      tpu.enqueue_dma source(%dma_start3A_123 : memref<1568xf32, #tpu.memory_space<vmem>>) target(%dma_start3A_121 : memref<1568xf32, #tpu.memory_space<hbm>>) target_semaphore(%run_scoped3A : memref<!tpu.dma_semaphore, #tpu.memory_space<semaphore_mem>>)
      %dma_wait3A_124 = arith.constant 0 : i32
      %dma_wait3A_125 = tpu.memref_slice %arg24[%dma_wait3A_124] : memref<2000xf32, #tpu.memory_space<vmem>> -> memref<1568xf32, #tpu.memory_space<vmem>>
      %dma_wait3A_126 = tpu.memref_slice %arg8[%add3A_117] : memref<200704xf32, #tpu.memory_space<hbm>> -> memref<1568xf32, #tpu.memory_space<hbm>>
      %dma_wait3A_127 = tpu.memref_slice %arg8[%add3A_117] : memref<200704xf32, #tpu.memory_space<hbm>> -> memref<1568xf32, #tpu.memory_space<hbm>>
      %dma_wait3A_128 = arith.constant 0 : i32
      %dma_wait3A_129 = tpu.memref_slice %arg24[%dma_wait3A_128] : memref<2000xf32, #tpu.memory_space<vmem>> -> memref<1568xf32, #tpu.memory_space<vmem>>
      tpu.wait_dma2 semaphore(%run_scoped3A : memref<!tpu.dma_semaphore, #tpu.memory_space<semaphore_mem>>) src(%dma_wait3A_129 : memref<1568xf32, #tpu.memory_space<vmem>>) dst(%dma_wait3A_127 : memref<1568xf32, #tpu.memory_space<hbm>>)
      tpu.yield
    }) : () -> ()
    "tpu.region"() ({
      %run_scoped3A = tpu.sem_alloc : memref<!tpu.dma_semaphore, #tpu.memory_space<semaphore_mem>>
      %dma_start3A_118 = arith.constant 0 : i32
      %dma_start3A_119 = tpu.memref_slice %arg26[%dma_start3A_118] : memref<2000xf32, #tpu.memory_space<vmem>> -> memref<1568xf32, #tpu.memory_space<vmem>>
      %dma_start3A_120 = tpu.memref_slice %arg13[%add3A_114] : memref<100352xf32, #tpu.memory_space<vmem_shared>> -> memref<1568xf32, #tpu.memory_space<vmem_shared>>
      %dma_start3A_121 = arith.constant 0 : i32
      %dma_start3A_122 = tpu.memref_slice %arg26[%dma_start3A_121] : memref<2000xf32, #tpu.memory_space<vmem>> -> memref<1568xf32, #tpu.memory_space<vmem>>
      %dma_start3A_123 = tpu.memref_slice %arg13[%add3A_114] : memref<100352xf32, #tpu.memory_space<vmem_shared>> -> memref<1568xf32, #tpu.memory_space<vmem_shared>>
      tpu.enqueue_dma source(%dma_start3A_123 : memref<1568xf32, #tpu.memory_space<vmem_shared>>) target(%dma_start3A_122 : memref<1568xf32, #tpu.memory_space<vmem>>) target_semaphore(%run_scoped3A : memref<!tpu.dma_semaphore, #tpu.memory_space<semaphore_mem>>)
      %dma_wait3A_124 = arith.constant 0 : i32
      %dma_wait3A_125 = tpu.memref_slice %arg26[%dma_wait3A_124] : memref<2000xf32, #tpu.memory_space<vmem>> -> memref<1568xf32, #tpu.memory_space<vmem>>
      %dma_wait3A_126 = tpu.memref_slice %arg13[%add3A_114] : memref<100352xf32, #tpu.memory_space<vmem_shared>> -> memref<1568xf32, #tpu.memory_space<vmem_shared>>
      %dma_wait3A_127 = arith.constant 0 : i32
      %dma_wait3A_128 = tpu.memref_slice %arg26[%dma_wait3A_127] : memref<2000xf32, #tpu.memory_space<vmem>> -> memref<1568xf32, #tpu.memory_space<vmem>>
      %dma_wait3A_129 = tpu.memref_slice %arg13[%add3A_114] : memref<100352xf32, #tpu.memory_space<vmem_shared>> -> memref<1568xf32, #tpu.memory_space<vmem_shared>>
      tpu.wait_dma2 semaphore(%run_scoped3A : memref<!tpu.dma_semaphore, #tpu.memory_space<semaphore_mem>>) src(%dma_wait3A_129 : memref<1568xf32, #tpu.memory_space<vmem_shared>>) dst(%dma_wait3A_128 : memref<1568xf32, #tpu.memory_space<vmem>>)
      tpu.yield
    }) : () -> ()
    "tpu.region"() ({
      %run_scoped3A = tpu.sem_alloc : memref<!tpu.dma_semaphore, #tpu.memory_space<semaphore_mem>>
      %dma_start3A_118 = arith.constant 0 : i32
      %dma_start3A_119 = tpu.memref_slice %arg26[%dma_start3A_118] : memref<2000xf32, #tpu.memory_space<vmem>> -> memref<1568xf32, #tpu.memory_space<vmem>>
      %dma_start3A_120 = tpu.memref_slice %arg9[%add3A_117] : memref<200704xf32, #tpu.memory_space<hbm>> -> memref<1568xf32, #tpu.memory_space<hbm>>
      %dma_start3A_121 = tpu.memref_slice %arg9[%add3A_117] : memref<200704xf32, #tpu.memory_space<hbm>> -> memref<1568xf32, #tpu.memory_space<hbm>>
      %dma_start3A_122 = arith.constant 0 : i32
      %dma_start3A_123 = tpu.memref_slice %arg26[%dma_start3A_122] : memref<2000xf32, #tpu.memory_space<vmem>> -> memref<1568xf32, #tpu.memory_space<vmem>>
      tpu.enqueue_dma source(%dma_start3A_123 : memref<1568xf32, #tpu.memory_space<vmem>>) target(%dma_start3A_121 : memref<1568xf32, #tpu.memory_space<hbm>>) target_semaphore(%run_scoped3A : memref<!tpu.dma_semaphore, #tpu.memory_space<semaphore_mem>>)
      %dma_wait3A_124 = arith.constant 0 : i32
      %dma_wait3A_125 = tpu.memref_slice %arg26[%dma_wait3A_124] : memref<2000xf32, #tpu.memory_space<vmem>> -> memref<1568xf32, #tpu.memory_space<vmem>>
      %dma_wait3A_126 = tpu.memref_slice %arg9[%add3A_117] : memref<200704xf32, #tpu.memory_space<hbm>> -> memref<1568xf32, #tpu.memory_space<hbm>>
      %dma_wait3A_127 = tpu.memref_slice %arg9[%add3A_117] : memref<200704xf32, #tpu.memory_space<hbm>> -> memref<1568xf32, #tpu.memory_space<hbm>>
      %dma_wait3A_128 = arith.constant 0 : i32
      %dma_wait3A_129 = tpu.memref_slice %arg26[%dma_wait3A_128] : memref<2000xf32, #tpu.memory_space<vmem>> -> memref<1568xf32, #tpu.memory_space<vmem>>
      tpu.wait_dma2 semaphore(%run_scoped3A : memref<!tpu.dma_semaphore, #tpu.memory_space<semaphore_mem>>) src(%dma_wait3A_129 : memref<1568xf32, #tpu.memory_space<vmem>>) dst(%dma_wait3A_127 : memref<1568xf32, #tpu.memory_space<hbm>>)
      tpu.yield
    }) : () -> ()
    return
  }
}

#map = affine_map<(d0, d1) -> (0)>
module attributes {stable_mosaic.version = 14 : i64} {
  func.func @_combine_kernel(%arg0: i32, %arg1: i32, %arg2: memref<200704xf32, #tpu.memory_space<hbm>>, %arg3: memref<200704xf32, #tpu.memory_space<hbm>>, %arg4: memref<100352xf32, #tpu.memory_space<hbm>>, %arg5: memref<100352xf32, #tpu.memory_space<hbm>>, %arg6: memref<3136xf32, #tpu.memory_space<vmem>>, %arg7: memref<3136xf32, #tpu.memory_space<vmem>>, %arg8: memref<3136xf32, #tpu.memory_space<vmem>>, %arg9: memref<3136xf32, #tpu.memory_space<vmem>>, %arg10: memref<3136xf32, #tpu.memory_space<vmem>>, %arg11: memref<3136xf32, #tpu.memory_space<vmem>>) attributes {dimension_semantics = [#tpu.dimension_semantics<core_parallel>, #tpu.dimension_semantics<subcore_parallel>], iteration_bounds = array<i64: 2, 16>, scalar_prefetch = 0 : i64, scratch_operands = 6 : i64, tpu.core_type = #tpu.core_type<sc_vector_subcore>, window_params = [{transform_indices = #map}, {transform_indices = #map}, {transform_indices = #map}, {transform_indices = #map}]} {
    %mul3A = arith.constant 16 : i32
    %mul3A_0 = arith.muli %arg0, %mul3A : i32
    %add3A = arith.addi %mul3A_0, %arg1 : i32
    %mul3A_1 = arith.constant 3136 : i32
    %mul3A_2 = arith.muli %add3A, %mul3A_1 : i32
    "tpu.region"() ({
      %run_scoped3A = tpu.sem_alloc : memref<!tpu.dma_semaphore, #tpu.memory_space<semaphore_mem>>
      %dma_start3A = tpu.memref_slice %arg2[%mul3A_2] : memref<200704xf32, #tpu.memory_space<hbm>> -> memref<3136xf32, #tpu.memory_space<hbm>>
      %dma_start3A_13 = tpu.memref_slice %arg2[%mul3A_2] : memref<200704xf32, #tpu.memory_space<hbm>> -> memref<3136xf32, #tpu.memory_space<hbm>>
      tpu.enqueue_dma source(%dma_start3A_13 : memref<3136xf32, #tpu.memory_space<hbm>>) target(%arg6 : memref<3136xf32, #tpu.memory_space<vmem>>) target_semaphore(%run_scoped3A : memref<!tpu.dma_semaphore, #tpu.memory_space<semaphore_mem>>)
      %dma_wait3A = tpu.memref_slice %arg2[%mul3A_2] : memref<200704xf32, #tpu.memory_space<hbm>> -> memref<3136xf32, #tpu.memory_space<hbm>>
      %dma_wait3A_14 = tpu.memref_slice %arg2[%mul3A_2] : memref<200704xf32, #tpu.memory_space<hbm>> -> memref<3136xf32, #tpu.memory_space<hbm>>
      tpu.wait_dma2 semaphore(%run_scoped3A : memref<!tpu.dma_semaphore, #tpu.memory_space<semaphore_mem>>) src(%dma_wait3A_14 : memref<3136xf32, #tpu.memory_space<hbm>>) dst(%arg6 : memref<3136xf32, #tpu.memory_space<vmem>>)
      tpu.yield
    }) : () -> ()
    "tpu.region"() ({
      %run_scoped3A = tpu.sem_alloc : memref<!tpu.dma_semaphore, #tpu.memory_space<semaphore_mem>>
      %dma_start3A = tpu.memref_slice %arg3[%mul3A_2] : memref<200704xf32, #tpu.memory_space<hbm>> -> memref<3136xf32, #tpu.memory_space<hbm>>
      %dma_start3A_13 = tpu.memref_slice %arg3[%mul3A_2] : memref<200704xf32, #tpu.memory_space<hbm>> -> memref<3136xf32, #tpu.memory_space<hbm>>
      tpu.enqueue_dma source(%dma_start3A_13 : memref<3136xf32, #tpu.memory_space<hbm>>) target(%arg7 : memref<3136xf32, #tpu.memory_space<vmem>>) target_semaphore(%run_scoped3A : memref<!tpu.dma_semaphore, #tpu.memory_space<semaphore_mem>>)
      %dma_wait3A = tpu.memref_slice %arg3[%mul3A_2] : memref<200704xf32, #tpu.memory_space<hbm>> -> memref<3136xf32, #tpu.memory_space<hbm>>
      %dma_wait3A_14 = tpu.memref_slice %arg3[%mul3A_2] : memref<200704xf32, #tpu.memory_space<hbm>> -> memref<3136xf32, #tpu.memory_space<hbm>>
      tpu.wait_dma2 semaphore(%run_scoped3A : memref<!tpu.dma_semaphore, #tpu.memory_space<semaphore_mem>>) src(%dma_wait3A_14 : memref<3136xf32, #tpu.memory_space<hbm>>) dst(%arg7 : memref<3136xf32, #tpu.memory_space<vmem>>)
      tpu.yield
    }) : () -> ()
    %add3A_3 = arith.constant 100352 : i32
    %add3A_4 = arith.addi %add3A_3, %mul3A_2 : i32
    "tpu.region"() ({
      %run_scoped3A = tpu.sem_alloc : memref<!tpu.dma_semaphore, #tpu.memory_space<semaphore_mem>>
      %dma_start3A = tpu.memref_slice %arg2[%add3A_4] : memref<200704xf32, #tpu.memory_space<hbm>> -> memref<3136xf32, #tpu.memory_space<hbm>>
      %dma_start3A_13 = tpu.memref_slice %arg2[%add3A_4] : memref<200704xf32, #tpu.memory_space<hbm>> -> memref<3136xf32, #tpu.memory_space<hbm>>
      tpu.enqueue_dma source(%dma_start3A_13 : memref<3136xf32, #tpu.memory_space<hbm>>) target(%arg8 : memref<3136xf32, #tpu.memory_space<vmem>>) target_semaphore(%run_scoped3A : memref<!tpu.dma_semaphore, #tpu.memory_space<semaphore_mem>>)
      %dma_wait3A = tpu.memref_slice %arg2[%add3A_4] : memref<200704xf32, #tpu.memory_space<hbm>> -> memref<3136xf32, #tpu.memory_space<hbm>>
      %dma_wait3A_14 = tpu.memref_slice %arg2[%add3A_4] : memref<200704xf32, #tpu.memory_space<hbm>> -> memref<3136xf32, #tpu.memory_space<hbm>>
      tpu.wait_dma2 semaphore(%run_scoped3A : memref<!tpu.dma_semaphore, #tpu.memory_space<semaphore_mem>>) src(%dma_wait3A_14 : memref<3136xf32, #tpu.memory_space<hbm>>) dst(%arg8 : memref<3136xf32, #tpu.memory_space<vmem>>)
      tpu.yield
    }) : () -> ()
    %add3A_5 = arith.constant 100352 : i32
    %add3A_6 = arith.addi %add3A_5, %mul3A_2 : i32
    "tpu.region"() ({
      %run_scoped3A = tpu.sem_alloc : memref<!tpu.dma_semaphore, #tpu.memory_space<semaphore_mem>>
      %dma_start3A = tpu.memref_slice %arg3[%add3A_6] : memref<200704xf32, #tpu.memory_space<hbm>> -> memref<3136xf32, #tpu.memory_space<hbm>>
      %dma_start3A_13 = tpu.memref_slice %arg3[%add3A_6] : memref<200704xf32, #tpu.memory_space<hbm>> -> memref<3136xf32, #tpu.memory_space<hbm>>
      tpu.enqueue_dma source(%dma_start3A_13 : memref<3136xf32, #tpu.memory_space<hbm>>) target(%arg9 : memref<3136xf32, #tpu.memory_space<vmem>>) target_semaphore(%run_scoped3A : memref<!tpu.dma_semaphore, #tpu.memory_space<semaphore_mem>>)
      %dma_wait3A = tpu.memref_slice %arg3[%add3A_6] : memref<200704xf32, #tpu.memory_space<hbm>> -> memref<3136xf32, #tpu.memory_space<hbm>>
      %dma_wait3A_14 = tpu.memref_slice %arg3[%add3A_6] : memref<200704xf32, #tpu.memory_space<hbm>> -> memref<3136xf32, #tpu.memory_space<hbm>>
      tpu.wait_dma2 semaphore(%run_scoped3A : memref<!tpu.dma_semaphore, #tpu.memory_space<semaphore_mem>>) src(%dma_wait3A_14 : memref<3136xf32, #tpu.memory_space<hbm>>) dst(%arg9 : memref<3136xf32, #tpu.memory_space<vmem>>)
      tpu.yield
    }) : () -> ()
    %scan3A = arith.constant 0 : i32
    %scan3A_7 = arith.constant 0 : i32
    %scan3A_8 = arith.constant 196 : i32
    %scan3A_9 = arith.addi %scan3A_7, %scan3A_8 : i32
    %scan3A_10 = arith.constant 1 : i32
    %scan3A_11 = scf.for %scan3A_13 = %scan3A_7 to %scan3A_9 step %scan3A_10 iter_args(%scan3A_14 = %scan3A) -> (i32)  : i32 {
      %mul3A_15 = arith.constant 16 : i32
      %mul3A_16 = arith.muli %scan3A_13, %mul3A_15 : i32
      %get3A = arith.index_cast %mul3A_16 : i32 to index
      %get3A_17 = tpu.vector_load %arg6[%get3A] {strides = array<i32>} : memref<3136xf32, #tpu.memory_space<vmem>>, vector<16xf32>,
      %get3A_18 = vector.shape_cast %get3A_17 : vector<16xf32> to vector<16xf32>
      %get3A_19 = arith.index_cast %mul3A_16 : i32 to index
      %get3A_20 = tpu.vector_load %arg8[%get3A_19] {strides = array<i32>} : memref<3136xf32, #tpu.memory_space<vmem>>, vector<16xf32>,
      %get3A_21 = vector.shape_cast %get3A_20 : vector<16xf32> to vector<16xf32>
      %add3A_22 = arith.addf %get3A_18, %get3A_21 : vector<16xf32>
      %swap3A = arith.index_cast %mul3A_16 : i32 to index
      %swap3A_23 = tpu.vector_load %arg10[%swap3A] {strides = array<i32>} : memref<3136xf32, #tpu.memory_space<vmem>>, vector<16xf32>,
      %swap3A_24 = vector.shape_cast %swap3A_23 : vector<16xf32> to vector<16xf32>
      %swap3A_25 = vector.shape_cast %add3A_22 : vector<16xf32> to vector<16xf32>
      tpu.vector_store %arg10[%swap3A], %swap3A_25 {strides = array<i32>} : memref<3136xf32, #tpu.memory_space<vmem>>, vector<16xf32>,
      %get3A_26 = arith.index_cast %mul3A_16 : i32 to index
      %get3A_27 = tpu.vector_load %arg7[%get3A_26] {strides = array<i32>} : memref<3136xf32, #tpu.memory_space<vmem>>, vector<16xf32>,
      %get3A_28 = vector.shape_cast %get3A_27 : vector<16xf32> to vector<16xf32>
      %get3A_29 = arith.index_cast %mul3A_16 : i32 to index
      %get3A_30 = tpu.vector_load %arg9[%get3A_29] {strides = array<i32>} : memref<3136xf32, #tpu.memory_space<vmem>>, vector<16xf32>,
      %get3A_31 = vector.shape_cast %get3A_30 : vector<16xf32> to vector<16xf32>
      %add3A_32 = arith.addf %get3A_28, %get3A_31 : vector<16xf32>
      %swap3A_33 = arith.index_cast %mul3A_16 : i32 to index
      %swap3A_34 = tpu.vector_load %arg11[%swap3A_33] {strides = array<i32>} : memref<3136xf32, #tpu.memory_space<vmem>>, vector<16xf32>,
      %swap3A_35 = vector.shape_cast %swap3A_34 : vector<16xf32> to vector<16xf32>
      %swap3A_36 = vector.shape_cast %add3A_32 : vector<16xf32> to vector<16xf32>
      tpu.vector_store %arg11[%swap3A_33], %swap3A_36 {strides = array<i32>} : memref<3136xf32, #tpu.memory_space<vmem>>, vector<16xf32>,
      %scan3A_37 = arith.constant 0 : i32
      scf.yield %scan3A_37 : i32
    }
    %scan3A_12 = arith.constant 196 : i32
    "tpu.region"() ({
      %run_scoped3A = tpu.sem_alloc : memref<!tpu.dma_semaphore, #tpu.memory_space<semaphore_mem>>
      %dma_start3A = tpu.memref_slice %arg4[%mul3A_2] : memref<100352xf32, #tpu.memory_space<hbm>> -> memref<3136xf32, #tpu.memory_space<hbm>>
      %dma_start3A_13 = tpu.memref_slice %arg4[%mul3A_2] : memref<100352xf32, #tpu.memory_space<hbm>> -> memref<3136xf32, #tpu.memory_space<hbm>>
      tpu.enqueue_dma source(%arg10 : memref<3136xf32, #tpu.memory_space<vmem>>) target(%dma_start3A_13 : memref<3136xf32, #tpu.memory_space<hbm>>) target_semaphore(%run_scoped3A : memref<!tpu.dma_semaphore, #tpu.memory_space<semaphore_mem>>)
      %dma_wait3A = tpu.memref_slice %arg4[%mul3A_2] : memref<100352xf32, #tpu.memory_space<hbm>> -> memref<3136xf32, #tpu.memory_space<hbm>>
      %dma_wait3A_14 = tpu.memref_slice %arg4[%mul3A_2] : memref<100352xf32, #tpu.memory_space<hbm>> -> memref<3136xf32, #tpu.memory_space<hbm>>
      tpu.wait_dma2 semaphore(%run_scoped3A : memref<!tpu.dma_semaphore, #tpu.memory_space<semaphore_mem>>) src(%arg10 : memref<3136xf32, #tpu.memory_space<vmem>>) dst(%dma_wait3A_14 : memref<3136xf32, #tpu.memory_space<hbm>>)
      tpu.yield
    }) : () -> ()
    "tpu.region"() ({
      %run_scoped3A = tpu.sem_alloc : memref<!tpu.dma_semaphore, #tpu.memory_space<semaphore_mem>>
      %dma_start3A = tpu.memref_slice %arg5[%mul3A_2] : memref<100352xf32, #tpu.memory_space<hbm>> -> memref<3136xf32, #tpu.memory_space<hbm>>
      %dma_start3A_13 = tpu.memref_slice %arg5[%mul3A_2] : memref<100352xf32, #tpu.memory_space<hbm>> -> memref<3136xf32, #tpu.memory_space<hbm>>
      tpu.enqueue_dma source(%arg11 : memref<3136xf32, #tpu.memory_space<vmem>>) target(%dma_start3A_13 : memref<3136xf32, #tpu.memory_space<hbm>>) target_semaphore(%run_scoped3A : memref<!tpu.dma_semaphore, #tpu.memory_space<semaphore_mem>>)
      %dma_wait3A = tpu.memref_slice %arg5[%mul3A_2] : memref<100352xf32, #tpu.memory_space<hbm>> -> memref<3136xf32, #tpu.memory_space<hbm>>
      %dma_wait3A_14 = tpu.memref_slice %arg5[%mul3A_2] : memref<100352xf32, #tpu.memory_space<hbm>> -> memref<3136xf32, #tpu.memory_space<hbm>>
      tpu.wait_dma2 semaphore(%run_scoped3A : memref<!tpu.dma_semaphore, #tpu.memory_space<semaphore_mem>>) src(%arg11 : memref<3136xf32, #tpu.memory_space<vmem>>) dst(%dma_wait3A_14 : memref<3136xf32, #tpu.memory_space<hbm>>)
      tpu.yield
    }) : () -> ()
    return
  }
}

</mosaic_0001>

<sc_bundles>
// kernel: kernel.4.cloned.1.call-start
scs
__scs_entry_jumppad:
0x0: {  	(pc) =	sbr.rel $0x88, $3  }
0x1: {  	(tag) =	ssettag $0x0;
	lr =	simm.s32 $0x1  }
0x2: {  	[smem:$0x3F9C] =	sst lr;
	_ =	strace $0xD0000000  }
0x3: {  	_ = 	snop  }
0x4: {  	_ = 	snop  }
0x5: {  	_ = 	snop  }
0x6: {  	_ = 	snop  }
0x7: {  	_ = 	snop  }
__scs_overlays_trampoline_lowered:
0x8: {  	[smem:$0x3FAB] =	sst s0  }
0x9: {  	[smem:$0x3FAC] =	sst s1  }
0xa: {  	[smem:$0x3FAD] =	sst s2  }
0xb: {  	[smem:$0x3FAE] =	sst s3  }
0xc: {  	[smem:$0x3FAF] =	sst s4  }
0xd: {  	[smem:$0x3FB0] =	sst s5  }
0xe: {  	[smem:$0x3FB1] =	sst s6  }
0xf: {  	[smem:$0x3FB2] =	sst s7  }
0x10: {  	[smem:$0x3FB3] =	sst s8  }
0x11: {  	[smem:$0x3FB4] =	sst s9;
	s0 =	simm.s32 @!p0 $0x0  }
0x12: {  	s1 =	sld [smem:$0x3F9A];
	s0 =	simm.s32 @p0 $0x1  }
0x13: {  	[smem:$0x3FB5] =	sst s0;
	s0 =	simm.s32 @!p1 $0x0  }
0x14: {  	s2 =	sld [smem:$0x3F99];
	s0 =	simm.s32 @p1 $0x1  }
0x15: {  	[smem:$0x3FB6] =	sst s0;
	s0 =	simm.s32 @!p2 $0x0  }
0x16: {  	s3 =	sld [smem:$0x3FDB];
	s0 =	simm.s32 @p2 $0x1  }
0x17: {  	s4 =	simm.s32 $0x1BF5;
	[smem:$0x3FB8] =	sst s0  }
0x18: {  	s0 =	sld [smem:$0x3F9B];
	_ =	swait.ge [sflag:s4], $0x0  }
0x19: {  	s7 =	sld [smem:$0x3F9C]  }
0x1a: {  	s8 =	sadd.s32 $0xFFFFE003, lr  }
0x1b: {  	s9 =	sadd.s32 $0xFFFFFEF7, lr;
	s5 =	simm.s32 $0xFFFFFFFF;
	p2 =	slt.u32 s8, $0xFFFFF086  }
0x1c: {  	p1 =	slt.u32 s9, $0xF7A;
	s5 =	simm.s32 @!p2 $0x0  }
0x1d: {  	s5 =	simm.s32 @p1 $0x1;
	p0 =	seq.s32 s7, s2  }
0x1e: {  	s7 =	smul.u32 @!p0 $0xF7A, s2;
	p2 =	seq.s32 @!p0 s5, $0x0  }
0x1f: {  	s9 =	smul.u32 $0xF7A, s1;
	s8 =	simm.s32 @!p0 $0x1BF5;
	p2 =	por !p2, p0  }
0x20: {  	[sflag:s8] =	ssyncset.s32 @!p0 $0xFFFFF086;
	s6 =	sadd.s32 @!p0 s3, s7;
	s7 =	simm.s32 @!p0 $0x108  }
0x21: {  	s3 =	sadd.s32 s3, s9;
	s6 =	sadd.s32 @!p0 $0x88, s6;
	s7 =	simm.s32 @p2 $0x1082  }
0x22: {  	[simem:s7], [sflag:s8] =	dma.local @!p0 [hbm:s6], $0xF7A  }
0x23: {  	s9 =	sor.u32 $0xD0000000, s2;
	s6 =	simm.s32 $0x108;
	_ =	swait.ge @!p0 [sflag:s8], $0x0  }
0x24: {  	s3 =	sadd.s32 $0x88, s3;
	s6 =	simm.s32 @!p1 $0x1082;
	[sflag:s4] =	ssyncset.s32 $0xFFFFF086  }
0x25: {  	[simem:s6], [sflag:s4] =	dma.local [hbm:s3], $0xF7A  }
0x26: {  	[smem:$0x3F9C] =	sst s1;
	(tag) =	ssettag s2;
	_ =	strace s9  }
0x27: {  	s1 =	sld [smem:$0x3FAC]  }
0x28: {  	s2 =	sld [smem:$0x3FAD]  }
0x29: {  	s4 =	sld [smem:$0x3FAF]  }
0x2a: {  	p0 =	seq.s32 s5, $0x0;
	s5 =	sld [smem:$0x3FB0]  }
0x2b: {  	s6 =	sld [smem:$0x3FB1]  }
0x2c: {  	s7 =	sld [smem:$0x3FB2]  }
0x2d: {  	s3 =	simm.s32 $0x108;
	s8 =	sld [smem:$0x3FB3]  }
0x2e: {  	s3 =	simm.s32 @!p0 $0x1082;
	s9 =	sld [smem:$0x3FB4]  }
0x2f: {  	lr =	sadd.s32 s0, s3;
	s0 =	sld [smem:$0x3FAB]  }
0x30: {  	s3 =	sld [smem:$0x3FAE]  }
0x31: {  	[smem:$0x3FB7] =	sst s10  }
0x32: {  	s10 =	sld [smem:$0x3FB5];
	_ =	sdelay $0x3  }
0x33: {  	p0 =	seq.s32 s10, $0x1;
	s10 =	sld [smem:$0x3FB7];
	_ =	sdelay $0x3  }
0x34: {  	[smem:$0x3FB7] =	sst s10  }
0x35: {  	s10 =	sld [smem:$0x3FB6];
	_ =	sdelay $0x3  }
0x36: {  	p1 =	seq.s32 s10, $0x1;
	s10 =	sld [smem:$0x3FB7];
	_ =	sdelay $0x3  }
0x37: {  	[smem:$0x3FB7] =	sst s10  }
0x38: {  	s10 =	sld [smem:$0x3FB8]  }
0x39: {  	_ = 	snop;
	(pc) =	sbr.ind lr, $3  }
0x3a: {  	_ = 	snop  }
0x3b: {  	_ = 	snop  }
0x3c: {  	p2 =	seq.s32 s10, $0x1;
	s10 =	sld [smem:$0x3FB7]  }
0x3d: {  	_ =	shalt  }
0x3e: {  	_ =	shalt  }
0x3f: {  	_ =	shalt  }
0x40: {  	_ =	shalt  }
0x41: {  	_ =	shalt  }
0x42: {  	_ =	shalt  }
0x43: {  	_ =	shalt  }
0x44: {  	_ =	shalt  }
0x45: {  	_ =	shalt  }
0x46: {  	_ =	shalt  }
0x47: {  	_ =	shalt  }
0x48: {  	_ =	shalt  }
0x49: {  	_ =	shalt  }
0x4a: {  	_ =	shalt  }
0x4b: {  	_ =	shalt  }
0x4c: {  	_ =	shalt  }
0x4d: {  	_ =	shalt  }
0x4e: {  	_ =	shalt  }
0x4f: {  	_ =	shalt  }
0x50: {  	_ =	shalt  }
0x51: {  	_ =	shalt  }
0x52: {  	_ =	shalt  }
0x53: {  	_ =	shalt  }
0x54: {  	_ =	shalt  }
0x55: {  	_ =	shalt  }
0x56: {  	_ =	shalt  }
0x57: {  	_ =	shalt  }
0x58: {  	_ =	shalt  }
0x59: {  	_ =	shalt  }
0x5a: {  	_ =	shalt  }
0x5b: {  	_ =	shalt  }
0x5c: {  	_ =	shalt  }
0x5d: {  	_ =	shalt  }
0x5e: {  	_ =	shalt  }
0x5f: {  	_ =	shalt  }
0x60: {  	_ =	shalt  }
0x61: {  	_ =	shalt  }
0x62: {  	_ =	shalt  }
0x63: {  	_ =	shalt  }
0x64: {  	_ =	shalt  }
0x65: {  	_ =	shalt  }
0x66: {  	_ =	shalt  }
0x67: {  	_ =	shalt  }
0x68: {  	_ =	shalt  }
0x69: {  	_ =	shalt  }
0x6a: {  	_ =	shalt  }
0x6b: {  	_ =	shalt  }
0x6c: {  	_ =	shalt  }
0x6d: {  	_ =	shalt  }
0x6e: {  	_ =	shalt  }
0x6f: {  	_ =	shalt  }
0x70: {  	_ =	shalt  }
0x71: {  	_ =	shalt  }
0x72: {  	_ =	shalt  }
0x73: {  	_ =	shalt  }
0x74: {  	_ =	shalt  }
0x75: {  	_ =	shalt  }
0x76: {  	_ =	shalt  }
0x77: {  	_ =	shalt  }
0x78: {  	_ =	shalt  }
0x79: {  	_ =	shalt  }
0x7a: {  	_ =	shalt  }
0x7b: {  	_ =	shalt  }
0x7c: {  	_ =	shalt  }
0x7d: {  	_ =	shalt  }
0x7e: {  	_ =	shalt  }
0x7f: {  	_ =	shalt  }
0x80: {  	_ =	shalt  }
0x81: {  	_ =	shalt  }
0x82: {  	_ =	shalt  }
0x83: {  	_ =	shalt  }
0x84: {  	_ =	shalt  }
0x85: {  	_ =	shalt  }
0x86: {  	_ =	shalt  }
0x87: {  	_ =	shalt  }
.Lfunc_end0:
.L_simem_size_0:
called_computation_lowered:
.L_overlay_start_0:
0x88: {  	s2 =	sld [smem:$0x3FD9]  }
0x89: {  	s3 =	sld [smem:$0x3FFE];
	_ =	sdelay $0x1  }
0x8a: {  	s1 =	srdreg.scid  }
0x8b: {  	s0 =	sand.u32 $0x1, s1  }
0x8c: {  	s17 =	sshll.u32 s0, $0xA;
	s2 =	sadd.s32 s3, s2  }
0x8d: {  	s2 =	sadd.s32 s2, s17  }
0x8e: {  	[smem:$0x3FC3] =	sst s2  }
0x8f: {  	_ = 	snop  }
0x90: {  	s2 =	sld [smem:$0x3FC8]  }
0x91: {  	s18 =	sld [smem:$0x3FC6]  }
0x92: {  	s4 =	sld [smem:$0x3FC5]  }
0x93: {  	s5 =	sld [smem:$0x3FD0];
	(tm) =	ssettm $0x1  }
0x94: {  	s6 =	sld [smem:$0x3FFB];
	_ =	sdelay $0x3  }
0x95: {  	_ =	strace s6  }
0x96: {  	s6 =	sld [smem:$0x3FFC];
	_ =	sdelay $0x3  }
0x97: {  	_ =	strace s6  }
0x98: {  	s6 =	sld [smem:$0x3FFD];
	_ =	sdelay $0x3  }
0x99: {  	_ =	strace s6  }
0x9a: {  	_ =	strace $0x8FFFFFFF  }
0x9b: {  	s19 =	sld [smem:$0x3FDB];
	_ =	sdelay $0x1  }
0x9c: {  	s7 =	simm.s32 $_scs_section_size  }
0x9d: {  	s8 =	simm.s32 $_size__tile_overlayer_lowered;
	s9 =	simm.s32 $_tile_overlayer_lowered  }
0x9e: {  	s22 =	simm.s32 $0x1BFF;
	s21 =	sshll.u32 s9, $0x1;
	s6 =	sadd.s32 s7, s19  }
0x9f: {  	s10 =	simm.s32 $0x0;
	s20 =	sshll.u32 s8, $0x1;
	s8 =	sadd.s32 s21, s6  }
0xa0: {  	[timem:s10], [sflag:s22] =	dma.local [hbm:s8], s20  }
0xa1: {  	_ =	swait.ge [sflag:s22], s20  }
0xa2: {  	s7 =	ssub.s32 $0x0, s20;
	[sflag:s22] =	ssyncset.done $0x0  }
0xa3: {  	[sflag:s22] =	ssyncadd.s32 s7;
	_ =	sdelay $0x1  }
0xa4: {  	s23 =	simm.s32 $0x1B8B  }
0xa5: {  	_ =	swait.ge [sflag:s23], $0x1  }
0xa6: {  	[sflag:s23] =	ssyncset.done $0x0  }
0xa7: {  	s25 =	simm.s32 $0x1B8E;
	s24 =	sld [smem:$0x3FFE];
	[sflag:s23] =	ssyncadd.s32 $0xFFFFFFFF  }
0xa8: {  	s26 =	simm.s32 $execute0_lowered;
	[smem:$0x3FD2] =	sst s25  }
0xa9: {  	s8 =	sshll.u32 s26, $0x1;
	_ =	strace $0x80000046;
	[dreg:$0x1] =	wrdreg $0xFFFFFFFF  }
0xaa: {  	s28 =	simm.s32 $_size_execute0_lowered;
	s6 =	sadd.s32 s6, s8;
	[dreg:$0x0] =	wrdreg $0x0  }
0xab: {  	s8 =	sshll.u32 s28, $0x1;
	[dreg:$0x2] =	wrdreg s6  }
0xac: {  	[dreg:$0x3] =	wrdreg s8  }
0xad: {  	[dreg:$0x4] =	wrdreg $0xC0  }
0xae: {  	_ =	task [dreg:s10], $0x5FFFF  }
0xaf: {  	[dreg:$0x1] =	wrdreg $0xFFFFFFFF  }
0xb0: {  	[dreg:$0x0] =	wrdreg $0x60  }
0xb1: {  	[dreg:$0x2] =	wrdreg s24  }
0xb2: {  	[dreg:$0x3] =	wrdreg s5  }
0xb3: {  	[dreg:$0x4] =	wrdreg s18  }
0xb4: {  	[dreg:$0x5] =	wrdreg s4  }
0xb5: {  	[dreg:$0x6] =	wrdreg s2  }
0xb6: {  	[dreg:$0x7] =	wrdreg $0x0  }
0xb7: {  	[dreg:$0x8] =	wrdreg $0x18800  }
0xb8: {  	[dreg:$0x9] =	wrdreg $0x31000  }
0xb9: {  	[dreg:$0xa] =	wrdreg $0x49800  }
0xba: {  	[dreg:$0xb] =	wrdreg $0x9  }
0xbb: {  	_ =	task.clear_ibuf [dreg:s10], $0xCFFFF;
	_ =	strace $0x90000046  }
0xbc: {  	s29 =	simm.s32 $0x9;
	_ =	strace $0x80000048  }
0xbd: {  	_ =	swait.ge [sflag:s29], $0x1  }
0xbe: {  	[sflag:s29] =	ssyncadd.s32 $0xFFFFFFFF  }
0xbf: {  	_ =	strace $0x90000048  }
0xc0: {  	_ =	sfence  }
0xc1: {  	s30 =	sld [smem:$0x0];
	_ =	sdelay $0x2  }
0xc2: {  	s31 =	sshll.u32 s1, $0xD;
	s1 =	sshrl.u32 s1, $0x2  }
0xc3: {  	s3 =	sand.u32 $0x4000, s31;
	s1 =	sadd.s32 s1, s30  }
0xc4: {  	s0 =	sor.u32 s3, s0;
	s1 =	sshll.u32 s1, $0x11  }
0xc5: {  	s0 =	sor.u32 s1, s0  }
0xc6: {  	s0 =	sadd.s32 $0x8F2B, s0  }
0xc7: {  	[sflag:s0] =	ssyncadd.remote.s32 $0x1  }
0xc8: {  	_ =	sfence.sel $0xFFFF  }
0xc9: {  	[dreg:$0x0] =	wrdreg $0xFFFFFFFF;
	(pc) =	sbr.abs _section_cstart, $3  }
0xca: {  	[dreg:$0x1] =	wrdreg $0xFFFFFFFF  }
0xcb: {  	_ =	task.clear_ibuf [dreg:s10], $0x2FFFF;
	_ =	strace $0x9FFFFFFF  }
0xcc: {  	(tm) =	ssettm $0x7FFFFFFF  }
0xcd: {  	_ =	shalt  }
tec
execute0_lowered:
.L_overlay_start_1:
0x0: {  	(tag) =	ssettag $0x1  }
0x1: {  	s4 =	rddreg [dreg:$0x0]  }
0x2: {  	s5 =	rddreg [dreg:$0x1]  }
0x3: {  	s0 =	rddreg [dreg:$0x2]  }
0x4: {  	s1 =	rddreg [dreg:$0x3]  }
0x5: {  	s3 =	rddreg [dreg:$0x4];
	s19 =	simm.s32 $0x0;
	s2 =	srdreg.scid  }
0x6: {  	s18 =	stileid.u32;
	[smem:$0x7FF] =	sst s19  }
0x7: {  	s6 =	sand.u32 $0x1, s2;
	s7 =	sadd.s32 $0x1C00, s4;
	s8 =	smul.u32 $0x1880, s18  }
0x8: {  	s9 =	sadd.s32 $0x4E00, s4;
	s2 =	ssub.s32 $0x2, s6;
	s14 =	smul.u32 $0x18800, s6  }
0x9: {  	s11 =	sshrl.u32 s2, $0x1;
	s23 =	sshrl.u32 s8, $0x3;
	s12 =	sadd.s32 $0x620, s8  }
0xa: {  	s2 =	ssub.s32 s2, s11;
	s13 =	sadd.s32 s7, s23;
	s11 =	sadd.s32 s5, s23  }
0xb: {  	s24 =	sshrl.u32 s12, $0x3;
	s16 =	sadd.s32 s8, s14;
	[dreg:$0xa] =	wrdreg s13  }
0xc: {  	[dreg:$0xb] =	wrdreg s11;
	s25 =	sadd.s32 s7, s24;
	s13 =	sadd.s32 $0xC40, s8  }
0xd: {  	s11 =	sadd.s32 s5, s24;
	s16 =	sshrl.u32 s16, $0x3;
	[dreg:$0xc] =	wrdreg s25  }
0xe: {  	[dreg:$0xd] =	wrdreg s11;
	s26 =	sshrl.u32 s13, $0x3;
	s17 =	sadd.s32 s9, s16  }
0xf: {  	s22 =	sadd.s32 $0x1260, s8;
	s15 =	sadd.s32 s7, s26;
	[dreg:$0x12] =	wrdreg s17  }
0x10: {  	s29 =	sshrl.u32 s22, $0x3;
	s11 =	sadd.s32 s5, s26;
	[dreg:$0xe] =	wrdreg s15  }
0x11: {  	s7 =	sadd.s32 s7, s29;
	[dreg:$0xf] =	wrdreg s11  }
0x12: {  	s5 =	sadd.s32 s5, s29;
	[dreg:$0x10] =	wrdreg s7  }
0x13: {  	[dreg:$0x11] =	wrdreg s5  }
0x14: {  	s10 =	sadd.s32 $0xB000, s4;
	s20 =	sadd.s32 s14, s12;
	s15 =	rddreg [dreg:$0x5]  }
0x15: {  	s23 =	sadd.s32 s14, s13;
	s7 =	sadd.s32 s10, s16;
	s16 =	rddreg [dreg:$0x6]  }
0x16: {  	s24 =	sshrl.u32 s23, $0x3;
	s5 =	sshrl.u32 s20, $0x3;
	s20 =	rddreg [dreg:$0x7]  }
0x17: {  	s26 =	sadd.s32 s9, s24;
	[dreg:$0x13] =	wrdreg s7  }
0x18: {  	s21 =	sadd.s32 s9, s5;
	[dreg:$0x16] =	wrdreg s26  }
0x19: {  	s25 =	sadd.s32 s14, s22;
	s5 =	sadd.s32 s10, s5;
	[dreg:$0x14] =	wrdreg s21  }
0x1a: {  	s29 =	sshrl.u32 s25, $0x3;
	[dreg:$0x15] =	wrdreg s5  }
0x1b: {  	s7 =	sadd.s32 s9, s29;
	s21 =	rddreg [dreg:$0x8]  }
0x1c: {  	s5 =	sadd.s32 s10, s24;
	[dreg:$0x18] =	wrdreg s7  }
0x1d: {  	[dreg:$0x17] =	wrdreg s5;
	s5 =	sadd.s32 s10, s29  }
0x1e: {  	s4 =	sadd.s32 $0x1400, s4;
	[dreg:$0x19] =	wrdreg s5  }
0x1f: {  	s14 =	sadd.s32 s8, s15;
	_ =	strace $0x80000047;
	[dreg:$0x1a] =	wrdreg s4  }
0x20: {  	s17 =	sadd.s32 s8, s16;
	s10 =	sshll.u32 s6, $0x4;
	[dreg:$0x1b] =	wrdreg s14  }
0x21: {  	s11 =	sor.u32 s18, s10;
	s18 =	sadd.s32 s8, s21;
	[dreg:$0x1c] =	wrdreg s17  }
0x22: {  	s23 =	sadd.s32 s12, s15;
	[dreg:$0x1e] =	wrdreg s18  }
0x23: {  	s24 =	sadd.s32 s12, s16;
	[dreg:$0x1f] =	wrdreg s23  }
0x24: {  	s25 =	sadd.s32 s13, s15;
	[smem:$0x7E7] =	sst s24  }
0x25: {  	p0 =	sne.s32 s6, $0x0;
	s29 =	sadd.s32 s13, s16;
	[smem:$0x7E8] =	sst s25  }
0x26: {  	p1 =	seq.s32 s6, $0x0;
	s6 =	sadd.s32 s13, s20;
	[smem:$0x7E9] =	sst s29  }
0x27: {  	s7 =	sadd.s32 s13, s21;
	[smem:$0x7EA] =	sst s6  }
0x28: {  	s28 =	sadd.s32 s8, s20;
	s8 =	sadd.s32 s22, s15;
	[smem:$0x7EB] =	sst s7  }
0x29: {  	s9 =	sadd.s32 s22, s16;
	[smem:$0x7EC] =	sst s8  }
0x2a: {  	s2 =	smax.u32 s2, $0x1;
	[smem:$0x7ED] =	sst s9  }
0x2b: {  	s30 =	simm.s32 $0xB200;
	[smem:$0x7F9] =	sst s2  }
0x2c: {  	s31 =	simm.s32 $0xC200;
	s26 =	sadd.s32 s12, s20;
	[dreg:$0x1d] =	wrdreg s28  }
0x2d: {  	s4 =	smul.u32 $0x30D40, s11;
	s11 =	sadd.s32 s22, s21;
	[smem:$0x7FB] =	sst s26  }
0x2e: {  	s17 =	sadd.s32 s12, s21;
	s29 =	sadd.s32 s22, s20;
	[smem:$0x7EE] =	sst s11  }
0x2f: {  	s8 =	simm.s32 $0x7;
	s2 =	simm.s32 $0x2;
	[smem:$0x7FC] =	sst s17  }
0x30: {  	s9 =	simm.s32 $0xD200;
	s11 =	simm.s32 $0x0;
	[smem:$0x7FD] =	sst s29  }
0x31: {  	s6 =	simm.s32 $0xDA00;
	s23 =	sadd.s32 $0xFA0, s4;
	[smem:$0x7FA] =	sst s11  }
0x32: {  	s7 =	simm.s32 $0x5;
	s24 =	sadd.s32 $0x1770, s4;
	[smem:$0x7F5] =	sst s23  }
0x33: {  	s10 =	sshrl.u32 s4, $0x3;
	s25 =	sadd.s32 $0x1F40, s4;
	[smem:$0x7F6] =	sst s24  }
0x34: {  	s4 =	sadd.s32 $0x2710, s4;
	s12 =	sadd.s32 s0, s10;
	[smem:$0x7F7] =	sst s25  }
0x35: {  	s13 =	sadd.s32 s1, s10;
	s14 =	sadd.s32 s3, s10;
	[smem:$0x7F8] =	sst s4  }
0x36: {  	s5 =	sadd.s32 $0xFA, s10;
	s23 =	simm.s32 $0x1;
	[smem:$0x7EF] =	sst s12  }
0x37: {  	s24 =	simm.s32 $0x7D0;
	s25 =	simm.s32 $0x3;
	[smem:$0x7F0] =	sst s13  }
0x38: {  	s10 =	simm.s32 $0xE200;
	[smem:$0x7F1] =	sst s14;
	s18 =	sadd.s32 s0, s5  }
0x39: {  	s4 =	simm.s32 $0xEA00;
	s22 =	sadd.s32 s1, s5;
	[smem:$0x7F2] =	sst s18  }
0x3a: {  	s5 =	sadd.s32 s3, s5;
	s12 =	simm.s32 $0x6200;
	[smem:$0x7F3] =	sst s22  }
0x3b: {  	s13 =	simm.s32 $0x4;
	s14 =	simm.s32 $0x8A00;
	[smem:$0x7F4] =	sst s5  }
0x3c: {  	v0 =	vimm.f32 $0.0e+00;
	s18 =	simm.s32 $0x6A00;
	s22 =	simm.s32 $0x7A00;
	s5 =	simm.s32 $0x8200  }
.LBB2_1:
0x3d: {  	s11 =	rddreg [dreg:$0xa]  }
0x3e: {  	[tilespmem:s30], [sflag:$0x7] =	stream.linear.gather [hbm4b:s11+s19], $0x620, $0x38;
	[tilespmem:$0xF280] =	vst v63  }
0x3f: {  	_ =	swait.ge [sflag:s8], $0x620  }
0x40: {  	[sflag:s8] =	ssyncset.done $0x0  }
0x41: {  	s11 =	rddreg [dreg:$0x1b];
	[sflag:s8] =	ssyncadd.s32 $0xFFFFF9E0  }
0x42: {  	[spmem:s11] =	stream.linear.scatter [tilespmem:s30], [sflag:$0x7], $0x620, $0x38;
	[tilespmem:$0xF280] =	vst v63  }
0x43: {  	_ =	swait.ge [sflag:s8], $0x620  }
0x44: {  	[sflag:s8] =	ssyncset.done $0x0  }
0x45: {  	s11 =	rddreg [dreg:$0xb];
	[sflag:s8] =	ssyncadd.s32 $0xFFFFF9E0  }
0x46: {  	[tilespmem:s31], [sflag:$0x7] =	stream.linear.gather [hbm4b:s11+s19], $0x620, $0x38;
	[tilespmem:$0xF280] =	vst v63  }
0x47: {  	_ =	swait.ge [sflag:s8], $0x620  }
0x48: {  	[sflag:s8] =	ssyncset.done $0x0  }
0x49: {  	s11 =	rddreg [dreg:$0x1c];
	[sflag:s8] =	ssyncadd.s32 $0xFFFFF9E0  }
0x4a: {  	[spmem:s11] =	stream.linear.scatter [tilespmem:s31], [sflag:$0x7], $0x620, $0x38;
	[tilespmem:$0xF280] =	vst v63  }
0x4b: {  	_ =	swait.ge [sflag:s8], $0x620  }
0x4c: {  	[sflag:s8] =	ssyncset.done $0x0  }
0x4d: {  	s11 =	simm.s32 @!p0 $0xB200;
	[sflag:s8] =	ssyncadd.s32 $0xFFFFF9E0  }
0x4e: {  	[spmem:s28] =	stream.linear.scatter @!p0 [tilespmem:s11], [sflag:$0x7], $0x620, $0x38;
	[tilespmem:$0xF280] =	vst v63  }
0x4f: {  	s11 =	simm.s32 @!p0 $0x7  }
0x50: {  	_ =	swait.ge @!p0 [sflag:s11], $0x620  }
0x51: {  	s29 =	simm.s32 @!p0 $0xC200;
	[sflag:s11] =	ssyncset.done @!p0 $0x0  }
0x52: {  	s28 =	smov.u32 s17;
	s17 =	rddreg [dreg:$0x1e];
	[sflag:s11] =	ssyncadd.s32 @!p0 $0xFFFFF9E0  }
0x53: {  	[spmem:s17] =	stream.linear.scatter @!p0 [tilespmem:s29], [sflag:$0x7], $0x620, $0x38;
	[tilespmem:$0xF280] =	vst v63  }
0x54: {  	_ =	swait.ge @!p0 [sflag:s11], $0x620  }
0x55: {  	[sflag:s11] =	ssyncset.done @!p0 $0x0  }
0x56: {  	s29 =	rddreg [dreg:$0xc];
	[sflag:s11] =	ssyncadd.s32 @!p0 $0xFFFFF9E0  }
0x57: {  	[tilespmem:s30], [sflag:$0x7] =	stream.linear.gather [hbm4b:s29+s19], $0x620, $0x38;
	[tilespmem:$0xF280] =	vst v63  }
0x58: {  	_ =	swait.ge [sflag:s8], $0x620  }
0x59: {  	[sflag:s8] =	ssyncset.done $0x0  }
0x5a: {  	s29 =	rddreg [dreg:$0x1f];
	[sflag:s8] =	ssyncadd.s32 $0xFFFFF9E0  }
0x5b: {  	[spmem:s29] =	stream.linear.scatter [tilespmem:s30], [sflag:$0x7], $0x620, $0x38;
	[tilespmem:$0xF280] =	vst v63  }
0x5c: {  	_ =	swait.ge [sflag:s8], $0x620  }
0x5d: {  	[sflag:s8] =	ssyncset.done $0x0  }
0x5e: {  	s29 =	rddreg [dreg:$0xd];
	[sflag:s8] =	ssyncadd.s32 $0xFFFFF9E0  }
0x5f: {  	[tilespmem:s31], [sflag:$0x7] =	stream.linear.gather [hbm4b:s29+s19], $0x620, $0x38;
	[tilespmem:$0xF280] =	vst v63  }
0x60: {  	_ =	swait.ge [sflag:s8], $0x620  }
0x61: {  	s29 =	sld [smem:$0x7E7]  }
0x62: {  	[sflag:s8] =	ssyncset.done $0x0  }
0x63: {  	[sflag:s8] =	ssyncadd.s32 $0xFFFFF9E0  }
0x64: {  	[spmem:s29] =	stream.linear.scatter [tilespmem:s31], [sflag:$0x7], $0x620, $0x38;
	[tilespmem:$0xF280] =	vst v63  }
0x65: {  	_ =	swait.ge [sflag:s8], $0x620  }
0x66: {  	[sflag:s8] =	ssyncset.done $0x0  }
0x67: {  	s17 =	simm.s32 @!p0 $0xB200;
	[sflag:s8] =	ssyncadd.s32 $0xFFFFF9E0  }
0x68: {  	[spmem:s26] =	stream.linear.scatter @!p0 [tilespmem:s17], [sflag:$0x7], $0x620, $0x38;
	[tilespmem:$0xF280] =	vst v63  }
0x69: {  	_ =	swait.ge @!p0 [sflag:s11], $0x620  }
0x6a: {  	[sflag:s11] =	ssyncset.done @!p0 $0x0  }
0x6b: {  	s26 =	simm.s32 @!p0 $0xC200;
	[sflag:s11] =	ssyncadd.s32 @!p0 $0xFFFFF9E0  }
0x6c: {  	[spmem:s28] =	stream.linear.scatter @!p0 [tilespmem:s26], [sflag:$0x7], $0x620, $0x38;
	[tilespmem:$0xF280] =	vst v63  }
0x6d: {  	_ =	swait.ge @!p0 [sflag:s11], $0x620  }
0x6e: {  	[sflag:s11] =	ssyncset.done @!p0 $0x0  }
0x6f: {  	s29 =	rddreg [dreg:$0xe];
	[sflag:s11] =	ssyncadd.s32 @!p0 $0xFFFFF9E0  }
0x70: {  	[tilespmem:s30], [sflag:$0x7] =	stream.linear.gather [hbm4b:s29+s19], $0x620, $0x38;
	[tilespmem:$0xF280] =	vst v63  }
0x71: {  	_ =	swait.ge [sflag:s8], $0x620  }
0x72: {  	s26 =	sld [smem:$0x7E8]  }
0x73: {  	[sflag:s8] =	ssyncset.done $0x0  }
0x74: {  	[sflag:s8] =	ssyncadd.s32 $0xFFFFF9E0  }
0x75: {  	[spmem:s26] =	stream.linear.scatter [tilespmem:s30], [sflag:$0x7], $0x620, $0x38;
	[tilespmem:$0xF280] =	vst v63  }
0x76: {  	_ =	swait.ge [sflag:s8], $0x620  }
0x77: {  	[sflag:s8] =	ssyncset.done $0x0  }
0x78: {  	s29 =	rddreg [dreg:$0xf];
	[sflag:s8] =	ssyncadd.s32 $0xFFFFF9E0  }
0x79: {  	[tilespmem:s31], [sflag:$0x7] =	stream.linear.gather [hbm4b:s29+s19], $0x620, $0x38;
	[tilespmem:$0xF280] =	vst v63  }
0x7a: {  	_ =	swait.ge [sflag:s8], $0x620  }
0x7b: {  	s26 =	sld [smem:$0x7E9]  }
0x7c: {  	[sflag:s8] =	ssyncset.done $0x0  }
0x7d: {  	[sflag:s8] =	ssyncadd.s32 $0xFFFFF9E0  }
0x7e: {  	[spmem:s26] =	stream.linear.scatter [tilespmem:s31], [sflag:$0x7], $0x620, $0x38;
	[tilespmem:$0xF280] =	vst v63  }
0x7f: {  	_ =	swait.ge [sflag:s8], $0x620  }
0x80: {  	s28 =	sld [smem:$0x7EA]  }
0x81: {  	[sflag:s8] =	ssyncset.done $0x0  }
0x82: {  	[sflag:s8] =	ssyncadd.s32 $0xFFFFF9E0  }
0x83: {  	[spmem:s28] =	stream.linear.scatter @!p0 [tilespmem:s17], [sflag:$0x7], $0x620, $0x38;
	[tilespmem:$0xF280] =	vst v63  }
0x84: {  	_ =	swait.ge @!p0 [sflag:s11], $0x620  }
0x85: {  	s17 =	sld [smem:$0x7EB]  }
0x86: {  	[sflag:s11] =	ssyncset.done @!p0 $0x0  }
0x87: {  	s26 =	simm.s32 @!p0 $0xC200;
	[sflag:s11] =	ssyncadd.s32 @!p0 $0xFFFFF9E0  }
0x88: {  	[spmem:s17] =	stream.linear.scatter @!p0 [tilespmem:s26], [sflag:$0x7], $0x620, $0x38;
	[tilespmem:$0xF280] =	vst v63  }
0x89: {  	_ =	swait.ge @!p0 [sflag:s11], $0x620  }
0x8a: {  	[sflag:s11] =	ssyncset.done @!p0 $0x0  }
0x8b: {  	s29 =	rddreg [dreg:$0x10];
	[sflag:s11] =	ssyncadd.s32 @!p0 $0xFFFFF9E0  }
0x8c: {  	[tilespmem:s30], [sflag:$0x7] =	stream.linear.gather [hbm4b:s29+s19], $0x620, $0x38;
	[tilespmem:$0xF280] =	vst v63  }
0x8d: {  	_ =	swait.ge [sflag:s8], $0x620  }
0x8e: {  	s26 =	sld [smem:$0x7EC]  }
0x8f: {  	[sflag:s8] =	ssyncset.done $0x0  }
0x90: {  	[sflag:s8] =	ssyncadd.s32 $0xFFFFF9E0  }
0x91: {  	[spmem:s26] =	stream.linear.scatter [tilespmem:s30], [sflag:$0x7], $0x620, $0x38;
	[tilespmem:$0xF280] =	vst v63  }
0x92: {  	_ =	swait.ge [sflag:s8], $0x620  }
0x93: {  	[sflag:s8] =	ssyncset.done $0x0  }
0x94: {  	s29 =	rddreg [dreg:$0x11];
	[sflag:s8] =	ssyncadd.s32 $0xFFFFF9E0  }
0x95: {  	[tilespmem:s31], [sflag:$0x7] =	stream.linear.gather [hbm4b:s29+s19], $0x620, $0x38;
	[tilespmem:$0xF280] =	vst v63  }
0x96: {  	s26 =	sld [smem:$0x7FD];
	_ =	swait.ge [sflag:s8], $0x620  }
0x97: {  	s30 =	sld [smem:$0x7ED]  }
0x98: {  	[sflag:s8] =	ssyncset.done $0x0  }
0x99: {  	[sflag:s8] =	ssyncadd.s32 $0xFFFFF9E0  }
0x9a: {  	[spmem:s30] =	stream.linear.scatter [tilespmem:s31], [sflag:$0x7], $0x620, $0x38;
	[tilespmem:$0xF280] =	vst v63  }
0x9b: {  	_ =	swait.ge [sflag:s8], $0x620  }
0x9c: {  	[sflag:s8] =	ssyncset.done $0x0  }
0x9d: {  	s19 =	simm.s32 @!p0 $0xB200;
	[sflag:s8] =	ssyncadd.s32 $0xFFFFF9E0  }
0x9e: {  	[spmem:s26] =	stream.linear.scatter @!p0 [tilespmem:s19], [sflag:$0x7], $0x620, $0x38;
	[tilespmem:$0xF280] =	vst v63  }
0x9f: {  	_ =	swait.ge @!p0 [sflag:s11], $0x620  }
0xa0: {  	s29 =	sld [smem:$0x7EE]  }
0xa1: {  	[sflag:s11] =	ssyncset.done @!p0 $0x0  }
0xa2: {  	s19 =	simm.s32 @!p0 $0xC200;
	[sflag:s11] =	ssyncadd.s32 @!p0 $0xFFFFF9E0  }
0xa3: {  	[spmem:s29] =	stream.linear.scatter @!p0 [tilespmem:s19], [sflag:$0x7], $0x620, $0x38;
	[tilespmem:$0xF280] =	vst v63  }
0xa4: {  	_ =	swait.ge @!p0 [sflag:s11], $0x620  }
0xa5: {  	[sflag:s11] =	ssyncset.done @!p0 $0x0  }
0xa6: {  	s19 =	simm.s32 $0x0;
	[sflag:s11] =	ssyncadd.s32 @!p0 $0xFFFFF9E0;
	s11 =	simm.s32 $0x40  }
.LBB2_2:
0xa7: {  	p2 =	sne.s32 s11, $0x1F00;
	[tilespmem:s19+$0xD200] =	vst v0;
	s19 =	smov.u32 s11;
	s11 =	sadd.s32 $0x40, s11  }
.Ltmp0:
0xa8: {  	(pc) =	sbr.rel @p2 .LBB2_2-.Ltmp0, $2  }
0xa9: {  	_ =	sdelay $0x2  }
0xaa: {  	s19 =	sshra.s32 s19, $0x2  }
0xab: {  	[tilespmem:s19+$0xD200] =	vst v0;
	s11 =	simm.s32 @!p1 $0xD200;
	s19 =	rddreg [dreg:$0x1d]  }
0xac: {  	[spmem:s19] =	stream.linear.scatter @!p1 [tilespmem:s11], [sflag:$0x7], $0x620, $0x38;
	[tilespmem:$0xF280] =	vst v63  }
0xad: {  	s19 =	simm.s32 @!p1 $0x7  }
0xae: {  	_ =	swait.ge @!p1 [sflag:s19], $0x620  }
0xaf: {  	[sflag:s19] =	ssyncset.done @!p1 $0x0  }
0xb0: {  	s26 =	rddreg [dreg:$0x1e];
	[sflag:s19] =	ssyncadd.s32 @!p1 $0xFFFFF9E0  }
0xb1: {  	[spmem:s26] =	stream.linear.scatter @!p1 [tilespmem:s11], [sflag:$0x7], $0x620, $0x38;
	[tilespmem:$0xF280] =	vst v63  }
0xb2: {  	_ =	swait.ge @!p1 [sflag:s19], $0x620  }
0xb3: {  	s26 =	sld [smem:$0x7FB]  }
0xb4: {  	[sflag:s19] =	ssyncset.done @!p1 $0x0  }
0xb5: {  	[sflag:s19] =	ssyncadd.s32 @!p1 $0xFFFFF9E0  }
0xb6: {  	[spmem:s26] =	stream.linear.scatter @!p1 [tilespmem:s11], [sflag:$0x7], $0x620, $0x38;
	[tilespmem:$0xF280] =	vst v63  }
0xb7: {  	_ =	swait.ge @!p1 [sflag:s19], $0x620  }
0xb8: {  	s26 =	sld [smem:$0x7FC]  }
0xb9: {  	[sflag:s19] =	ssyncset.done @!p1 $0x0  }
0xba: {  	[sflag:s19] =	ssyncadd.s32 @!p1 $0xFFFFF9E0  }
0xbb: {  	[spmem:s26] =	stream.linear.scatter @!p1 [tilespmem:s11], [sflag:$0x7], $0x620, $0x38;
	[tilespmem:$0xF280] =	vst v63  }
0xbc: {  	_ =	swait.ge @!p1 [sflag:s19], $0x620  }
0xbd: {  	[sflag:s19] =	ssyncset.done @!p1 $0x0  }
0xbe: {  	[sflag:s19] =	ssyncadd.s32 @!p1 $0xFFFFF9E0  }
0xbf: {  	[spmem:s28] =	stream.linear.scatter @!p1 [tilespmem:s11], [sflag:$0x7], $0x620, $0x38;
	[tilespmem:$0xF280] =	vst v63  }
0xc0: {  	_ =	swait.ge @!p1 [sflag:s19], $0x620  }
0xc1: {  	[sflag:s19] =	ssyncset.done @!p1 $0x0  }
0xc2: {  	[sflag:s19] =	ssyncadd.s32 @!p1 $0xFFFFF9E0  }
0xc3: {  	[spmem:s17] =	stream.linear.scatter @!p1 [tilespmem:s11], [sflag:$0x7], $0x620, $0x38;
	[tilespmem:$0xF280] =	vst v63  }
0xc4: {  	_ =	swait.ge @!p1 [sflag:s19], $0x620  }
0xc5: {  	s17 =	sld [smem:$0x7FD]  }
0xc6: {  	[sflag:s19] =	ssyncset.done @!p1 $0x0  }
0xc7: {  	[sflag:s19] =	ssyncadd.s32 @!p1 $0xFFFFF9E0  }
0xc8: {  	[spmem:s17] =	stream.linear.scatter @!p1 [tilespmem:s11], [sflag:$0x7], $0x620, $0x38;
	[tilespmem:$0xF280] =	vst v63  }
0xc9: {  	_ =	swait.ge @!p1 [sflag:s19], $0x620  }
0xca: {  	[sflag:s19] =	ssyncset.done @!p1 $0x0  }
0xcb: {  	[sflag:s19] =	ssyncadd.s32 @!p1 $0xFFFFF9E0  }
0xcc: {  	[spmem:s29] =	stream.linear.scatter @!p1 [tilespmem:s11], [sflag:$0x7], $0x620, $0x38;
	[tilespmem:$0xF280] =	vst v63  }
0xcd: {  	_ =	swait.ge @!p1 [sflag:s19], $0x620  }
0xce: {  	s17 =	simm.s32 $0xF200;
	[sflag:s19] =	ssyncset.done @!p1 $0x0  }
0xcf: {  	s11 =	simm.s32 $0x0;
	s31 =	rddreg [dreg:$0x1a];
	[sflag:s19] =	ssyncadd.s32 @!p1 $0xFFFFF9E0  }
0xd0: {  	[tilespmem:s17], [sflag:$0x7] =	stream.linear.gather [hbm4b:s31+s11], $0x80, $0x38;
	[tilespmem:$0xF280] =	vst v63  }
0xd1: {  	_ =	swait.ge [sflag:s8], $0x80  }
0xd2: {  	[sflag:s8] =	ssyncset.done $0x0  }
0xd3: {  	[sflag:s8] =	ssyncadd.s32 $0xFFFFFF80  }
0xd4: {  	[bflag:$0x0] =	sbarrier.arrive $0xFFFF  }
0xd5: {  	v1 =	vld [tilespmem:$0xF200];
	s26 =	sld [smem:$0x7EF]  }
0xd6: {  	v2 =	vld [tilespmem:$0xF210]  }
0xd7: {  	v3 =	vld [tilespmem:$0xF220];
	s28 =	sld [smem:$0x7F0]  }
0xd8: {  	v4 =	vld [tilespmem:$0xF230];
	[tilespmem:s12], [sflag:$0x1] =	stream.linear.gather [hbm4b:s26+s11], $0x7D0, $0x38  }
0xd9: {  	s17 =	simm.s32 $0x7200;
	s29 =	sld [smem:$0x7F1]  }
0xda: {  	[tilespmem:s17], [sflag:$0x1] =	stream.linear.gather [hbm4b:s28+s11], $0x7D0, $0x38;
	[tilespmem:$0xF280] =	vst v63  }
0xdb: {  	s30 =	simm.s32 $0x9200;
	s31 =	sld [smem:$0x7F2]  }
0xdc: {  	[tilespmem:s30], [sflag:$0x1] =	stream.linear.gather [hbm4b:s29+s11], $0x7D0, $0x38;
	[tilespmem:$0xF280] =	vst v63  }
0xdd: {  	s26 =	sld [smem:$0x7F3]  }
0xde: {  	[tilespmem:s18], [sflag:$0x2] =	stream.linear.gather [hbm4b:s31+s11], $0x7D0, $0x38;
	[tilespmem:$0xF280] =	vst v63  }
0xdf: {  	s28 =	sld [smem:$0x7F4]  }
0xe0: {  	[tilespmem:s22], [sflag:$0x2] =	stream.linear.gather [hbm4b:s26+s11], $0x7D0, $0x38;
	[tilespmem:$0xF280] =	vst v63  }
0xe1: {  	s29 =	simm.s32 $0x9A00  }
0xe2: {  	[tilespmem:s29], [sflag:$0x2] =	stream.linear.gather [hbm4b:s28+s11], $0x7D0, $0x38;
	[tilespmem:$0xF280] =	vst v63  }
0xe3: {  	_ =	swait.ge [sflag:s23], $0x7D0  }
0xe4: {  	[sflag:s23] =	ssyncset.done $0x0  }
0xe5: {  	[sflag:s23] =	ssyncadd.s32 $0xFFFFF830  }
0xe6: {  	_ =	swait.ge [sflag:s23], $0x7D0  }
0xe7: {  	[sflag:s23] =	ssyncset.done $0x0  }
0xe8: {  	[sflag:s23] =	ssyncadd.s32 $0xFFFFF830  }
0xe9: {  	_ =	swait.ge [sflag:s23], $0x7D0  }
0xea: {  	[sflag:s23] =	ssyncset.done $0x0  }
0xeb: {  	s30 =	simm.s32 $0xB200;
	[sflag:s23] =	ssyncadd.s32 $0xFFFFF830  }
0xec: {  	[tilespmem:s30], [sflag:$0x3] =	stream.indirect.gather [spmem:s15], $0x1, s12, s24, $0xb8;
	[tilespmem:$0xF280] =	vst v63  }
0xed: {  	s31 =	simm.s32 $0xC200;
	s26 =	simm.s32 $0x0  }
0xee: {  	[tilespmem:s31], [sflag:$0x3] =	stream.indirect.gather [spmem:s16], $0x1, s12, s24, $0xb8;
	[tilespmem:$0xF280] =	vst v63  }
.LBB2_4:
0xef: {  	_ =	swait.ge [sflag:s25], $0x7D0  }
0xf0: {  	[sflag:s25] =	ssyncset.done $0x0  }
0xf1: {  	[sflag:s25] =	ssyncadd.s32 $0xFFFFF830  }
0xf2: {  	_ =	swait.ge [sflag:s25], $0x7D0  }
0xf3: {  	[sflag:s25] =	ssyncset.done $0x0  }
0xf4: {  	[sflag:s25] =	ssyncadd.s32 $0xFFFFF830  }
0xf5: {  	_ =	swait.ge [sflag:s2], $0x7D0  }
0xf6: {  	[sflag:s2] =	ssyncset.done $0x0  }
0xf7: {  	[sflag:s2] =	ssyncadd.s32 $0xFFFFF830  }
0xf8: {  	_ =	swait.ge [sflag:s2], $0x7D0  }
0xf9: {  	[sflag:s2] =	ssyncset.done $0x0  }
0xfa: {  	[sflag:s2] =	ssyncadd.s32 $0xFFFFF830  }
0xfb: {  	_ =	swait.ge [sflag:s2], $0x7D0  }
0xfc: {  	[sflag:s2] =	ssyncset.done $0x0  }
0xfd: {  	s19 =	simm.s32 $0xBA00;
	p2 =	seq.s32 s26, $0x0;
	[sflag:s2] =	ssyncadd.s32 $0xFFFFF830  }
0xfe: {  	[tilespmem:s19], [sflag:$0x4] =	stream.indirect.gather [spmem:s15], $0x1, s18, s24, $0xb8;
	[tilespmem:$0xF280] =	vst v63  }
0xff: {  	s31 =	simm.s32 $0xCA00;
	s19 =	simm.s32 @!p2 $0x5  }
0x100: {  	[tilespmem:s31], [sflag:$0x4] =	stream.indirect.gather [spmem:s16], $0x1, s18, s24, $0xb8;
	[tilespmem:$0xF280] =	vst v63  }
0x101: {  	_ =	swait.ge @!p2 [sflag:s19], $0x7D0  }
0x102: {  	[sflag:s19] =	ssyncset.done @!p2 $0x0  }
0x103: {  	[sflag:s19] =	ssyncadd.s32 @!p2 $0xFFFFF830  }
0x104: {  	_ =	swait.ge @!p2 [sflag:s19], $0x7D0  }
0x105: {  	s29 =	sld [smem:$0x7F5]  }
0x106: {  	s28 =	smul.u32 $0x1F40, s26;
	_ =	sdelay $0x1  }
0x107: {  	s29 =	sadd.s32 s28, s29  }
0x108: {  	[sflag:s19] =	ssyncset.done @!p2 $0x0;
	s29 =	sshrl.u32 s29, $0x3  }
0x109: {  	[sflag:s19] =	ssyncadd.s32 @!p2 $0xFFFFF830;
	s31 =	sadd.s32 s0, s29  }
0x10a: {  	[tilespmem:s12], [sflag:$0x1] =	stream.linear.gather [hbm4b:s31+s11], $0x7D0, $0x38;
	[tilespmem:$0xF280] =	vst v63  }
0x10b: {  	s31 =	sadd.s32 s1, s29  }
0x10c: {  	[tilespmem:s5], [sflag:$0x1] =	stream.linear.gather [hbm4b:s31+s11], $0x7D0, $0x38;
	[tilespmem:$0xF280] =	vst v63  }
0x10d: {  	s31 =	sadd.s32 s3, s29;
	s29 =	simm.s32 $0xA200  }
0x10e: {  	[tilespmem:s29], [sflag:$0x1] =	stream.linear.gather [hbm4b:s31+s11], $0x7D0, $0x38;
	[tilespmem:$0xF280] =	vst v63  }
0x10f: {  	s29 =	simm.s32 $0x0  }
0x110: {  	v6 =	vld [tilespmem:s29+$0xB200]  }
0x111: {  	v7 =	vld [tilespmem:s29+$0xC200];
	_ =	sdelay $0x3  }
0x112: {  	s19 =	simm.s32 $0x10;
	v5 =	vld [tilespmem:s29+$0x9200];
	v8 =	vmul.f32 v6, v2  }
0x113: {  	v9 =	vmul.f32 v7, v4;
	v10 =	vmul.f32 v6, v1;
	v6 =	vld [tilespmem:s19+$0xB200]  }
0x114: {  	v11 =	vmul.f32 v7, v3;
	v7 =	vld [tilespmem:s19+$0xC200]  }
0x115: {  	v8 =	vadd.f32 v9, v8  }
0x116: {  	v9 =	vadd.f32 v11, v10  }
0x117: {  	s30 =	simm.s32 $0x80;
	v8 =	vmul.f32 v8, v5  }
.LBB2_5:
0x118: {  	s31 =	sshra.s32 s30, $0x2;
	v10 =	vmul.f32 v6, v1;
	v9 =	vmul.f32 v9, v5;
	v5 =	vld [tilespmem:s19+$0x9200];
	p3 =	sne.s32 s30, $0x1F00  }
.Ltmp1:
0x119: {  	s30 =	sadd.s32 $0x40, s30;
	v11 =	vmul.f32 v6, v2;
	v6 =	vld [tilespmem:s31+$0xB200];
	v12 =	vmul.f32 v7, v4;
	[tilespmem:s29+$0xE200] =	vst v8;
	(pc) =	sbr.rel @p3 .LBB2_5-.Ltmp1, $4  }
0x11a: {  	v8 =	vmul.f32 v7, v3;
	v7 =	vld [tilespmem:s31+$0xC200];
	[tilespmem:s29+$0xD200] =	vst v9;
	s29 =	smov.u32 s19;
	s19 =	smov.u32 s31  }
0x11b: {  	v11 =	vadd.f32 v12, v11  }
0x11c: {  	v9 =	vadd.f32 v8, v10  }
0x11d: {  	v8 =	vmul.f32 v11, v5  }
0x11e: {  	v10 =	vld [tilespmem:s19+$0x9200]  }
0x11f: {  	v11 =	vmul.f32 v6, v2;
	v12 =	vmul.f32 v7, v4  }
0x120: {  	v6 =	vmul.f32 v6, v1;
	v7 =	vmul.f32 v7, v3  }
0x121: {  	v11 =	vadd.f32 v12, v11  }
0x122: {  	v5 =	vmul.f32 v9, v5;
	v6 =	vadd.f32 v7, v6  }
0x123: {  	[tilespmem:s29+$0xE200] =	vst v8;
	v7 =	vmul.f32 v11, v10  }
0x124: {  	[tilespmem:s29+$0xD200] =	vst v5;
	v5 =	vmul.f32 v6, v10  }
0x125: {  	[tilespmem:s19+$0xE200] =	vst v7  }
0x126: {  	[tilespmem:s19+$0xD200] =	vst v5  }
0x127: {  	[spmem:s20] =	stream.indirect.scatter.add.f32 [tilespmem:s9], [sflag:$0x5], $0x1, s17, s24, $0xb8;
	[tilespmem:$0xF280] =	vst v63  }
0x128: {  	_ = 	snop  }
0x129: {  	[spmem:s21] =	stream.indirect.scatter.add.f32 [tilespmem:s10], [sflag:$0x5], $0x1, s17, s24, $0xb8;
	[tilespmem:$0xF280] =	vst v63  }
0x12a: {  	_ =	swait.ge [sflag:s13], $0x7D0  }
0x12b: {  	[sflag:s13] =	ssyncset.done $0x0  }
0x12c: {  	[sflag:s13] =	ssyncadd.s32 $0xFFFFF830  }
0x12d: {  	_ =	swait.ge [sflag:s13], $0x7D0  }
0x12e: {  	[sflag:s13] =	ssyncset.done $0x0  }
0x12f: {  	[sflag:s13] =	ssyncadd.s32 $0xFFFFF830  }
0x130: {  	_ =	swait.ge [sflag:s23], $0x7D0  }
0x131: {  	[sflag:s23] =	ssyncset.done $0x0  }
0x132: {  	[sflag:s23] =	ssyncadd.s32 $0xFFFFF830  }
0x133: {  	_ =	swait.ge [sflag:s23], $0x7D0  }
0x134: {  	[sflag:s23] =	ssyncset.done $0x0  }
0x135: {  	[sflag:s23] =	ssyncadd.s32 $0xFFFFF830  }
0x136: {  	_ =	swait.ge [sflag:s23], $0x7D0  }
0x137: {  	[sflag:s23] =	ssyncset.done $0x0  }
0x138: {  	s31 =	simm.s32 $0xB200;
	[sflag:s23] =	ssyncadd.s32 $0xFFFFF830  }
0x139: {  	[tilespmem:s31], [sflag:$0x3] =	stream.indirect.gather [spmem:s15], $0x1, s12, s24, $0xb8;
	[tilespmem:$0xF280] =	vst v63  }
0x13a: {  	s19 =	simm.s32 @!p2 $0x6;
	s31 =	simm.s32 $0xC200  }
0x13b: {  	[tilespmem:s31], [sflag:$0x3] =	stream.indirect.gather [spmem:s16], $0x1, s12, s24, $0xb8;
	[tilespmem:$0xF280] =	vst v63  }
0x13c: {  	_ =	swait.ge @!p2 [sflag:s19], $0x7D0  }
0x13d: {  	[sflag:s19] =	ssyncset.done @!p2 $0x0  }
0x13e: {  	[sflag:s19] =	ssyncadd.s32 @!p2 $0xFFFFF830  }
0x13f: {  	_ =	swait.ge @!p2 [sflag:s19], $0x7D0  }
0x140: {  	s29 =	sld [smem:$0x7F6];
	_ =	sdelay $0x2  }
0x141: {  	s29 =	sadd.s32 s28, s29  }
0x142: {  	[sflag:s19] =	ssyncset.done @!p2 $0x0;
	s29 =	sshrl.u32 s29, $0x3  }
0x143: {  	s30 =	simm.s32 $0x0;
	[sflag:s19] =	ssyncadd.s32 @!p2 $0xFFFFF830;
	s31 =	sadd.s32 s0, s29  }
0x144: {  	[tilespmem:s18], [sflag:$0x2] =	stream.linear.gather [hbm4b:s31+s30], $0x7D0, $0x38;
	[tilespmem:$0xF280] =	vst v63  }
0x145: {  	s31 =	sadd.s32 s1, s29  }
0x146: {  	[tilespmem:s14], [sflag:$0x2] =	stream.linear.gather [hbm4b:s31+s30], $0x7D0, $0x38;
	[tilespmem:$0xF280] =	vst v63  }
0x147: {  	s31 =	sadd.s32 s3, s29;
	s29 =	simm.s32 $0xAA00  }
0x148: {  	[tilespmem:s29], [sflag:$0x2] =	stream.linear.gather [hbm4b:s31+s30], $0x7D0, $0x38;
	[tilespmem:$0xF280] =	vst v63  }
0x149: {  	s29 =	simm.s32 $0x0  }
0x14a: {  	v6 =	vld [tilespmem:s29+$0xBA00]  }
0x14b: {  	v7 =	vld [tilespmem:s29+$0xCA00];
	_ =	sdelay $0x3  }
0x14c: {  	s19 =	simm.s32 $0x10;
	v5 =	vld [tilespmem:s29+$0x9A00];
	v8 =	vmul.f32 v6, v2  }
0x14d: {  	v9 =	vmul.f32 v7, v4;
	v10 =	vmul.f32 v6, v1;
	v6 =	vld [tilespmem:s19+$0xBA00]  }
0x14e: {  	v11 =	vmul.f32 v7, v3;
	v7 =	vld [tilespmem:s19+$0xCA00]  }
0x14f: {  	v8 =	vadd.f32 v9, v8  }
0x150: {  	v9 =	vadd.f32 v11, v10  }
0x151: {  	s30 =	simm.s32 $0x80;
	v8 =	vmul.f32 v8, v5  }
.LBB2_7:
0x152: {  	s31 =	sshra.s32 s30, $0x2;
	v10 =	vmul.f32 v6, v1;
	v9 =	vmul.f32 v9, v5;
	v5 =	vld [tilespmem:s19+$0x9A00];
	p2 =	sne.s32 s30, $0x1F00  }
.Ltmp2:
0x153: {  	s30 =	sadd.s32 $0x40, s30;
	v11 =	vmul.f32 v6, v2;
	v6 =	vld [tilespmem:s31+$0xBA00];
	v12 =	vmul.f32 v7, v4;
	[tilespmem:s29+$0xEA00] =	vst v8;
	(pc) =	sbr.rel @p2 .LBB2_7-.Ltmp2, $4  }
0x154: {  	v8 =	vmul.f32 v7, v3;
	v7 =	vld [tilespmem:s31+$0xCA00];
	[tilespmem:s29+$0xDA00] =	vst v9;
	s29 =	smov.u32 s19;
	s19 =	smov.u32 s31  }
0x155: {  	v11 =	vadd.f32 v12, v11  }
0x156: {  	v9 =	vadd.f32 v8, v10  }
0x157: {  	v8 =	vmul.f32 v11, v5  }
0x158: {  	v10 =	vld [tilespmem:s19+$0x9A00]  }
0x159: {  	v11 =	vmul.f32 v6, v2;
	v12 =	vmul.f32 v7, v4  }
0x15a: {  	v6 =	vmul.f32 v6, v1;
	v7 =	vmul.f32 v7, v3  }
0x15b: {  	v11 =	vadd.f32 v12, v11  }
0x15c: {  	v5 =	vmul.f32 v9, v5;
	v6 =	vadd.f32 v7, v6  }
0x15d: {  	[tilespmem:s29+$0xEA00] =	vst v8;
	v7 =	vmul.f32 v11, v10  }
0x15e: {  	[tilespmem:s29+$0xDA00] =	vst v5;
	v5 =	vmul.f32 v6, v10  }
0x15f: {  	[tilespmem:s19+$0xEA00] =	vst v7  }
0x160: {  	[tilespmem:s19+$0xDA00] =	vst v5  }
0x161: {  	[spmem:s20] =	stream.indirect.scatter.add.f32 [tilespmem:s6], [sflag:$0x6], $0x1, s22, s24, $0xb8;
	[tilespmem:$0xF280] =	vst v63  }
0x162: {  	_ = 	snop  }
0x163: {  	[spmem:s21] =	stream.indirect.scatter.add.f32 [tilespmem:s4], [sflag:$0x6], $0x1, s22, s24, $0xb8;
	[tilespmem:$0xF280] =	vst v63  }
0x164: {  	_ =	swait.ge [sflag:s25], $0x7D0  }
0x165: {  	[sflag:s25] =	ssyncset.done $0x0  }
0x166: {  	[sflag:s25] =	ssyncadd.s32 $0xFFFFF830  }
0x167: {  	_ =	swait.ge [sflag:s25], $0x7D0  }
0x168: {  	[sflag:s25] =	ssyncset.done $0x0  }
0x169: {  	[sflag:s25] =	ssyncadd.s32 $0xFFFFF830  }
0x16a: {  	_ =	swait.ge [sflag:s2], $0x7D0  }
0x16b: {  	[sflag:s2] =	ssyncset.done $0x0  }
0x16c: {  	[sflag:s2] =	ssyncadd.s32 $0xFFFFF830  }
0x16d: {  	_ =	swait.ge [sflag:s2], $0x7D0  }
0x16e: {  	[sflag:s2] =	ssyncset.done $0x0  }
0x16f: {  	[sflag:s2] =	ssyncadd.s32 $0xFFFFF830  }
0x170: {  	_ =	swait.ge [sflag:s2], $0x7D0  }
0x171: {  	[sflag:s2] =	ssyncset.done $0x0  }
0x172: {  	s31 =	simm.s32 $0xBA00;
	[sflag:s2] =	ssyncadd.s32 $0xFFFFF830  }
0x173: {  	[tilespmem:s31], [sflag:$0x4] =	stream.indirect.gather [spmem:s15], $0x1, s18, s24, $0xb8;
	[tilespmem:$0xF280] =	vst v63  }
0x174: {  	s31 =	simm.s32 $0xCA00  }
0x175: {  	[tilespmem:s31], [sflag:$0x4] =	stream.indirect.gather [spmem:s16], $0x1, s18, s24, $0xb8;
	[tilespmem:$0xF280] =	vst v63  }
0x176: {  	_ =	swait.ge [sflag:s7], $0x7D0  }
0x177: {  	[sflag:s7] =	ssyncset.done $0x0  }
0x178: {  	[sflag:s7] =	ssyncadd.s32 $0xFFFFF830  }
0x179: {  	_ =	swait.ge [sflag:s7], $0x7D0  }
0x17a: {  	s19 =	sld [smem:$0x7F7];
	_ =	sdelay $0x1  }
0x17b: {  	p2 =	seq.s32 s26, $0x18  }
0x17c: {  	s19 =	sadd.s32 @!p2 s28, s19  }
0x17d: {  	s30 =	simm.s32 @!p2 $0x0;
	[sflag:s7] =	ssyncset.done $0x0;
	s19 =	sshrl.u32 @!p2 s19, $0x3  }
0x17e: {  	s31 =	simm.s32 @!p2 $0x6200;
	[sflag:s7] =	ssyncadd.s32 $0xFFFFF830;
	s29 =	sadd.s32 @!p2 s0, s19  }
0x17f: {  	[tilespmem:s31], [sflag:$0x1] =	stream.linear.gather @!p2 [hbm4b:s29+s30], $0x7D0, $0x38;
	[tilespmem:$0xF280] =	vst v63  }
0x180: {  	s29 =	sadd.s32 @!p2 s1, s19;
	s31 =	simm.s32 @!p2 $0x7200  }
0x181: {  	[tilespmem:s31], [sflag:$0x1] =	stream.linear.gather @!p2 [hbm4b:s29+s30], $0x7D0, $0x38;
	[tilespmem:$0xF280] =	vst v63  }
0x182: {  	s19 =	sadd.s32 @!p2 s3, s19;
	s29 =	simm.s32 @!p2 $0x9200  }
0x183: {  	[tilespmem:s29], [sflag:$0x1] =	stream.linear.gather @!p2 [hbm4b:s19+s30], $0x7D0, $0x38;
	[tilespmem:$0xF280] =	vst v63  }
0x184: {  	s29 =	simm.s32 $0x0  }
0x185: {  	v6 =	vld [tilespmem:s29+$0xB200]  }
0x186: {  	v7 =	vld [tilespmem:s29+$0xC200];
	_ =	sdelay $0x3  }
0x187: {  	s19 =	simm.s32 $0x10;
	v5 =	vld [tilespmem:s29+$0xA200];
	v8 =	vmul.f32 v6, v2  }
0x188: {  	v9 =	vmul.f32 v7, v4;
	v10 =	vmul.f32 v6, v1;
	v6 =	vld [tilespmem:s19+$0xB200]  }
0x189: {  	v11 =	vmul.f32 v7, v3;
	v7 =	vld [tilespmem:s19+$0xC200]  }
0x18a: {  	v8 =	vadd.f32 v9, v8  }
0x18b: {  	v9 =	vadd.f32 v11, v10  }
0x18c: {  	s30 =	simm.s32 $0x80;
	v8 =	vmul.f32 v8, v5  }
.LBB2_9:
0x18d: {  	s31 =	sshra.s32 s30, $0x2;
	v10 =	vmul.f32 v6, v1;
	v9 =	vmul.f32 v9, v5;
	v5 =	vld [tilespmem:s19+$0xA200];
	p3 =	sne.s32 s30, $0x1F00  }
.Ltmp3:
0x18e: {  	s30 =	sadd.s32 $0x40, s30;
	v11 =	vmul.f32 v6, v2;
	v6 =	vld [tilespmem:s31+$0xB200];
	v12 =	vmul.f32 v7, v4;
	[tilespmem:s29+$0xE200] =	vst v8;
	(pc) =	sbr.rel @p3 .LBB2_9-.Ltmp3, $4  }
0x18f: {  	v8 =	vmul.f32 v7, v3;
	v7 =	vld [tilespmem:s31+$0xC200];
	[tilespmem:s29+$0xD200] =	vst v9;
	s29 =	smov.u32 s19;
	s19 =	smov.u32 s31  }
0x190: {  	v11 =	vadd.f32 v12, v11  }
0x191: {  	v9 =	vadd.f32 v8, v10  }
0x192: {  	v8 =	vmul.f32 v11, v5  }
0x193: {  	v10 =	vld [tilespmem:s19+$0xA200]  }
0x194: {  	v11 =	vmul.f32 v6, v2;
	v12 =	vmul.f32 v7, v4  }
0x195: {  	v6 =	vmul.f32 v6, v1;
	v7 =	vmul.f32 v7, v3  }
0x196: {  	v11 =	vadd.f32 v12, v11  }
0x197: {  	v5 =	vmul.f32 v9, v5;
	v6 =	vadd.f32 v7, v6  }
0x198: {  	[tilespmem:s29+$0xE200] =	vst v8;
	v7 =	vmul.f32 v11, v10  }
0x199: {  	[tilespmem:s29+$0xD200] =	vst v5;
	v5 =	vmul.f32 v6, v10  }
0x19a: {  	[tilespmem:s19+$0xE200] =	vst v7  }
0x19b: {  	[tilespmem:s19+$0xD200] =	vst v5  }
0x19c: {  	[spmem:s20] =	stream.indirect.scatter.add.f32 [tilespmem:s9], [sflag:$0x5], $0x1, s5, s24, $0xb8;
	[tilespmem:$0xF280] =	vst v63  }
0x19d: {  	_ = 	snop  }
0x19e: {  	[spmem:s21] =	stream.indirect.scatter.add.f32 [tilespmem:s10], [sflag:$0x5], $0x1, s5, s24, $0xb8;
	[tilespmem:$0xF280] =	vst v63  }
0x19f: {  	_ =	swait.ge [sflag:s13], $0x7D0  }
0x1a0: {  	[sflag:s13] =	ssyncset.done $0x0  }
0x1a1: {  	[sflag:s13] =	ssyncadd.s32 $0xFFFFF830  }
0x1a2: {  	_ =	swait.ge [sflag:s13], $0x7D0  }
0x1a3: {  	[sflag:s13] =	ssyncset.done $0x0  }
0x1a4: {  	s19 =	simm.s32 @p2 $0x6;
	[sflag:s13] =	ssyncadd.s32 $0xFFFFF830  }
0x1a5: {  	_ =	swait.ge @p2 [sflag:s19], $0x7D0  }
0x1a6: {  	[sflag:s19] =	ssyncset.done @p2 $0x0  }
0x1a7: {  	[sflag:s19] =	ssyncadd.s32 @p2 $0xFFFFF830  }
0x1a8: {  	_ =	swait.ge @p2 [sflag:s19], $0x7D0  }
0x1a9: {  	[sflag:s19] =	ssyncset.done @p2 $0x0  }
0x1aa: {  	[sflag:s19] =	ssyncadd.s32 @p2 $0xFFFFF830;
	s19 =	simm.s32 @!p2 $0x1  }
0x1ab: {  	_ =	swait.ge @!p2 [sflag:s19], $0x7D0  }
0x1ac: {  	[sflag:s19] =	ssyncset.done @!p2 $0x0  }
0x1ad: {  	[sflag:s19] =	ssyncadd.s32 @!p2 $0xFFFFF830  }
0x1ae: {  	_ =	swait.ge @!p2 [sflag:s19], $0x7D0  }
0x1af: {  	[sflag:s19] =	ssyncset.done @!p2 $0x0  }
0x1b0: {  	[sflag:s19] =	ssyncadd.s32 @!p2 $0xFFFFF830  }
0x1b1: {  	_ =	swait.ge @!p2 [sflag:s19], $0x7D0  }
0x1b2: {  	s30 =	simm.s32 @!p2 $0xB200;
	[sflag:s19] =	ssyncset.done @!p2 $0x0  }
0x1b3: {  	s29 =	simm.s32 @!p2 $0x6200;
	[sflag:s19] =	ssyncadd.s32 @!p2 $0xFFFFF830;
	s19 =	simm.s32 @!p2 $0x7D0  }
0x1b4: {  	[tilespmem:s30], [sflag:$0x3] =	stream.indirect.gather @!p2 [spmem:s15], $0x1, s29, s19, $0xb8;
	[tilespmem:$0xF280] =	vst v63  }
0x1b5: {  	s30 =	simm.s32 @!p2 $0xC200  }
0x1b6: {  	[tilespmem:s30], [sflag:$0x3] =	stream.indirect.gather @!p2 [spmem:s16], $0x1, s29, s19, $0xb8;
	[tilespmem:$0xF280] =	vst v63  }
0x1b7: {  	s19 =	simm.s32 @!p2 $0x6  }
0x1b8: {  	_ =	swait.ge @!p2 [sflag:s19], $0x7D0  }
0x1b9: {  	[sflag:s19] =	ssyncset.done @!p2 $0x0  }
0x1ba: {  	[sflag:s19] =	ssyncadd.s32 @!p2 $0xFFFFF830  }
0x1bb: {  	_ =	swait.ge @!p2 [sflag:s19], $0x7D0  }
0x1bc: {  	s29 =	sld [smem:$0x7F8];
	_ =	sdelay $0x2  }
0x1bd: {  	[sflag:s19] =	ssyncset.done @!p2 $0x0;
	s28 =	sadd.s32 @!p2 s28, s29  }
0x1be: {  	[sflag:s19] =	ssyncadd.s32 @!p2 $0xFFFFF830;
	s19 =	sshrl.u32 @!p2 s28, $0x3  }
0x1bf: {  	s30 =	simm.s32 @!p2 $0x6A00;
	s29 =	simm.s32 @!p2 $0x0;
	s28 =	sadd.s32 @!p2 s0, s19  }
0x1c0: {  	[tilespmem:s30], [sflag:$0x2] =	stream.linear.gather @!p2 [hbm4b:s28+s29], $0x7D0, $0x38;
	[tilespmem:$0xF280] =	vst v63  }
0x1c1: {  	s28 =	sadd.s32 @!p2 s1, s19;
	s30 =	simm.s32 @!p2 $0x7A00  }
0x1c2: {  	[tilespmem:s30], [sflag:$0x2] =	stream.linear.gather @!p2 [hbm4b:s28+s29], $0x7D0, $0x38;
	[tilespmem:$0xF280] =	vst v63  }
0x1c3: {  	s19 =	sadd.s32 @!p2 s3, s19;
	s28 =	simm.s32 @!p2 $0x9A00  }
0x1c4: {  	[tilespmem:s28], [sflag:$0x2] =	stream.linear.gather @!p2 [hbm4b:s19+s29], $0x7D0, $0x38;
	[tilespmem:$0xF280] =	vst v63  }
0x1c5: {  	s28 =	simm.s32 $0x0  }
0x1c6: {  	v6 =	vld [tilespmem:s28+$0xBA00]  }
0x1c7: {  	v7 =	vld [tilespmem:s28+$0xCA00];
	_ =	sdelay $0x3  }
0x1c8: {  	s19 =	simm.s32 $0x10;
	v5 =	vld [tilespmem:s28+$0xAA00];
	v8 =	vmul.f32 v6, v2  }
0x1c9: {  	v9 =	vmul.f32 v7, v4;
	v10 =	vmul.f32 v6, v1;
	v6 =	vld [tilespmem:s19+$0xBA00]  }
0x1ca: {  	v11 =	vmul.f32 v7, v3;
	v7 =	vld [tilespmem:s19+$0xCA00]  }
0x1cb: {  	v8 =	vadd.f32 v9, v8  }
0x1cc: {  	v9 =	vadd.f32 v11, v10  }
0x1cd: {  	s29 =	simm.s32 $0x80;
	v8 =	vmul.f32 v8, v5  }
.LBB2_11:
0x1ce: {  	s30 =	sshra.s32 s29, $0x2;
	v10 =	vmul.f32 v6, v1;
	v9 =	vmul.f32 v9, v5;
	v5 =	vld [tilespmem:s19+$0xAA00];
	p2 =	sne.s32 s29, $0x1F00  }
.Ltmp4:
0x1cf: {  	s29 =	sadd.s32 $0x40, s29;
	v11 =	vmul.f32 v6, v2;
	v6 =	vld [tilespmem:s30+$0xBA00];
	v12 =	vmul.f32 v7, v4;
	[tilespmem:s28+$0xEA00] =	vst v8;
	(pc) =	sbr.rel @p2 .LBB2_11-.Ltmp4, $4  }
0x1d0: {  	v8 =	vmul.f32 v7, v3;
	v7 =	vld [tilespmem:s30+$0xCA00];
	[tilespmem:s28+$0xDA00] =	vst v9;
	s28 =	smov.u32 s19;
	s19 =	smov.u32 s30  }
0x1d1: {  	v11 =	vadd.f32 v12, v11  }
0x1d2: {  	v9 =	vadd.f32 v8, v10  }
0x1d3: {  	v8 =	vmul.f32 v11, v5  }
0x1d4: {  	v10 =	vld [tilespmem:s19+$0xAA00]  }
0x1d5: {  	v11 =	vmul.f32 v6, v2;
	v12 =	vmul.f32 v7, v4  }
0x1d6: {  	v6 =	vmul.f32 v6, v1;
	v7 =	vmul.f32 v7, v3  }
0x1d7: {  	v11 =	vadd.f32 v12, v11  }
0x1d8: {  	v5 =	vmul.f32 v9, v5;
	v6 =	vadd.f32 v7, v6  }
0x1d9: {  	s26 =	sadd.s32 $0x1, s26;
	[tilespmem:s28+$0xEA00] =	vst v8;
	v7 =	vmul.f32 v11, v10  }
0x1da: {  	p2 =	sne.s32 s26, $0x19;
	[tilespmem:s28+$0xDA00] =	vst v5;
	v5 =	vmul.f32 v6, v10  }
.Ltmp5:
0x1db: {  	[tilespmem:s19+$0xEA00] =	vst v7;
	(pc) =	sbr.rel @p2 .LBB2_4-.Ltmp5, $4  }
0x1dc: {  	[tilespmem:s19+$0xDA00] =	vst v5  }
0x1dd: {  	[spmem:s20] =	stream.indirect.scatter.add.f32 [tilespmem:s6], [sflag:$0x6], $0x1, s14, s24, $0xb8;
	[tilespmem:$0xF280] =	vst v63  }
0x1de: {  	_ = 	snop  }
0x1df: {  	[spmem:s21] =	stream.indirect.scatter.add.f32 [tilespmem:s4], [sflag:$0x6], $0x1, s14, s24, $0xb8;
	[tilespmem:$0xF280] =	vst v63  }
0x1e0: {  	_ =	swait.ge [sflag:s7], $0x7D0  }
0x1e1: {  	[sflag:s7] =	ssyncset.done $0x0  }
0x1e2: {  	[sflag:s7] =	ssyncadd.s32 $0xFFFFF830  }
0x1e3: {  	_ =	swait.ge [sflag:s7], $0x7D0  }
0x1e4: {  	[sflag:s7] =	ssyncset.done $0x0  }
0x1e5: {  	s11 =	simm.s32 $0x6;
	[sflag:s7] =	ssyncadd.s32 $0xFFFFF830  }
0x1e6: {  	_ =	swait.ge [sflag:s11], $0x7D0  }
0x1e7: {  	[sflag:s11] =	ssyncset.done $0x0  }
0x1e8: {  	[sflag:s11] =	ssyncadd.s32 $0xFFFFF830  }
0x1e9: {  	_ =	swait.ge [sflag:s11], $0x7D0  }
0x1ea: {  	[sflag:s11] =	ssyncset.done $0x0  }
0x1eb: {  	[sflag:s11] =	ssyncadd.s32 $0xFFFFF830  }
0x1ec: {  	[bflag:$0x0] =	sbarrier.arrive $0xFFFF  }
0x1ed: {  	s30 =	simm.s32 $0xB200;
	s19 =	rddreg [dreg:$0x1d]  }
0x1ee: {  	[tilespmem:s30], [sflag:$0x7] =	stream.linear.gather [spmem:s19], $0x620, $0x38;
	[tilespmem:$0xF280] =	vst v63  }
0x1ef: {  	_ =	swait.ge [sflag:s8], $0x620  }
0x1f0: {  	[sflag:s8] =	ssyncset.done $0x0  }
0x1f1: {  	s19 =	simm.s32 $0x0;
	s26 =	rddreg [dreg:$0x12];
	[sflag:s8] =	ssyncadd.s32 $0xFFFFF9E0  }
0x1f2: {  	[hbm4b:s26+s19] =	stream.linear.scatter [tilespmem:s30], [sflag:$0x7], $0x620, $0x38;
	[tilespmem:$0xF280] =	vst v63  }
0x1f3: {  	_ =	swait.ge [sflag:s8], $0x620  }
0x1f4: {  	[sflag:s8] =	ssyncset.done $0x0  }
0x1f5: {  	s31 =	simm.s32 $0xC200;
	s29 =	rddreg [dreg:$0x1e];
	[sflag:s8] =	ssyncadd.s32 $0xFFFFF9E0  }
0x1f6: {  	[tilespmem:s31], [sflag:$0x7] =	stream.linear.gather [spmem:s29], $0x620, $0x38;
	[tilespmem:$0xF280] =	vst v63  }
0x1f7: {  	_ =	swait.ge [sflag:s8], $0x620  }
0x1f8: {  	[sflag:s8] =	ssyncset.done $0x0  }
0x1f9: {  	s17 =	rddreg [dreg:$0x13];
	[sflag:s8] =	ssyncadd.s32 $0xFFFFF9E0  }
0x1fa: {  	[hbm4b:s17+s19] =	stream.linear.scatter [tilespmem:s31], [sflag:$0x7], $0x620, $0x38;
	[tilespmem:$0xF280] =	vst v63  }
0x1fb: {  	_ =	swait.ge [sflag:s8], $0x620  }
0x1fc: {  	s28 =	sld [smem:$0x7FB]  }
0x1fd: {  	[sflag:s8] =	ssyncset.done $0x0  }
0x1fe: {  	[sflag:s8] =	ssyncadd.s32 $0xFFFFF9E0  }
0x1ff: {  	[tilespmem:s30], [sflag:$0x7] =	stream.linear.gather [spmem:s28], $0x620, $0x38;
	[tilespmem:$0xF280] =	vst v63  }
0x200: {  	_ =	swait.ge [sflag:s8], $0x620  }
0x201: {  	[sflag:s8] =	ssyncset.done $0x0  }
0x202: {  	s26 =	rddreg [dreg:$0x14];
	[sflag:s8] =	ssyncadd.s32 $0xFFFFF9E0  }
0x203: {  	[hbm4b:s26+s19] =	stream.linear.scatter [tilespmem:s30], [sflag:$0x7], $0x620, $0x38;
	[tilespmem:$0xF280] =	vst v63  }
0x204: {  	_ =	swait.ge [sflag:s8], $0x620  }
0x205: {  	s17 =	sld [smem:$0x7FC]  }
0x206: {  	[sflag:s8] =	ssyncset.done $0x0  }
0x207: {  	[sflag:s8] =	ssyncadd.s32 $0xFFFFF9E0  }
0x208: {  	[tilespmem:s31], [sflag:$0x7] =	stream.linear.gather [spmem:s17], $0x620, $0x38;
	[tilespmem:$0xF280] =	vst v63  }
0x209: {  	_ =	swait.ge [sflag:s8], $0x620  }
0x20a: {  	[sflag:s8] =	ssyncset.done $0x0  }
0x20b: {  	s29 =	rddreg [dreg:$0x15];
	[sflag:s8] =	ssyncadd.s32 $0xFFFFF9E0  }
0x20c: {  	[hbm4b:s29+s19] =	stream.linear.scatter [tilespmem:s31], [sflag:$0x7], $0x620, $0x38;
	[tilespmem:$0xF280] =	vst v63  }
0x20d: {  	_ =	swait.ge [sflag:s8], $0x620  }
0x20e: {  	s26 =	sld [smem:$0x7EA]  }
0x20f: {  	[sflag:s8] =	ssyncset.done $0x0  }
0x210: {  	[sflag:s8] =	ssyncadd.s32 $0xFFFFF9E0  }
0x211: {  	[tilespmem:s30], [sflag:$0x7] =	stream.linear.gather [spmem:s26], $0x620, $0x38;
	[tilespmem:$0xF280] =	vst v63  }
0x212: {  	_ =	swait.ge [sflag:s8], $0x620  }
0x213: {  	[sflag:s8] =	ssyncset.done $0x0  }
0x214: {  	s29 =	rddreg [dreg:$0x16];
	[sflag:s8] =	ssyncadd.s32 $0xFFFFF9E0  }
0x215: {  	[hbm4b:s29+s19] =	stream.linear.scatter [tilespmem:s30], [sflag:$0x7], $0x620, $0x38;
	[tilespmem:$0xF280] =	vst v63  }
0x216: {  	_ =	swait.ge [sflag:s8], $0x620  }
0x217: {  	s26 =	sld [smem:$0x7EB]  }
0x218: {  	[sflag:s8] =	ssyncset.done $0x0  }
0x219: {  	[sflag:s8] =	ssyncadd.s32 $0xFFFFF9E0  }
0x21a: {  	[tilespmem:s31], [sflag:$0x7] =	stream.linear.gather [spmem:s26], $0x620, $0x38;
	[tilespmem:$0xF280] =	vst v63  }
0x21b: {  	_ =	swait.ge [sflag:s8], $0x620  }
0x21c: {  	[sflag:s8] =	ssyncset.done $0x0  }
0x21d: {  	s29 =	rddreg [dreg:$0x17];
	[sflag:s8] =	ssyncadd.s32 $0xFFFFF9E0  }
0x21e: {  	[hbm4b:s29+s19] =	stream.linear.scatter [tilespmem:s31], [sflag:$0x7], $0x620, $0x38;
	[tilespmem:$0xF280] =	vst v63  }
0x21f: {  	_ =	swait.ge [sflag:s8], $0x620  }
0x220: {  	s29 =	sld [smem:$0x7FD]  }
0x221: {  	[sflag:s8] =	ssyncset.done $0x0  }
0x222: {  	[sflag:s8] =	ssyncadd.s32 $0xFFFFF9E0  }
0x223: {  	[tilespmem:s30], [sflag:$0x7] =	stream.linear.gather [spmem:s29], $0x620, $0x38;
	[tilespmem:$0xF280] =	vst v63  }
0x224: {  	_ =	swait.ge [sflag:s8], $0x620  }
0x225: {  	[sflag:s8] =	ssyncset.done $0x0  }
0x226: {  	s26 =	rddreg [dreg:$0x18];
	[sflag:s8] =	ssyncadd.s32 $0xFFFFF9E0  }
0x227: {  	[hbm4b:s26+s19] =	stream.linear.scatter [tilespmem:s30], [sflag:$0x7], $0x620, $0x38;
	[tilespmem:$0xF280] =	vst v63  }
0x228: {  	_ =	swait.ge [sflag:s8], $0x620  }
0x229: {  	s29 =	sld [smem:$0x7EE]  }
0x22a: {  	[sflag:s8] =	ssyncset.done $0x0  }
0x22b: {  	[sflag:s8] =	ssyncadd.s32 $0xFFFFF9E0  }
0x22c: {  	[tilespmem:s31], [sflag:$0x7] =	stream.linear.gather [spmem:s29], $0x620, $0x38;
	[tilespmem:$0xF280] =	vst v63  }
0x22d: {  	_ =	swait.ge [sflag:s8], $0x620  }
0x22e: {  	[sflag:s8] =	ssyncset.done $0x0  }
0x22f: {  	s26 =	rddreg [dreg:$0x19];
	[sflag:s8] =	ssyncadd.s32 $0xFFFFF9E0  }
0x230: {  	[hbm4b:s26+s19] =	stream.linear.scatter [tilespmem:s31], [sflag:$0x7], $0x620, $0x38;
	[tilespmem:$0xF280] =	vst v63  }
0x231: {  	_ =	swait.ge [sflag:s8], $0x620  }
0x232: {  	s26 =	sld [smem:$0x7FA]  }
0x233: {  	s29 =	sld [smem:$0x7F9];
	_ =	sdelay $0x1  }
0x234: {  	s26 =	sadd.s32 $0x1, s26  }
0x235: {  	p2 =	sne.s32 s26, s29  }
.Ltmp6:
0x236: {  	_ = 	snop;
	(pc) =	sbr.rel @p2 .LBB2_1-.Ltmp6, $3  }
0x237: {  	_ =	sdelay $0x1  }
0x238: {  	[sflag:s8] =	ssyncset.done $0x0;
	[smem:$0x7FA] =	sst s26  }
0x239: {  	[sflag:s8] =	ssyncadd.s32 $0xFFFFF9E0;
	s26 =	smov.u32 s28;
	s28 =	rddreg [dreg:$0x1d]  }
0x23a: {  	_ =	sfence.sel $0x180000  }
0x23b: {  	[bflag:$0x0] =	sbarrier.arrive $0xFFFF  }
0x23c: {  	_ =	strace $0x90000047  }
0x23d: {  	s0 =	stileid.u32;
	[bflag:$0x2] =	sbarrier.arrive $0xFFFF  }
0x23e: {  	p0 =	sne.s32 s0, $0x0;
	s0 =	rddreg [dreg:$0x9]  }
0x23f: {  	s0 =	sadd.s32 @!p0 $0x100000, s0  }
0x240: {  	[sflag:s0] =	ssyncadd.tile.s32 @!p0 $0x1;
	_ =	shalt  }
.Lfunc_end2:
_tile_overlayer_lowered:
.L_overlay_start_2:
0x241: {  	(tag) =	ssettag $0x2  }
0x242: {  	s0 =	rddreg [dreg:$0x0];
	s2 =	stileid.u32  }
0x243: {  	s1 =	rddreg [dreg:$0x1];
	p0 =	sne.s32 s2, $0x0  }
0x244: {  	s3 =	rddreg [dreg:$0x2];
	[bflag:$0x3] =	sbarrier.arrive $0xFFFF;
	s2 =	simm.s32 @!p0 $0x1C07  }
0x245: {  	[timem:s3], [sflag:s2] =	dma.local @!p0 [hbm:s0], s1  }
0x246: {  	s0 =	simm.s32 @!p0 $0x7  }
0x247: {  	_ =	swait.ge @!p0 [sflag:s0], s1  }
0x248: {  	s1 =	ssub.s32 @!p0 $0x0, s1;
	[sflag:s0] =	ssyncset.done @!p0 $0x0  }
0x249: {  	[sflag:s0] =	ssyncadd.s32 @!p0 s1  }
0x24a: {  	[bflag:$0x3] =	sbarrier.arrive $0xFFFF  }
0x24b: {  	_ =	shalt  }

// kernel: kernel.7.cloned.1.call-start
scs
__scs_entry_jumppad:
0x0: {  	(pc) =	sbr.rel $0x88, $3  }
0x1: {  	(tag) =	ssettag $0x0;
	lr =	simm.s32 $0x1  }
0x2: {  	[smem:$0x3F9C] =	sst lr;
	_ =	strace $0xD0000000  }
0x3: {  	_ = 	snop  }
0x4: {  	_ = 	snop  }
0x5: {  	_ = 	snop  }
0x6: {  	_ = 	snop  }
0x7: {  	_ = 	snop  }
__scs_overlays_trampoline_lowered:
0x8: {  	[smem:$0x3FAB] =	sst s0  }
0x9: {  	[smem:$0x3FAC] =	sst s1  }
0xa: {  	[smem:$0x3FAD] =	sst s2  }
0xb: {  	[smem:$0x3FAE] =	sst s3  }
0xc: {  	[smem:$0x3FAF] =	sst s4  }
0xd: {  	[smem:$0x3FB0] =	sst s5  }
0xe: {  	[smem:$0x3FB1] =	sst s6  }
0xf: {  	[smem:$0x3FB2] =	sst s7  }
0x10: {  	[smem:$0x3FB3] =	sst s8  }
0x11: {  	[smem:$0x3FB4] =	sst s9;
	s0 =	simm.s32 @!p0 $0x0  }
0x12: {  	s1 =	sld [smem:$0x3F9A];
	s0 =	simm.s32 @p0 $0x1  }
0x13: {  	[smem:$0x3FB5] =	sst s0;
	s0 =	simm.s32 @!p1 $0x0  }
0x14: {  	s2 =	sld [smem:$0x3F99];
	s0 =	simm.s32 @p1 $0x1  }
0x15: {  	[smem:$0x3FB6] =	sst s0;
	s0 =	simm.s32 @!p2 $0x0  }
0x16: {  	s3 =	sld [smem:$0x3FDB];
	s0 =	simm.s32 @p2 $0x1  }
0x17: {  	s4 =	simm.s32 $0x1BF5;
	[smem:$0x3FB8] =	sst s0  }
0x18: {  	s0 =	sld [smem:$0x3F9B];
	_ =	swait.ge [sflag:s4], $0x0  }
0x19: {  	s7 =	sld [smem:$0x3F9C]  }
0x1a: {  	s8 =	sadd.s32 $0xFFFFE003, lr  }
0x1b: {  	s9 =	sadd.s32 $0xFFFFFEF7, lr;
	s5 =	simm.s32 $0xFFFFFFFF;
	p2 =	slt.u32 s8, $0xFFFFF086  }
0x1c: {  	p1 =	slt.u32 s9, $0xF7A;
	s5 =	simm.s32 @!p2 $0x0  }
0x1d: {  	s5 =	simm.s32 @p1 $0x1;
	p0 =	seq.s32 s7, s2  }
0x1e: {  	s7 =	smul.u32 @!p0 $0xF7A, s2;
	p2 =	seq.s32 @!p0 s5, $0x0  }
0x1f: {  	s9 =	smul.u32 $0xF7A, s1;
	s8 =	simm.s32 @!p0 $0x1BF5;
	p2 =	por !p2, p0  }
0x20: {  	[sflag:s8] =	ssyncset.s32 @!p0 $0xFFFFF086;
	s6 =	sadd.s32 @!p0 s3, s7;
	s7 =	simm.s32 @!p0 $0x108  }
0x21: {  	s3 =	sadd.s32 s3, s9;
	s6 =	sadd.s32 @!p0 $0x88, s6;
	s7 =	simm.s32 @p2 $0x1082  }
0x22: {  	[simem:s7], [sflag:s8] =	dma.local @!p0 [hbm:s6], $0xF7A  }
0x23: {  	s9 =	sor.u32 $0xD0000000, s2;
	s6 =	simm.s32 $0x108;
	_ =	swait.ge @!p0 [sflag:s8], $0x0  }
0x24: {  	s3 =	sadd.s32 $0x88, s3;
	s6 =	simm.s32 @!p1 $0x1082;
	[sflag:s4] =	ssyncset.s32 $0xFFFFF086  }
0x25: {  	[simem:s6], [sflag:s4] =	dma.local [hbm:s3], $0xF7A  }
0x26: {  	[smem:$0x3F9C] =	sst s1;
	(tag) =	ssettag s2;
	_ =	strace s9  }
0x27: {  	s1 =	sld [smem:$0x3FAC]  }
0x28: {  	s2 =	sld [smem:$0x3FAD]  }
0x29: {  	s4 =	sld [smem:$0x3FAF]  }
0x2a: {  	p0 =	seq.s32 s5, $0x0;
	s5 =	sld [smem:$0x3FB0]  }
0x2b: {  	s6 =	sld [smem:$0x3FB1]  }
0x2c: {  	s7 =	sld [smem:$0x3FB2]  }
0x2d: {  	s3 =	simm.s32 $0x108;
	s8 =	sld [smem:$0x3FB3]  }
0x2e: {  	s3 =	simm.s32 @!p0 $0x1082;
	s9 =	sld [smem:$0x3FB4]  }
0x2f: {  	lr =	sadd.s32 s0, s3;
	s0 =	sld [smem:$0x3FAB]  }
0x30: {  	s3 =	sld [smem:$0x3FAE]  }
0x31: {  	[smem:$0x3FB7] =	sst s10  }
0x32: {  	s10 =	sld [smem:$0x3FB5];
	_ =	sdelay $0x3  }
0x33: {  	p0 =	seq.s32 s10, $0x1;
	s10 =	sld [smem:$0x3FB7];
	_ =	sdelay $0x3  }
0x34: {  	[smem:$0x3FB7] =	sst s10  }
0x35: {  	s10 =	sld [smem:$0x3FB6];
	_ =	sdelay $0x3  }
0x36: {  	p1 =	seq.s32 s10, $0x1;
	s10 =	sld [smem:$0x3FB7];
	_ =	sdelay $0x3  }
0x37: {  	[smem:$0x3FB7] =	sst s10  }
0x38: {  	s10 =	sld [smem:$0x3FB8]  }
0x39: {  	_ = 	snop;
	(pc) =	sbr.ind lr, $3  }
0x3a: {  	_ = 	snop  }
0x3b: {  	_ = 	snop  }
0x3c: {  	p2 =	seq.s32 s10, $0x1;
	s10 =	sld [smem:$0x3FB7]  }
0x3d: {  	_ =	shalt  }
0x3e: {  	_ =	shalt  }
0x3f: {  	_ =	shalt  }
0x40: {  	_ =	shalt  }
0x41: {  	_ =	shalt  }
0x42: {  	_ =	shalt  }
0x43: {  	_ =	shalt  }
0x44: {  	_ =	shalt  }
0x45: {  	_ =	shalt  }
0x46: {  	_ =	shalt  }
0x47: {  	_ =	shalt  }
0x48: {  	_ =	shalt  }
0x49: {  	_ =	shalt  }
0x4a: {  	_ =	shalt  }
0x4b: {  	_ =	shalt  }
0x4c: {  	_ =	shalt  }
0x4d: {  	_ =	shalt  }
0x4e: {  	_ =	shalt  }
0x4f: {  	_ =	shalt  }
0x50: {  	_ =	shalt  }
0x51: {  	_ =	shalt  }
0x52: {  	_ =	shalt  }
0x53: {  	_ =	shalt  }
0x54: {  	_ =	shalt  }
0x55: {  	_ =	shalt  }
0x56: {  	_ =	shalt  }
0x57: {  	_ =	shalt  }
0x58: {  	_ =	shalt  }
0x59: {  	_ =	shalt  }
0x5a: {  	_ =	shalt  }
0x5b: {  	_ =	shalt  }
0x5c: {  	_ =	shalt  }
0x5d: {  	_ =	shalt  }
0x5e: {  	_ =	shalt  }
0x5f: {  	_ =	shalt  }
0x60: {  	_ =	shalt  }
0x61: {  	_ =	shalt  }
0x62: {  	_ =	shalt  }
0x63: {  	_ =	shalt  }
0x64: {  	_ =	shalt  }
0x65: {  	_ =	shalt  }
0x66: {  	_ =	shalt  }
0x67: {  	_ =	shalt  }
0x68: {  	_ =	shalt  }
0x69: {  	_ =	shalt  }
0x6a: {  	_ =	shalt  }
0x6b: {  	_ =	shalt  }
0x6c: {  	_ =	shalt  }
0x6d: {  	_ =	shalt  }
0x6e: {  	_ =	shalt  }
0x6f: {  	_ =	shalt  }
0x70: {  	_ =	shalt  }
0x71: {  	_ =	shalt  }
0x72: {  	_ =	shalt  }
0x73: {  	_ =	shalt  }
0x74: {  	_ =	shalt  }
0x75: {  	_ =	shalt  }
0x76: {  	_ =	shalt  }
0x77: {  	_ =	shalt  }
0x78: {  	_ =	shalt  }
0x79: {  	_ =	shalt  }
0x7a: {  	_ =	shalt  }
0x7b: {  	_ =	shalt  }
0x7c: {  	_ =	shalt  }
0x7d: {  	_ =	shalt  }
0x7e: {  	_ =	shalt  }
0x7f: {  	_ =	shalt  }
0x80: {  	_ =	shalt  }
0x81: {  	_ =	shalt  }
0x82: {  	_ =	shalt  }
0x83: {  	_ =	shalt  }
0x84: {  	_ =	shalt  }
0x85: {  	_ =	shalt  }
0x86: {  	_ =	shalt  }
0x87: {  	_ =	shalt  }
.Lfunc_end0:
.L_simem_size_0:
called_computation.1_lowered:
.L_overlay_start_0:
0x88: {  	s2 =	sld [smem:$0x3FD9]  }
0x89: {  	s3 =	sld [smem:$0x3FFE];
	_ =	sdelay $0x1  }
0x8a: {  	s1 =	srdreg.scid  }
0x8b: {  	s0 =	sand.u32 $0x1, s1  }
0x8c: {  	s17 =	sshll.u32 s0, $0xA;
	s2 =	sadd.s32 s3, s2  }
0x8d: {  	s2 =	sadd.s32 s2, s17  }
0x8e: {  	[smem:$0x3FC3] =	sst s2  }
0x8f: {  	_ = 	snop  }
0x90: {  	s2 =	sld [smem:$0x3FD0];
	(tm) =	ssettm $0x1  }
0x91: {  	s18 =	sld [smem:$0x3FFB];
	_ =	sdelay $0x3  }
0x92: {  	_ =	strace s18  }
0x93: {  	s3 =	sld [smem:$0x3FFC];
	_ =	sdelay $0x3  }
0x94: {  	_ =	strace s3  }
0x95: {  	s3 =	sld [smem:$0x3FFD];
	_ =	sdelay $0x3  }
0x96: {  	_ =	strace s3  }
0x97: {  	_ =	strace $0x8FFFFFFF  }
0x98: {  	s19 =	sld [smem:$0x3FDB];
	_ =	sdelay $0x1  }
0x99: {  	s4 =	simm.s32 $_scs_section_size  }
0x9a: {  	s5 =	simm.s32 $_size__tile_overlayer_lowered;
	s6 =	simm.s32 $_tile_overlayer_lowered  }
0x9b: {  	s22 =	simm.s32 $0x1BFF;
	s21 =	sshll.u32 s6, $0x1;
	s3 =	sadd.s32 s4, s19  }
0x9c: {  	s7 =	simm.s32 $0x0;
	s20 =	sshll.u32 s5, $0x1;
	s5 =	sadd.s32 s21, s3  }
0x9d: {  	[timem:s7], [sflag:s22] =	dma.local [hbm:s5], s20  }
0x9e: {  	_ =	swait.ge [sflag:s22], s20  }
0x9f: {  	s4 =	ssub.s32 $0x0, s20;
	[sflag:s22] =	ssyncset.done $0x0  }
0xa0: {  	[sflag:s22] =	ssyncadd.s32 s4;
	_ =	sdelay $0x1  }
0xa1: {  	s23 =	simm.s32 $0x1B8B  }
0xa2: {  	_ =	swait.ge [sflag:s23], $0x1  }
0xa3: {  	[sflag:s23] =	ssyncset.done $0x0  }
0xa4: {  	s25 =	simm.s32 $0x1B8E;
	s24 =	sld [smem:$0x3FFE];
	[sflag:s23] =	ssyncadd.s32 $0xFFFFFFFF  }
0xa5: {  	s26 =	simm.s32 $execute0_lowered;
	[smem:$0x3FD2] =	sst s25  }
0xa6: {  	s5 =	sshll.u32 s26, $0x1;
	_ =	strace $0x80000049;
	[dreg:$0x1] =	wrdreg $0xFFFFFFFF  }
0xa7: {  	s28 =	simm.s32 $_size_execute0_lowered;
	s3 =	sadd.s32 s3, s5;
	[dreg:$0x0] =	wrdreg $0x0  }
0xa8: {  	s5 =	sshll.u32 s28, $0x1;
	[dreg:$0x2] =	wrdreg s3  }
0xa9: {  	[dreg:$0x3] =	wrdreg s5  }
0xaa: {  	[dreg:$0x4] =	wrdreg $0xC0  }
0xab: {  	_ =	task [dreg:s7], $0x5FFFF  }
0xac: {  	[dreg:$0x1] =	wrdreg $0xFFFFFFFF  }
0xad: {  	[dreg:$0x0] =	wrdreg $0x60  }
0xae: {  	[dreg:$0x2] =	wrdreg s24  }
0xaf: {  	[dreg:$0x3] =	wrdreg s2  }
0xb0: {  	[dreg:$0x4] =	wrdreg $0x9  }
0xb1: {  	_ =	task.clear_ibuf [dreg:s7], $0x5FFFF;
	_ =	strace $0x90000049  }
0xb2: {  	s29 =	simm.s32 $0x9;
	_ =	strace $0x8000004B  }
0xb3: {  	_ =	swait.ge [sflag:s29], $0x1  }
0xb4: {  	[sflag:s29] =	ssyncadd.s32 $0xFFFFFFFF  }
0xb5: {  	_ =	strace $0x9000004B  }
0xb6: {  	_ =	sfence  }
0xb7: {  	s30 =	sld [smem:$0x0];
	_ =	sdelay $0x2  }
0xb8: {  	s31 =	sshll.u32 s1, $0xD;
	s1 =	sshrl.u32 s1, $0x2  }
0xb9: {  	s3 =	sand.u32 $0x4000, s31;
	s1 =	sadd.s32 s1, s30  }
0xba: {  	s0 =	sor.u32 s3, s0;
	s1 =	sshll.u32 s1, $0x11  }
0xbb: {  	s0 =	sor.u32 s1, s0  }
0xbc: {  	s0 =	sadd.s32 $0x8F2B, s0  }
0xbd: {  	[sflag:s0] =	ssyncadd.remote.s32 $0x1  }
0xbe: {  	_ =	sfence.sel $0xFFFF  }
0xbf: {  	[dreg:$0x0] =	wrdreg $0xFFFFFFFF;
	(pc) =	sbr.abs _section_cstart, $3  }
0xc0: {  	[dreg:$0x1] =	wrdreg $0xFFFFFFFF  }
0xc1: {  	_ =	task.clear_ibuf [dreg:s7], $0x2FFFF;
	_ =	strace $0x9FFFFFFF  }
0xc2: {  	(tm) =	ssettm $0x7FFFFFFF  }
0xc3: {  	_ =	shalt  }
tec
execute0_lowered:
.L_overlay_start_1:
0x0: {  	(tag) =	ssettag $0x1  }
0x1: {  	s0 =	srdreg.scid;
	s3 =	rddreg [dreg:$0x0]  }
0x2: {  	s7 =	rddreg [dreg:$0x1];
	s1 =	stileid.u32  }
0x3: {  	s2 =	simm.s32 $0x0;
	s13 =	simm.s32 $0x2580;
	s4 =	sand.u32 $0x1, s0  }
0x4: {  	s14 =	simm.s32 $0x3200;
	s15 =	simm.s32 $0x3E80;
	s5 =	sshll.u32 s4, $0x4  }
0x5: {  	s16 =	simm.s32 $0x0;
	s0 =	rddreg [dreg:$0x2];
	s5 =	sor.u32 s1, s5  }
0x6: {  	[smem:$0x7FF] =	sst s2;
	s4 =	ssub.s32 $0x2, s4;
	s5 =	smul.u32 $0xC40, s5  }
0x7: {  	s6 =	sadd.s32 $0x4E00, s3;
	s9 =	sadd.s32 $0xB000, s3;
	s31 =	sshrl.u32 s4, $0x1  }
0x8: {  	_ =	strace $0x8000004A;
	s11 =	ssub.s32 s4, s31;
	s8 =	sshrl.u32 s5, $0x3  }
0x9: {  	s10 =	sadd.s32 s8, s3;
	s3 =	sadd.s32 s6, s8;
	s12 =	sadd.s32 $0x3100, s8  }
0xa: {  	s4 =	sadd.s32 s9, s8;
	s7 =	sadd.s32 s7, s8;
	s5 =	sadd.s32 s6, s12  }
0xb: {  	s6 =	sadd.s32 s9, s12;
	s8 =	sadd.s32 $0x1400, s10;
	s9 =	smax.u32 s11, $0x1  }
0xc: {  	s10 =	simm.s32 $0x1;
	s11 =	simm.s32 $0xC80;
	s12 =	simm.s32 $0x1900  }
.LBB2_1:
0xd: {  	[tilespmem:s2], [sflag:$0x1] =	stream.linear.gather [hbm4b:s3+s2], $0xC40, $0x38;
	[tilespmem:$0x4B00] =	vst v63  }
0xe: {  	_ =	swait.ge [sflag:s10], $0xC40  }
0xf: {  	[sflag:s10] =	ssyncset.done $0x0  }
0x10: {  	[sflag:s10] =	ssyncadd.s32 $0xFFFFF3C0  }
0x11: {  	[tilespmem:s11], [sflag:$0x1] =	stream.linear.gather [hbm4b:s4+s2], $0xC40, $0x38;
	[tilespmem:$0x4B00] =	vst v63  }
0x12: {  	_ =	swait.ge [sflag:s10], $0xC40  }
0x13: {  	[sflag:s10] =	ssyncset.done $0x0  }
0x14: {  	[sflag:s10] =	ssyncadd.s32 $0xFFFFF3C0  }
0x15: {  	[tilespmem:s12], [sflag:$0x1] =	stream.linear.gather [hbm4b:s5+s2], $0xC40, $0x38;
	[tilespmem:$0x4B00] =	vst v63  }
0x16: {  	_ =	swait.ge [sflag:s10], $0xC40  }
0x17: {  	[sflag:s10] =	ssyncset.done $0x0  }
0x18: {  	[sflag:s10] =	ssyncadd.s32 $0xFFFFF3C0  }
0x19: {  	[tilespmem:s13], [sflag:$0x1] =	stream.linear.gather [hbm4b:s6+s2], $0xC40, $0x38;
	[tilespmem:$0x4B00] =	vst v63  }
0x1a: {  	_ =	swait.ge [sflag:s10], $0xC40  }
0x1b: {  	[sflag:s10] =	ssyncset.done $0x0  }
0x1c: {  	s17 =	simm.s32 $0x0;
	[sflag:s10] =	ssyncadd.s32 $0xFFFFF3C0  }
0x1d: {  	v0 =	vld [tilespmem:s17+$0xC80]  }
0x1e: {  	v2 =	vld [tilespmem:s17+$0x2580]  }
0x1f: {  	v1 =	vld [tilespmem:s17+$0x0]  }
0x20: {  	v3 =	vld [tilespmem:s17+$0x1900]  }
0x21: {  	s18 =	simm.s32 $0x40  }
.LBB2_2:
0x22: {  	s19 =	sshra.s32 s18, $0x2;
	p0 =	sne.s32 s18, $0x30C0  }
.Ltmp0:
0x23: {  	s18 =	sadd.s32 $0x40, s18;
	v4 =	vadd.f32 v2, v0;
	v0 =	vld [tilespmem:s19+$0xC80];
	(pc) =	sbr.rel @p0 .LBB2_2-.Ltmp0, $4  }
0x24: {  	v2 =	vld [tilespmem:s19+$0x2580]  }
0x25: {  	v5 =	vadd.f32 v3, v1;
	v1 =	vld [tilespmem:s19+$0x0];
	[tilespmem:s17+$0x3E80] =	vst v4  }
0x26: {  	v3 =	vld [tilespmem:s19+$0x1900]  }
0x27: {  	[tilespmem:s17+$0x3200] =	vst v5;
	s17 =	smov.u32 s19  }
0x28: {  	_ =	sdelay $0x1  }
0x29: {  	v0 =	vadd.f32 v2, v0  }
0x2a: {  	v1 =	vadd.f32 v3, v1  }
0x2b: {  	[tilespmem:s17+$0x3E80] =	vst v0  }
0x2c: {  	[tilespmem:s17+$0x3200] =	vst v1  }
0x2d: {  	[hbm4b:s7+s2] =	stream.linear.scatter [tilespmem:s14], [sflag:$0x1], $0xC40, $0x38;
	[tilespmem:$0x4B00] =	vst v63  }
0x2e: {  	s16 =	sadd.s32 $0x1, s16;
	_ =	swait.ge [sflag:s10], $0xC40  }
0x2f: {  	p0 =	sne.s32 s16, s9;
	[sflag:s10] =	ssyncset.done $0x0  }
.Ltmp1:
0x30: {  	[sflag:s10] =	ssyncadd.s32 $0xFFFFF3C0;
	(pc) =	sbr.rel @p0 .LBB2_1-.Ltmp1, $4  }
0x31: {  	[hbm4b:s8+s2] =	stream.linear.scatter [tilespmem:s15], [sflag:$0x1], $0xC40, $0x38;
	[tilespmem:$0x4B00] =	vst v63  }
0x32: {  	_ =	swait.ge [sflag:s10], $0xC40  }
0x33: {  	[sflag:s10] =	ssyncset.done $0x0  }
0x34: {  	[sflag:s10] =	ssyncadd.s32 $0xFFFFF3C0  }
0x35: {  	_ =	sfence.sel $0x180000  }
0x36: {  	[bflag:$0x0] =	sbarrier.arrive $0xFFFF  }
0x37: {  	p0 =	sne.s32 s1, $0x0;
	_ =	strace $0x9000004A  }
0x38: {  	s0 =	sadd.s32 @!p0 $0x100000, s0;
	[bflag:$0x2] =	sbarrier.arrive $0xFFFF  }
0x39: {  	[sflag:s0] =	ssyncadd.tile.s32 @!p0 $0x1;
	_ =	shalt  }
.Lfunc_end2:
_tile_overlayer_lowered:
.L_overlay_start_2:
0x3a: {  	(tag) =	ssettag $0x2  }
0x3b: {  	s0 =	rddreg [dreg:$0x0];
	s2 =	stileid.u32  }
0x3c: {  	s1 =	rddreg [dreg:$0x1];
	p0 =	sne.s32 s2, $0x0  }
0x3d: {  	s3 =	rddreg [dreg:$0x2];
	[bflag:$0x3] =	sbarrier.arrive $0xFFFF;
	s2 =	simm.s32 @!p0 $0x1C01  }
0x3e: {  	[timem:s3], [sflag:s2] =	dma.local @!p0 [hbm:s0], s1  }
0x3f: {  	s0 =	simm.s32 @!p0 $0x1  }
0x40: {  	_ =	swait.ge @!p0 [sflag:s0], s1  }
0x41: {  	s1 =	ssub.s32 @!p0 $0x0, s1;
	[sflag:s0] =	ssyncset.done @!p0 $0x0  }
0x42: {  	[sflag:s0] =	ssyncadd.s32 @!p0 s1  }
0x43: {  	[bflag:$0x3] =	sbarrier.arrive $0xFFFF  }
0x44: {  	_ =	shalt  }

</sc_bundles>
